<compile_context>
chip_gen: v7x
topology: tpu7x:2x2x1
jax: 0.10.2.dev20260603
libtpu: 0.0.44.dev20260713+nightly
codegen_flags: <defaults>
</compile_context>

<pallas_src>
import functools

import jax
import jax.numpy as jnp
from jax import lax
from jax.experimental import pallas as pl
from jax.experimental.pallas import tpu as pltpu
from jax.experimental.pallas import tpu_sc as plsc

NN = 10000
EE = 320000
HH = 128
GG = 64

NCORE = 2
NSUB = 16
NWORK = NCORE * NSUB
CHUNK = 128
NCHUNK = 80
EPAD = NCHUNK * CHUNK * NWORK
NPAD = 10112
RPT = NPAD // NSUB

NCA = 128
NCB = 32
NCMX = max(NCA, NCB)

BR = 32
NBLK = NPAD // BR
GP = 72


def _deg_sc_body(dst3, ones_h, zeros_h, pdeg, didx, ones_v, acc):
    c = lax.axis_index("c")
    s = lax.axis_index("s")
    w = s * NCORE + c
    r0 = s * RPT
    pltpu.sync_copy(zeros_h.at[pl.ds(r0, RPT)], acc.at[pl.ds(r0, RPT)])
    pltpu.sync_copy(ones_h, ones_v)
    pltpu.sync_copy(dst3.at[w], didx)
    plsc.subcore_barrier()

    def body(j, carry):
        pltpu.sync_copy(ones_v, acc.at[didx.at[j]], add=True)
        return carry

    lax.fori_loop(0, NCHUNK, body, 0)
    plsc.subcore_barrier()
    pltpu.sync_copy(acc.at[pl.ds(r0, RPT)], pdeg.at[c, pl.ds(r0, RPT)])


def _edge_pass_sc_body(y, srcA, dstA, srcB, dstB, zeros_h, pout, sidx, didx,
                       gbuf, acc, sem):
    c = lax.axis_index("c")
    s = lax.axis_index("s")
    r0 = s * RPT

    @pl.when(c == 0)
    def _():
        pltpu.sync_copy(y.at[pl.ds(r0, RPT)], acc.at[pl.ds(r0, RPT)])

    @pl.when(c != 0)
    def _():
        pltpu.sync_copy(zeros_h.at[pl.ds(r0, RPT)], acc.at[pl.ds(r0, RPT)])

    def body(j, carry):
        pltpu.async_copy(y.at[sidx.at[j]], gbuf, sem).wait()
        pltpu.sync_copy(gbuf, acc.at[didx.at[j]], add=True)
        return carry

    @pl.when(c == 0)
    def _():
        pltpu.sync_copy(srcA.at[s], sidx.at[pl.ds(0, NCA)])
        pltpu.sync_copy(dstA.at[s], didx.at[pl.ds(0, NCA)])
        plsc.subcore_barrier()
        lax.fori_loop(0, NCA, body, 0)

    @pl.when(c != 0)
    def _():
        pltpu.sync_copy(srcB.at[s], sidx.at[pl.ds(0, NCB)])
        pltpu.sync_copy(dstB.at[s], didx.at[pl.ds(0, NCB)])
        plsc.subcore_barrier()
        lax.fori_loop(0, NCB, body, 0)

    plsc.subcore_barrier()
    pltpu.sync_copy(acc.at[pl.ds(r0, RPT)], pout.at[c, pl.ds(r0, RPT)])


@functools.lru_cache(maxsize=None)
def _sc_mesh():
    return plsc.VectorSubcoreMesh(
        core_axis_name="c", subcore_axis_name="s",
        num_cores=NCORE, num_subcores=NSUB)


@functools.lru_cache(maxsize=None)
def _deg_sc():
    return pl.kernel(
        _deg_sc_body,
        out_type=jax.ShapeDtypeStruct((NCORE, NPAD, HH), jnp.float32),
        mesh=_sc_mesh(),
        scratch_types=[
            pltpu.VMEM((NCHUNK, CHUNK), jnp.int32),
            pltpu.VMEM((CHUNK, HH), jnp.float32),
            pltpu.VMEM_SHARED((NPAD, HH), jnp.float32),
        ],
    )


@functools.lru_cache(maxsize=None)
def _edge_pass_sc():
    return pl.kernel(
        _edge_pass_sc_body,
        out_type=jax.ShapeDtypeStruct((NCORE, NPAD, HH), jnp.float32),
        mesh=_sc_mesh(),
        scratch_types=[
            pltpu.VMEM((NCMX, CHUNK), jnp.int32),
            pltpu.VMEM((NCMX, CHUNK), jnp.int32),
            pltpu.VMEM((CHUNK, HH), jnp.float32),
            pltpu.VMEM_SHARED((NPAD, HH), jnp.float32),
            pltpu.SemaphoreType.DMA,
        ],
    )


def _run_deg(dst3, ones_h, zeros_h):
    return _deg_sc()(dst3, ones_h, zeros_h)


def _run_edge_pass(y, srcA, dstA, srcB, dstB, zeros_h):
    return _edge_pass_sc()(y, srcA, dstA, srcB, dstB, zeros_h)



def _prep_body(pdeg, dinv):
    deg = pdeg[0][:, 0:1] + pdeg[1][:, 0:1] + 1.0
    dinv[...] = jnp.broadcast_to(
        lax.rsqrt(jnp.maximum(deg, 1.0)), (NPAD, HH))


_prep_tc = pl.pallas_call(
    _prep_body,
    out_shape=jax.ShapeDtypeStruct((NPAD, HH), jnp.float32),
)


def _first_body(x, dinv, w1, y):
    y[...] = dinv[...] * jnp.dot(x[...], w1[...],
                                 preferred_element_type=jnp.float32)


_first_tc = pl.pallas_call(
    _first_body,
    out_shape=jax.ShapeDtypeStruct((NPAD, HH), jnp.float32),
)


def _layer_body(p, dinv, b, w, y):
    dv = dinv[...]
    h = jnp.maximum(dv * (p[0] + p[1]) + b[...], 0.0)
    y[...] = dv * jnp.dot(h, w[...], preferred_element_type=jnp.float32)


_layer_tc = pl.pallas_call(
    _layer_body,
    out_shape=jax.ShapeDtypeStruct((NPAD, HH), jnp.float32),
)


def _pool_body(bmm, p0, p1, dinv, b5, bvec, wlin, blin, out, acc):
    i = pl.program_id(0)

    @pl.when(i == 0)
    def _():
        acc[...] = jnp.full((GP, HH), -jnp.inf, jnp.float32)

    h = jnp.maximum(dinv[...] * (p0[...] + p1[...]) + b5[...], 0.0)
    bv = bvec[...]
    lo = bmm[0, 0, 0]
    hi = bmm[0, 0, 1]

    def body(g, carry):
        m = jnp.where(bv == g, h, -jnp.inf)
        mx = jnp.max(m, axis=0, keepdims=True)
        acc[pl.ds(g, 1), :] = jnp.maximum(acc[pl.ds(g, 1), :], mx)
        return carry

    lax.fori_loop(lo, hi + 1, body, 0)

    @pl.when(i == NBLK - 1)
    def _():
        out[...] = (jnp.dot(acc[0:GG, :], wlin[...],
                            preferred_element_type=jnp.float32) + blin[...])


def _make_pool(ncls):
    return pl.pallas_call(
        _pool_body,
        grid=(NBLK,),
        in_specs=[
            pl.BlockSpec((1, 1, 2), lambda i: (i, 0, 0), memory_space=pltpu.SMEM),
            pl.BlockSpec((BR, HH), lambda i: (i, 0)),
            pl.BlockSpec((BR, HH), lambda i: (i, 0)),
            pl.BlockSpec((BR, HH), lambda i: (i, 0)),
            pl.BlockSpec((1, HH), lambda i: (0, 0)),
            pl.BlockSpec((BR, 1), lambda i: (i, 0)),
            pl.BlockSpec((HH, ncls), lambda i: (0, 0)),
            pl.BlockSpec((1, ncls), lambda i: (0, 0)),
        ],
        out_specs=pl.BlockSpec((GG, ncls), lambda i: (0, 0)),
        out_shape=jax.ShapeDtypeStruct((GG, ncls), jnp.float32),
        scratch_shapes=[pltpu.VMEM((GP, HH), jnp.float32)],
    )



@jax.jit
def kernel(x, edge_index, batch, W1, b1, W2, b2, W3, b3, W4, b4, W5, b5,
           Wlin, blin):
    ncls = Wlin.shape[1]

    src = edge_index[0].astype(jnp.int32)
    dst = edge_index[1].astype(jnp.int32)
    pad_e = EPAD - EE
    srcp = jnp.concatenate([src, jnp.zeros((pad_e,), jnp.int32)])
    dstp = jnp.concatenate([dst, jnp.full((pad_e,), NN, jnp.int32)])
    dst3 = dstp.reshape(NWORK, NCHUNK, CHUNK)
    ea = NSUB * NCA * CHUNK
    srcA = srcp[:ea].reshape(NSUB, NCA, CHUNK)
    dstA = dstp[:ea].reshape(NSUB, NCA, CHUNK)
    srcB = srcp[ea:].reshape(NSUB, NCB, CHUNK)
    dstB = dstp[ea:].reshape(NSUB, NCB, CHUNK)

    xp = jnp.concatenate(
        [x, jnp.zeros((NPAD - NN, HH), jnp.float32)], axis=0)
    bp = jnp.concatenate(
        [batch.astype(jnp.int32), jnp.full((NPAD - NN,), GG, jnp.int32)])
    bvec = bp[:, None]
    b2d = bp.reshape(NBLK, BR)
    bmm = jnp.stack([b2d[:, 0], b2d[:, -1]], axis=1).reshape(NBLK, 1, 2)

    ones_h = jnp.ones((CHUNK, HH), jnp.float32)
    zeros_h = jnp.zeros((NPAD, HH), jnp.float32)

    biases = [b.reshape(1, HH) for b in (b1, b2, b3, b4, b5)]
    blin2 = blin.reshape(1, ncls)

    pdeg = _run_deg(dst3, ones_h, zeros_h)
    dinv = _prep_tc(pdeg)

    y = _first_tc(xp, dinv, W1)
    p = _run_edge_pass(y, srcA, dstA, srcB, dstB, zeros_h)
    for W, b in ((W2, biases[0]), (W3, biases[1]), (W4, biases[2]),
                 (W5, biases[3])):
        y = _layer_tc(p, dinv, b, W)
        p = _run_edge_pass(y, srcA, dstA, srcB, dstB, zeros_h)

    return _make_pool(ncls)(bmm, p[0], p[1], dinv, biases[4], bvec,
                            Wlin, blin2)

# --- scband reference (transcript-rebuilt; emitter-appended) ---
"""Pipeline reference for scband-robust-gnn-54150947668271 (READ-ONLY COPY).

The authoritative reference and input builder live on the scoring server;
editing this copy changes nothing except your own understanding.
"""

import jax, jax.numpy as jnp
import numpy as np

N = 10000
E = 320000
F_IN = 128
H = 128
C = 2
G = 64


def gcn_conv(x, edge_index, W, b):
    # GCNConv: D^{-1/2} (A + I) D^{-1/2} X W + b  (add_self_loops=True, normalize=True)
    src = edge_index[0]
    dst = edge_index[1]
    loop = jnp.arange(N, dtype=src.dtype)
    src = jnp.concatenate([src, loop])
    dst = jnp.concatenate([dst, loop])
    deg = jax.ops.segment_sum(jnp.ones(src.shape[0], dtype=x.dtype), dst, num_segments=N)
    dinv = jax.lax.rsqrt(jnp.maximum(deg, 1.0))
    norm = dinv[src] * dinv[dst]
    xw = x @ W
    msg = xw[src] * norm[:, None]
    out = jax.ops.segment_sum(msg, dst, num_segments=N)
    return out + b


def setup_inputs(seed: int = 0) -> dict:
    key = jax.random.key(seed)
    ks = jax.random.split(key, 16)
    x = jax.random.normal(ks[0], (N, F_IN), dtype=jnp.float32)
    edge_index = jax.random.randint(ks[1], (2, E), 0, N, dtype=jnp.int64)
    batch = jnp.sort(jax.random.randint(ks[2], (N,), 0, G, dtype=jnp.int64))
    W1 = jax.random.normal(ks[3], (F_IN, H), dtype=jnp.float32) * 0.05
    b1 = jnp.zeros((H,), dtype=jnp.float32)
    W2 = jax.random.normal(ks[4], (H, H), dtype=jnp.float32) * 0.05
    b2 = jnp.zeros((H,), dtype=jnp.float32)
    W3 = jax.random.normal(ks[5], (H, H), dtype=jnp.float32) * 0.05
    b3 = jnp.zeros((H,), dtype=jnp.float32)
    W4 = jax.random.normal(ks[6], (H, H), dtype=jnp.float32) * 0.05
    b4 = jnp.zeros((H,), dtype=jnp.float32)
    W5 = jax.random.normal(ks[7], (H, H), dtype=jnp.float32) * 0.05
    b5 = jnp.zeros((H,), dtype=jnp.float32)
    Wlin = jax.random.normal(ks[8], (H, C), dtype=jnp.float32) * 0.05
    blin = jnp.zeros((C,), dtype=jnp.float32)
    return {"x": x, "edge_index": edge_index, "batch": batch,
            "W1": W1, "b1": b1, "W2": W2, "b2": b2, "W3": W3, "b3": b3,
            "W4": W4, "b4": b4, "W5": W5, "b5": b5, "Wlin": Wlin, "blin": blin}


def reference(x, edge_index, batch, W1, b1, W2, b2, W3, b3, W4, b4, W5, b5, Wlin, blin):
    h = jax.nn.relu(gcn_conv(x, edge_index, W1, b1))
    h = jax.nn.relu(gcn_conv(h, edge_index, W2, b2))
    h = jax.nn.relu(gcn_conv(h, edge_index, W3, b3))
    h = jax.nn.relu(gcn_conv(h, edge_index, W4, b4))
    h = jax.nn.relu(gcn_conv(h, edge_index, W5, b5))
    pooled = jax.ops.segment_max(h, batch, num_segments=G)
    return pooled @ Wlin + blin

if __name__ == "__main__":
    import jax
    _d = setup_inputs()
    print(jax.jit(kernel)(*tuple(_d.values())))

</pallas_src>

<mosaic_0001>
#map = affine_map<(d0, d1) -> (0, 0)>
#map1 = affine_map<(d0, d1) -> (0, 0, 0)>
module attributes {stable_mosaic.version = 14 : i64} {
  func.func @_edge_pass_sc_body(%arg0: i32, %arg1: i32, %arg2: memref<10112x128xf32, #tpu.memory_space<hbm>>, %arg3: memref<16x128x128xi32, #tpu.memory_space<hbm>>, %arg4: memref<16x128x128xi32, #tpu.memory_space<hbm>>, %arg5: memref<16x32x128xi32, #tpu.memory_space<hbm>>, %arg6: memref<16x32x128xi32, #tpu.memory_space<hbm>>, %arg7: memref<10112x128xf32, #tpu.memory_space<hbm>>, %arg8: memref<2x10112x128xf32, #tpu.memory_space<hbm>>, %arg9: memref<128x128xi32, #tpu.memory_space<vmem>>, %arg10: memref<128x128xi32, #tpu.memory_space<vmem>>, %arg11: memref<128x128xf32, #tpu.memory_space<vmem>>, %arg12: memref<10112x128xf32, #tpu.memory_space<vmem_shared>>, %arg13: memref<!tpu.dma_semaphore, #tpu.memory_space<semaphore_mem>>) attributes {dimension_semantics = [#tpu.dimension_semantics<core_parallel>, #tpu.dimension_semantics<subcore_parallel>], iteration_bounds = array<i64: 2, 16>, scalar_prefetch = 0 : i64, scratch_operands = 5 : i64, tpu.core_type = #tpu.core_type<sc_vector_subcore>, window_params = [{transform_indices = #map}, {transform_indices = #map1}, {transform_indices = #map1}, {transform_indices = #map1}, {transform_indices = #map1}, {transform_indices = #map}, {transform_indices = #map1}]} {
    %mul3A = arith.constant 632 : i32
    %mul3A_0 = arith.muli %arg1, %mul3A : i32
    %eq3A = arith.constant 0 : i32
    %eq3A_1 = arith.cmpi eq, %arg0, %eq3A : i32
    %convert_element_type3A = arith.extui %eq3A_1 : i1 to i32
    %cond3A = arith.constant 0 : i32
    %cond3A_2 = arith.cmpi ne, %convert_element_type3A, %cond3A : i32
    scf.if %cond3A_2 {
      "tpu.region"() ({
        %run_scoped3A = tpu.sem_alloc : memref<!tpu.dma_semaphore, #tpu.memory_space<semaphore_mem>>
        %dma_start3A = arith.constant 0 : i32
        %dma_start3A_17 = tpu.memref_slice %arg12[%mul3A_0, %dma_start3A] : memref<10112x128xf32, #tpu.memory_space<vmem_shared>> -> memref<632x128xf32, #tpu.memory_space<vmem_shared>>
        %dma_start3A_18 = arith.constant 0 : i32
        %dma_start3A_19 = tpu.memref_slice %arg2[%mul3A_0, %dma_start3A_18] : memref<10112x128xf32, #tpu.memory_space<hbm>> -> memref<632x128xf32, #tpu.memory_space<hbm>>
        tpu.enqueue_dma source(%dma_start3A_19 : memref<632x128xf32, #tpu.memory_space<hbm>>) target(%dma_start3A_17 : memref<632x128xf32, #tpu.memory_space<vmem_shared>>) target_semaphore(%run_scoped3A : memref<!tpu.dma_semaphore, #tpu.memory_space<semaphore_mem>>)
        %dma_wait3A = arith.constant 0 : i32
        %dma_wait3A_20 = tpu.memref_slice %arg12[%mul3A_0, %dma_wait3A] : memref<10112x128xf32, #tpu.memory_space<vmem_shared>> -> memref<632x128xf32, #tpu.memory_space<vmem_shared>>
        %dma_wait3A_21 = arith.constant 0 : i32
        %dma_wait3A_22 = tpu.memref_slice %arg2[%mul3A_0, %dma_wait3A_21] : memref<10112x128xf32, #tpu.memory_space<hbm>> -> memref<632x128xf32, #tpu.memory_space<hbm>>
        tpu.wait_dma2 semaphore(%run_scoped3A : memref<!tpu.dma_semaphore, #tpu.memory_space<semaphore_mem>>) src(%dma_wait3A_22 : memref<632x128xf32, #tpu.memory_space<hbm>>) dst(%dma_wait3A_20 : memref<632x128xf32, #tpu.memory_space<vmem_shared>>)
        tpu.yield
      }) : () -> ()
    } else {
    }
    %ne3A = arith.constant 0 : i32
    %ne3A_3 = arith.cmpi ne, %arg0, %ne3A : i32
    %convert_element_type3A_4 = arith.extui %ne3A_3 : i1 to i32
    %cond3A_5 = arith.constant 0 : i32
    %cond3A_6 = arith.cmpi ne, %convert_element_type3A_4, %cond3A_5 : i32
    scf.if %cond3A_6 {
      "tpu.region"() ({
        %run_scoped3A = tpu.sem_alloc : memref<!tpu.dma_semaphore, #tpu.memory_space<semaphore_mem>>
        %dma_start3A = arith.constant 0 : i32
        %dma_start3A_17 = tpu.memref_slice %arg12[%mul3A_0, %dma_start3A] : memref<10112x128xf32, #tpu.memory_space<vmem_shared>> -> memref<632x128xf32, #tpu.memory_space<vmem_shared>>
        %dma_start3A_18 = arith.constant 0 : i32
        %dma_start3A_19 = tpu.memref_slice %arg7[%mul3A_0, %dma_start3A_18] : memref<10112x128xf32, #tpu.memory_space<hbm>> -> memref<632x128xf32, #tpu.memory_space<hbm>>
        tpu.enqueue_dma source(%dma_start3A_19 : memref<632x128xf32, #tpu.memory_space<hbm>>) target(%dma_start3A_17 : memref<632x128xf32, #tpu.memory_space<vmem_shared>>) target_semaphore(%run_scoped3A : memref<!tpu.dma_semaphore, #tpu.memory_space<semaphore_mem>>)
        %dma_wait3A = arith.constant 0 : i32
        %dma_wait3A_20 = tpu.memref_slice %arg12[%mul3A_0, %dma_wait3A] : memref<10112x128xf32, #tpu.memory_space<vmem_shared>> -> memref<632x128xf32, #tpu.memory_space<vmem_shared>>
        %dma_wait3A_21 = arith.constant 0 : i32
        %dma_wait3A_22 = tpu.memref_slice %arg7[%mul3A_0, %dma_wait3A_21] : memref<10112x128xf32, #tpu.memory_space<hbm>> -> memref<632x128xf32, #tpu.memory_space<hbm>>
        tpu.wait_dma2 semaphore(%run_scoped3A : memref<!tpu.dma_semaphore, #tpu.memory_space<semaphore_mem>>) src(%dma_wait3A_22 : memref<632x128xf32, #tpu.memory_space<hbm>>) dst(%dma_wait3A_20 : memref<632x128xf32, #tpu.memory_space<vmem_shared>>)
        tpu.yield
      }) : () -> ()
    } else {
    }
    %eq3A_7 = arith.constant 0 : i32
    %eq3A_8 = arith.cmpi eq, %arg0, %eq3A_7 : i32
    %convert_element_type3A_9 = arith.extui %eq3A_8 : i1 to i32
    %cond3A_10 = arith.constant 0 : i32
    %cond3A_11 = arith.cmpi ne, %convert_element_type3A_9, %cond3A_10 : i32
    scf.if %cond3A_11 {
      "tpu.region"() ({
        %run_scoped3A = tpu.sem_alloc : memref<!tpu.dma_semaphore, #tpu.memory_space<semaphore_mem>>
        %dma_start3A = arith.constant 0 : i32
        %dma_start3A_23 = arith.constant 0 : i32
        %dma_start3A_24 = tpu.memref_slice %arg9[%dma_start3A, %dma_start3A_23] : memref<128x128xi32, #tpu.memory_space<vmem>> -> memref<128x128xi32, #tpu.memory_space<vmem>>
        %dma_start3A_25 = arith.constant 0 : i32
        %dma_start3A_26 = arith.constant 0 : i32
        %dma_start3A_27 = tpu.memref_slice %arg3[%arg1, %dma_start3A_25, %dma_start3A_26] : memref<16x128x128xi32, #tpu.memory_space<hbm>> -> memref<1x128x128xi32, #tpu.memory_space<hbm>>
        %dma_start3A_28 = tpu.memref_squeeze %dma_start3A_27 : memref<1x128x128xi32, #tpu.memory_space<hbm>> -> memref<128x128xi32, #tpu.memory_space<hbm>>
        %dma_start3A_29 = arith.constant 0 : i32
        %dma_start3A_30 = arith.constant 0 : i32
        %dma_start3A_31 = tpu.memref_slice %arg9[%dma_start3A_29, %dma_start3A_30] : memref<128x128xi32, #tpu.memory_space<vmem>> -> memref<128x128xi32, #tpu.memory_space<vmem>>
        %dma_start3A_32 = arith.constant 0 : i32
        %dma_start3A_33 = arith.constant 0 : i32
        %dma_start3A_34 = tpu.memref_slice %arg3[%arg1, %dma_start3A_32, %dma_start3A_33] : memref<16x128x128xi32, #tpu.memory_space<hbm>> -> memref<1x128x128xi32, #tpu.memory_space<hbm>>
        %dma_start3A_35 = tpu.memref_squeeze %dma_start3A_34 : memref<1x128x128xi32, #tpu.memory_space<hbm>> -> memref<128x128xi32, #tpu.memory_space<hbm>>
        tpu.enqueue_dma source(%dma_start3A_35 : memref<128x128xi32, #tpu.memory_space<hbm>>) target(%dma_start3A_31 : memref<128x128xi32, #tpu.memory_space<vmem>>) target_semaphore(%run_scoped3A : memref<!tpu.dma_semaphore, #tpu.memory_space<semaphore_mem>>)
        %dma_wait3A = arith.constant 0 : i32
        %dma_wait3A_36 = arith.constant 0 : i32
        %dma_wait3A_37 = tpu.memref_slice %arg9[%dma_wait3A, %dma_wait3A_36] : memref<128x128xi32, #tpu.memory_space<vmem>> -> memref<128x128xi32, #tpu.memory_space<vmem>>
        %dma_wait3A_38 = arith.constant 0 : i32
        %dma_wait3A_39 = arith.constant 0 : i32
        %dma_wait3A_40 = tpu.memref_slice %arg3[%arg1, %dma_wait3A_38, %dma_wait3A_39] : memref<16x128x128xi32, #tpu.memory_space<hbm>> -> memref<1x128x128xi32, #tpu.memory_space<hbm>>
        %dma_wait3A_41 = tpu.memref_squeeze %dma_wait3A_40 : memref<1x128x128xi32, #tpu.memory_space<hbm>> -> memref<128x128xi32, #tpu.memory_space<hbm>>
        %dma_wait3A_42 = arith.constant 0 : i32
        %dma_wait3A_43 = arith.constant 0 : i32
        %dma_wait3A_44 = tpu.memref_slice %arg9[%dma_wait3A_42, %dma_wait3A_43] : memref<128x128xi32, #tpu.memory_space<vmem>> -> memref<128x128xi32, #tpu.memory_space<vmem>>
        %dma_wait3A_45 = arith.constant 0 : i32
        %dma_wait3A_46 = arith.constant 0 : i32
        %dma_wait3A_47 = tpu.memref_slice %arg3[%arg1, %dma_wait3A_45, %dma_wait3A_46] : memref<16x128x128xi32, #tpu.memory_space<hbm>> -> memref<1x128x128xi32, #tpu.memory_space<hbm>>
        %dma_wait3A_48 = tpu.memref_squeeze %dma_wait3A_47 : memref<1x128x128xi32, #tpu.memory_space<hbm>> -> memref<128x128xi32, #tpu.memory_space<hbm>>
        tpu.wait_dma2 semaphore(%run_scoped3A : memref<!tpu.dma_semaphore, #tpu.memory_space<semaphore_mem>>) src(%dma_wait3A_48 : memref<128x128xi32, #tpu.memory_space<hbm>>) dst(%dma_wait3A_44 : memref<128x128xi32, #tpu.memory_space<vmem>>)
        tpu.yield
      }) : () -> ()
      "tpu.region"() ({
        %run_scoped3A = tpu.sem_alloc : memref<!tpu.dma_semaphore, #tpu.memory_space<semaphore_mem>>
        %dma_start3A = arith.constant 0 : i32
        %dma_start3A_23 = arith.constant 0 : i32
        %dma_start3A_24 = tpu.memref_slice %arg10[%dma_start3A, %dma_start3A_23] : memref<128x128xi32, #tpu.memory_space<vmem>> -> memref<128x128xi32, #tpu.memory_space<vmem>>
        %dma_start3A_25 = arith.constant 0 : i32
        %dma_start3A_26 = arith.constant 0 : i32
        %dma_start3A_27 = tpu.memref_slice %arg4[%arg1, %dma_start3A_25, %dma_start3A_26] : memref<16x128x128xi32, #tpu.memory_space<hbm>> -> memref<1x128x128xi32, #tpu.memory_space<hbm>>
        %dma_start3A_28 = tpu.memref_squeeze %dma_start3A_27 : memref<1x128x128xi32, #tpu.memory_space<hbm>> -> memref<128x128xi32, #tpu.memory_space<hbm>>
        %dma_start3A_29 = arith.constant 0 : i32
        %dma_start3A_30 = arith.constant 0 : i32
        %dma_start3A_31 = tpu.memref_slice %arg10[%dma_start3A_29, %dma_start3A_30] : memref<128x128xi32, #tpu.memory_space<vmem>> -> memref<128x128xi32, #tpu.memory_space<vmem>>
        %dma_start3A_32 = arith.constant 0 : i32
        %dma_start3A_33 = arith.constant 0 : i32
        %dma_start3A_34 = tpu.memref_slice %arg4[%arg1, %dma_start3A_32, %dma_start3A_33] : memref<16x128x128xi32, #tpu.memory_space<hbm>> -> memref<1x128x128xi32, #tpu.memory_space<hbm>>
        %dma_start3A_35 = tpu.memref_squeeze %dma_start3A_34 : memref<1x128x128xi32, #tpu.memory_space<hbm>> -> memref<128x128xi32, #tpu.memory_space<hbm>>
        tpu.enqueue_dma source(%dma_start3A_35 : memref<128x128xi32, #tpu.memory_space<hbm>>) target(%dma_start3A_31 : memref<128x128xi32, #tpu.memory_space<vmem>>) target_semaphore(%run_scoped3A : memref<!tpu.dma_semaphore, #tpu.memory_space<semaphore_mem>>)
        %dma_wait3A = arith.constant 0 : i32
        %dma_wait3A_36 = arith.constant 0 : i32
        %dma_wait3A_37 = tpu.memref_slice %arg10[%dma_wait3A, %dma_wait3A_36] : memref<128x128xi32, #tpu.memory_space<vmem>> -> memref<128x128xi32, #tpu.memory_space<vmem>>
        %dma_wait3A_38 = arith.constant 0 : i32
        %dma_wait3A_39 = arith.constant 0 : i32
        %dma_wait3A_40 = tpu.memref_slice %arg4[%arg1, %dma_wait3A_38, %dma_wait3A_39] : memref<16x128x128xi32, #tpu.memory_space<hbm>> -> memref<1x128x128xi32, #tpu.memory_space<hbm>>
        %dma_wait3A_41 = tpu.memref_squeeze %dma_wait3A_40 : memref<1x128x128xi32, #tpu.memory_space<hbm>> -> memref<128x128xi32, #tpu.memory_space<hbm>>
        %dma_wait3A_42 = arith.constant 0 : i32
        %dma_wait3A_43 = arith.constant 0 : i32
        %dma_wait3A_44 = tpu.memref_slice %arg10[%dma_wait3A_42, %dma_wait3A_43] : memref<128x128xi32, #tpu.memory_space<vmem>> -> memref<128x128xi32, #tpu.memory_space<vmem>>
        %dma_wait3A_45 = arith.constant 0 : i32
        %dma_wait3A_46 = arith.constant 0 : i32
        %dma_wait3A_47 = tpu.memref_slice %arg4[%arg1, %dma_wait3A_45, %dma_wait3A_46] : memref<16x128x128xi32, #tpu.memory_space<hbm>> -> memref<1x128x128xi32, #tpu.memory_space<hbm>>
        %dma_wait3A_48 = tpu.memref_squeeze %dma_wait3A_47 : memref<1x128x128xi32, #tpu.memory_space<hbm>> -> memref<128x128xi32, #tpu.memory_space<hbm>>
        tpu.wait_dma2 semaphore(%run_scoped3A : memref<!tpu.dma_semaphore, #tpu.memory_space<semaphore_mem>>) src(%dma_wait3A_48 : memref<128x128xi32, #tpu.memory_space<hbm>>) dst(%dma_wait3A_44 : memref<128x128xi32, #tpu.memory_space<vmem>>)
        tpu.yield
      }) : () -> ()
      %barrier3A_17 = arith.constant 0 : index
      tpu.barrier barrier_id(%barrier3A_17)
      %scan3A = arith.constant 0 : i32
      %scan3A_18 = arith.constant 0 : i32
      %scan3A_19 = arith.constant 128 : i32
      %scan3A_20 = arith.addi %scan3A_18, %scan3A_19 : i32
      %scan3A_21 = arith.constant 1 : i32
      scf.for %scan3A_23 = %scan3A_18 to %scan3A_20 step %scan3A_21  : i32 {
        %dma_start3A = arith.constant 0 : i32
        %dma_start3A_24 = tpu.memref_slice %arg9[%scan3A_23, %dma_start3A] : memref<128x128xi32, #tpu.memory_space<vmem>> -> memref<1x128xi32, #tpu.memory_space<vmem>>
        %dma_start3A_25 = tpu.memref_squeeze %dma_start3A_24 : memref<1x128xi32, #tpu.memory_space<vmem>> -> memref<128xi32, #tpu.memory_space<vmem>>
        %dma_start3A_26 = arith.constant 0 : i32
        %dma_start3A_27 = arith.constant 0 : i32
        %dma_start3A_28 = tpu.memref_slice %arg2[%dma_start3A_26, %dma_start3A_27] : memref<10112x128xf32, #tpu.memory_space<hbm>> -> memref<10112x128xf32, #tpu.memory_space<hbm>>
        tpu.enqueue_indirect_dma source(%dma_start3A_28 : memref<10112x128xf32, #tpu.memory_space<hbm>>) target(%arg11 : memref<128x128xf32, #tpu.memory_space<vmem>>) offsets(%dma_start3A_25 : memref<128xi32, #tpu.memory_space<vmem>>) semaphore(%arg13 : memref<!tpu.dma_semaphore, #tpu.memory_space<semaphore_mem>>)
        %dma_wait3A = arith.constant 0 : i32
        %dma_wait3A_29 = tpu.memref_slice %arg9[%scan3A_23, %dma_wait3A] : memref<128x128xi32, #tpu.memory_space<vmem>> -> memref<1x128xi32, #tpu.memory_space<vmem>>
        %dma_wait3A_30 = tpu.memref_squeeze %dma_wait3A_29 : memref<1x128xi32, #tpu.memory_space<vmem>> -> memref<128xi32, #tpu.memory_space<vmem>>
        %dma_wait3A_31 = arith.constant 0 : i32
        %dma_wait3A_32 = arith.constant 0 : i32
        %dma_wait3A_33 = tpu.memref_slice %arg2[%dma_wait3A_31, %dma_wait3A_32] : memref<10112x128xf32, #tpu.memory_space<hbm>> -> memref<10112x128xf32, #tpu.memory_space<hbm>>
        tpu.wait_indirect_dma semaphore(%arg13 : memref<!tpu.dma_semaphore, #tpu.memory_space<semaphore_mem>>) src(%dma_wait3A_33 : memref<10112x128xf32, #tpu.memory_space<hbm>>) dst(%arg11 : memref<128x128xf32, #tpu.memory_space<vmem>>)
        "tpu.region"() ({
          %run_scoped3A = tpu.sem_alloc : memref<!tpu.dma_semaphore, #tpu.memory_space<semaphore_mem>>
          %dma_start3A_34 = arith.constant 0 : i32
          %dma_start3A_35 = tpu.memref_slice %arg10[%scan3A_23, %dma_start3A_34] : memref<128x128xi32, #tpu.memory_space<vmem>> -> memref<1x128xi32, #tpu.memory_space<vmem>>
          %dma_start3A_36 = tpu.memref_squeeze %dma_start3A_35 : memref<1x128xi32, #tpu.memory_space<vmem>> -> memref<128xi32, #tpu.memory_space<vmem>>
          %dma_start3A_37 = arith.constant 0 : i32
          %dma_start3A_38 = arith.constant 0 : i32
          %dma_start3A_39 = tpu.memref_slice %arg12[%dma_start3A_37, %dma_start3A_38] : memref<10112x128xf32, #tpu.memory_space<vmem_shared>> -> memref<10112x128xf32, #tpu.memory_space<vmem_shared>>
          tpu.enqueue_indirect_dma source(%arg11 : memref<128x128xf32, #tpu.memory_space<vmem>>) target(%dma_start3A_39 : memref<10112x128xf32, #tpu.memory_space<vmem_shared>>) offsets(%dma_start3A_36 : memref<128xi32, #tpu.memory_space<vmem>>) semaphore(%run_scoped3A : memref<!tpu.dma_semaphore, #tpu.memory_space<semaphore_mem>>) {add = true}
          %dma_wait3A_40 = arith.constant 0 : i32
          %dma_wait3A_41 = tpu.memref_slice %arg10[%scan3A_23, %dma_wait3A_40] : memref<128x128xi32, #tpu.memory_space<vmem>> -> memref<1x128xi32, #tpu.memory_space<vmem>>
          %dma_wait3A_42 = tpu.memref_squeeze %dma_wait3A_41 : memref<1x128xi32, #tpu.memory_space<vmem>> -> memref<128xi32, #tpu.memory_space<vmem>>
          %dma_wait3A_43 = arith.constant 0 : i32
          %dma_wait3A_44 = arith.constant 0 : i32
          %dma_wait3A_45 = tpu.memref_slice %arg12[%dma_wait3A_43, %dma_wait3A_44] : memref<10112x128xf32, #tpu.memory_space<vmem_shared>> -> memref<10112x128xf32, #tpu.memory_space<vmem_shared>>
          tpu.wait_indirect_dma semaphore(%run_scoped3A : memref<!tpu.dma_semaphore, #tpu.memory_space<semaphore_mem>>) src(%arg11 : memref<128x128xf32, #tpu.memory_space<vmem>>) dst(%dma_wait3A_45 : memref<10112x128xf32, #tpu.memory_space<vmem_shared>>)
          tpu.yield
        }) : () -> ()
      }
      %scan3A_22 = arith.constant 128 : i32
    } else {
    }
    %ne3A_12 = arith.constant 0 : i32
    %ne3A_13 = arith.cmpi ne, %arg0, %ne3A_12 : i32
    %convert_element_type3A_14 = arith.extui %ne3A_13 : i1 to i32
    %cond3A_15 = arith.constant 0 : i32
    %cond3A_16 = arith.cmpi ne, %convert_element_type3A_14, %cond3A_15 : i32
    scf.if %cond3A_16 {
      "tpu.region"() ({
        %run_scoped3A = tpu.sem_alloc : memref<!tpu.dma_semaphore, #tpu.memory_space<semaphore_mem>>
        %dma_start3A = arith.constant 0 : i32
        %dma_start3A_23 = arith.constant 0 : i32
        %dma_start3A_24 = tpu.memref_slice %arg9[%dma_start3A, %dma_start3A_23] : memref<128x128xi32, #tpu.memory_space<vmem>> -> memref<32x128xi32, #tpu.memory_space<vmem>>
        %dma_start3A_25 = arith.constant 0 : i32
        %dma_start3A_26 = arith.constant 0 : i32
        %dma_start3A_27 = tpu.memref_slice %arg5[%arg1, %dma_start3A_25, %dma_start3A_26] : memref<16x32x128xi32, #tpu.memory_space<hbm>> -> memref<1x32x128xi32, #tpu.memory_space<hbm>>
        %dma_start3A_28 = tpu.memref_squeeze %dma_start3A_27 : memref<1x32x128xi32, #tpu.memory_space<hbm>> -> memref<32x128xi32, #tpu.memory_space<hbm>>
        %dma_start3A_29 = arith.constant 0 : i32
        %dma_start3A_30 = arith.constant 0 : i32
        %dma_start3A_31 = tpu.memref_slice %arg9[%dma_start3A_29, %dma_start3A_30] : memref<128x128xi32, #tpu.memory_space<vmem>> -> memref<32x128xi32, #tpu.memory_space<vmem>>
        %dma_start3A_32 = arith.constant 0 : i32
        %dma_start3A_33 = arith.constant 0 : i32
        %dma_start3A_34 = tpu.memref_slice %arg5[%arg1, %dma_start3A_32, %dma_start3A_33] : memref<16x32x128xi32, #tpu.memory_space<hbm>> -> memref<1x32x128xi32, #tpu.memory_space<hbm>>
        %dma_start3A_35 = tpu.memref_squeeze %dma_start3A_34 : memref<1x32x128xi32, #tpu.memory_space<hbm>> -> memref<32x128xi32, #tpu.memory_space<hbm>>
        tpu.enqueue_dma source(%dma_start3A_35 : memref<32x128xi32, #tpu.memory_space<hbm>>) target(%dma_start3A_31 : memref<32x128xi32, #tpu.memory_space<vmem>>) target_semaphore(%run_scoped3A : memref<!tpu.dma_semaphore, #tpu.memory_space<semaphore_mem>>)
        %dma_wait3A = arith.constant 0 : i32
        %dma_wait3A_36 = arith.constant 0 : i32
        %dma_wait3A_37 = tpu.memref_slice %arg9[%dma_wait3A, %dma_wait3A_36] : memref<128x128xi32, #tpu.memory_space<vmem>> -> memref<32x128xi32, #tpu.memory_space<vmem>>
        %dma_wait3A_38 = arith.constant 0 : i32
        %dma_wait3A_39 = arith.constant 0 : i32
        %dma_wait3A_40 = tpu.memref_slice %arg5[%arg1, %dma_wait3A_38, %dma_wait3A_39] : memref<16x32x128xi32, #tpu.memory_space<hbm>> -> memref<1x32x128xi32, #tpu.memory_space<hbm>>
        %dma_wait3A_41 = tpu.memref_squeeze %dma_wait3A_40 : memref<1x32x128xi32, #tpu.memory_space<hbm>> -> memref<32x128xi32, #tpu.memory_space<hbm>>
        %dma_wait3A_42 = arith.constant 0 : i32
        %dma_wait3A_43 = arith.constant 0 : i32
        %dma_wait3A_44 = tpu.memref_slice %arg9[%dma_wait3A_42, %dma_wait3A_43] : memref<128x128xi32, #tpu.memory_space<vmem>> -> memref<32x128xi32, #tpu.memory_space<vmem>>
        %dma_wait3A_45 = arith.constant 0 : i32
        %dma_wait3A_46 = arith.constant 0 : i32
        %dma_wait3A_47 = tpu.memref_slice %arg5[%arg1, %dma_wait3A_45, %dma_wait3A_46] : memref<16x32x128xi32, #tpu.memory_space<hbm>> -> memref<1x32x128xi32, #tpu.memory_space<hbm>>
        %dma_wait3A_48 = tpu.memref_squeeze %dma_wait3A_47 : memref<1x32x128xi32, #tpu.memory_space<hbm>> -> memref<32x128xi32, #tpu.memory_space<hbm>>
        tpu.wait_dma2 semaphore(%run_scoped3A : memref<!tpu.dma_semaphore, #tpu.memory_space<semaphore_mem>>) src(%dma_wait3A_48 : memref<32x128xi32, #tpu.memory_space<hbm>>) dst(%dma_wait3A_44 : memref<32x128xi32, #tpu.memory_space<vmem>>)
        tpu.yield
      }) : () -> ()
      "tpu.region"() ({
        %run_scoped3A = tpu.sem_alloc : memref<!tpu.dma_semaphore, #tpu.memory_space<semaphore_mem>>
        %dma_start3A = arith.constant 0 : i32
        %dma_start3A_23 = arith.constant 0 : i32
        %dma_start3A_24 = tpu.memref_slice %arg10[%dma_start3A, %dma_start3A_23] : memref<128x128xi32, #tpu.memory_space<vmem>> -> memref<32x128xi32, #tpu.memory_space<vmem>>
        %dma_start3A_25 = arith.constant 0 : i32
        %dma_start3A_26 = arith.constant 0 : i32
        %dma_start3A_27 = tpu.memref_slice %arg6[%arg1, %dma_start3A_25, %dma_start3A_26] : memref<16x32x128xi32, #tpu.memory_space<hbm>> -> memref<1x32x128xi32, #tpu.memory_space<hbm>>
        %dma_start3A_28 = tpu.memref_squeeze %dma_start3A_27 : memref<1x32x128xi32, #tpu.memory_space<hbm>> -> memref<32x128xi32, #tpu.memory_space<hbm>>
        %dma_start3A_29 = arith.constant 0 : i32
        %dma_start3A_30 = arith.constant 0 : i32
        %dma_start3A_31 = tpu.memref_slice %arg10[%dma_start3A_29, %dma_start3A_30] : memref<128x128xi32, #tpu.memory_space<vmem>> -> memref<32x128xi32, #tpu.memory_space<vmem>>
        %dma_start3A_32 = arith.constant 0 : i32
        %dma_start3A_33 = arith.constant 0 : i32
        %dma_start3A_34 = tpu.memref_slice %arg6[%arg1, %dma_start3A_32, %dma_start3A_33] : memref<16x32x128xi32, #tpu.memory_space<hbm>> -> memref<1x32x128xi32, #tpu.memory_space<hbm>>
        %dma_start3A_35 = tpu.memref_squeeze %dma_start3A_34 : memref<1x32x128xi32, #tpu.memory_space<hbm>> -> memref<32x128xi32, #tpu.memory_space<hbm>>
        tpu.enqueue_dma source(%dma_start3A_35 : memref<32x128xi32, #tpu.memory_space<hbm>>) target(%dma_start3A_31 : memref<32x128xi32, #tpu.memory_space<vmem>>) target_semaphore(%run_scoped3A : memref<!tpu.dma_semaphore, #tpu.memory_space<semaphore_mem>>)
        %dma_wait3A = arith.constant 0 : i32
        %dma_wait3A_36 = arith.constant 0 : i32
        %dma_wait3A_37 = tpu.memref_slice %arg10[%dma_wait3A, %dma_wait3A_36] : memref<128x128xi32, #tpu.memory_space<vmem>> -> memref<32x128xi32, #tpu.memory_space<vmem>>
        %dma_wait3A_38 = arith.constant 0 : i32
        %dma_wait3A_39 = arith.constant 0 : i32
        %dma_wait3A_40 = tpu.memref_slice %arg6[%arg1, %dma_wait3A_38, %dma_wait3A_39] : memref<16x32x128xi32, #tpu.memory_space<hbm>> -> memref<1x32x128xi32, #tpu.memory_space<hbm>>
        %dma_wait3A_41 = tpu.memref_squeeze %dma_wait3A_40 : memref<1x32x128xi32, #tpu.memory_space<hbm>> -> memref<32x128xi32, #tpu.memory_space<hbm>>
        %dma_wait3A_42 = arith.constant 0 : i32
        %dma_wait3A_43 = arith.constant 0 : i32
        %dma_wait3A_44 = tpu.memref_slice %arg10[%dma_wait3A_42, %dma_wait3A_43] : memref<128x128xi32, #tpu.memory_space<vmem>> -> memref<32x128xi32, #tpu.memory_space<vmem>>
        %dma_wait3A_45 = arith.constant 0 : i32
        %dma_wait3A_46 = arith.constant 0 : i32
        %dma_wait3A_47 = tpu.memref_slice %arg6[%arg1, %dma_wait3A_45, %dma_wait3A_46] : memref<16x32x128xi32, #tpu.memory_space<hbm>> -> memref<1x32x128xi32, #tpu.memory_space<hbm>>
        %dma_wait3A_48 = tpu.memref_squeeze %dma_wait3A_47 : memref<1x32x128xi32, #tpu.memory_space<hbm>> -> memref<32x128xi32, #tpu.memory_space<hbm>>
        tpu.wait_dma2 semaphore(%run_scoped3A : memref<!tpu.dma_semaphore, #tpu.memory_space<semaphore_mem>>) src(%dma_wait3A_48 : memref<32x128xi32, #tpu.memory_space<hbm>>) dst(%dma_wait3A_44 : memref<32x128xi32, #tpu.memory_space<vmem>>)
        tpu.yield
      }) : () -> ()
      %barrier3A_17 = arith.constant 0 : index
      tpu.barrier barrier_id(%barrier3A_17)
      %scan3A = arith.constant 0 : i32
      %scan3A_18 = arith.constant 0 : i32
      %scan3A_19 = arith.constant 32 : i32
      %scan3A_20 = arith.addi %scan3A_18, %scan3A_19 : i32
      %scan3A_21 = arith.constant 1 : i32
      scf.for %scan3A_23 = %scan3A_18 to %scan3A_20 step %scan3A_21  : i32 {
        %dma_start3A = arith.constant 0 : i32
        %dma_start3A_24 = tpu.memref_slice %arg9[%scan3A_23, %dma_start3A] : memref<128x128xi32, #tpu.memory_space<vmem>> -> memref<1x128xi32, #tpu.memory_space<vmem>>
        %dma_start3A_25 = tpu.memref_squeeze %dma_start3A_24 : memref<1x128xi32, #tpu.memory_space<vmem>> -> memref<128xi32, #tpu.memory_space<vmem>>
        %dma_start3A_26 = arith.constant 0 : i32
        %dma_start3A_27 = arith.constant 0 : i32
        %dma_start3A_28 = tpu.memref_slice %arg2[%dma_start3A_26, %dma_start3A_27] : memref<10112x128xf32, #tpu.memory_space<hbm>> -> memref<10112x128xf32, #tpu.memory_space<hbm>>
        tpu.enqueue_indirect_dma source(%dma_start3A_28 : memref<10112x128xf32, #tpu.memory_space<hbm>>) target(%arg11 : memref<128x128xf32, #tpu.memory_space<vmem>>) offsets(%dma_start3A_25 : memref<128xi32, #tpu.memory_space<vmem>>) semaphore(%arg13 : memref<!tpu.dma_semaphore, #tpu.memory_space<semaphore_mem>>)
        %dma_wait3A = arith.constant 0 : i32
        %dma_wait3A_29 = tpu.memref_slice %arg9[%scan3A_23, %dma_wait3A] : memref<128x128xi32, #tpu.memory_space<vmem>> -> memref<1x128xi32, #tpu.memory_space<vmem>>
        %dma_wait3A_30 = tpu.memref_squeeze %dma_wait3A_29 : memref<1x128xi32, #tpu.memory_space<vmem>> -> memref<128xi32, #tpu.memory_space<vmem>>
        %dma_wait3A_31 = arith.constant 0 : i32
        %dma_wait3A_32 = arith.constant 0 : i32
        %dma_wait3A_33 = tpu.memref_slice %arg2[%dma_wait3A_31, %dma_wait3A_32] : memref<10112x128xf32, #tpu.memory_space<hbm>> -> memref<10112x128xf32, #tpu.memory_space<hbm>>
        tpu.wait_indirect_dma semaphore(%arg13 : memref<!tpu.dma_semaphore, #tpu.memory_space<semaphore_mem>>) src(%dma_wait3A_33 : memref<10112x128xf32, #tpu.memory_space<hbm>>) dst(%arg11 : memref<128x128xf32, #tpu.memory_space<vmem>>)
        "tpu.region"() ({
          %run_scoped3A = tpu.sem_alloc : memref<!tpu.dma_semaphore, #tpu.memory_space<semaphore_mem>>
          %dma_start3A_34 = arith.constant 0 : i32
          %dma_start3A_35 = tpu.memref_slice %arg10[%scan3A_23, %dma_start3A_34] : memref<128x128xi32, #tpu.memory_space<vmem>> -> memref<1x128xi32, #tpu.memory_space<vmem>>
          %dma_start3A_36 = tpu.memref_squeeze %dma_start3A_35 : memref<1x128xi32, #tpu.memory_space<vmem>> -> memref<128xi32, #tpu.memory_space<vmem>>
          %dma_start3A_37 = arith.constant 0 : i32
          %dma_start3A_38 = arith.constant 0 : i32
          %dma_start3A_39 = tpu.memref_slice %arg12[%dma_start3A_37, %dma_start3A_38] : memref<10112x128xf32, #tpu.memory_space<vmem_shared>> -> memref<10112x128xf32, #tpu.memory_space<vmem_shared>>
          tpu.enqueue_indirect_dma source(%arg11 : memref<128x128xf32, #tpu.memory_space<vmem>>) target(%dma_start3A_39 : memref<10112x128xf32, #tpu.memory_space<vmem_shared>>) offsets(%dma_start3A_36 : memref<128xi32, #tpu.memory_space<vmem>>) semaphore(%run_scoped3A : memref<!tpu.dma_semaphore, #tpu.memory_space<semaphore_mem>>) {add = true}
          %dma_wait3A_40 = arith.constant 0 : i32
          %dma_wait3A_41 = tpu.memref_slice %arg10[%scan3A_23, %dma_wait3A_40] : memref<128x128xi32, #tpu.memory_space<vmem>> -> memref<1x128xi32, #tpu.memory_space<vmem>>
          %dma_wait3A_42 = tpu.memref_squeeze %dma_wait3A_41 : memref<1x128xi32, #tpu.memory_space<vmem>> -> memref<128xi32, #tpu.memory_space<vmem>>
          %dma_wait3A_43 = arith.constant 0 : i32
          %dma_wait3A_44 = arith.constant 0 : i32
          %dma_wait3A_45 = tpu.memref_slice %arg12[%dma_wait3A_43, %dma_wait3A_44] : memref<10112x128xf32, #tpu.memory_space<vmem_shared>> -> memref<10112x128xf32, #tpu.memory_space<vmem_shared>>
          tpu.wait_indirect_dma semaphore(%run_scoped3A : memref<!tpu.dma_semaphore, #tpu.memory_space<semaphore_mem>>) src(%arg11 : memref<128x128xf32, #tpu.memory_space<vmem>>) dst(%dma_wait3A_45 : memref<10112x128xf32, #tpu.memory_space<vmem_shared>>)
          tpu.yield
        }) : () -> ()
      }
      %scan3A_22 = arith.constant 32 : i32
    } else {
    }
    %barrier3A = arith.constant 0 : index
    tpu.barrier barrier_id(%barrier3A)
    "tpu.region"() ({
      %run_scoped3A = tpu.sem_alloc : memref<!tpu.dma_semaphore, #tpu.memory_space<semaphore_mem>>
      %dma_start3A = arith.constant 0 : i32
      %dma_start3A_17 = tpu.memref_slice %arg8[%arg0, %mul3A_0, %dma_start3A] : memref<2x10112x128xf32, #tpu.memory_space<hbm>> -> memref<1x632x128xf32, #tpu.memory_space<hbm>>
      %dma_start3A_18 = tpu.memref_squeeze %dma_start3A_17 : memref<1x632x128xf32, #tpu.memory_space<hbm>> -> memref<632x128xf32, #tpu.memory_space<hbm>>
      %dma_start3A_19 = arith.constant 0 : i32
      %dma_start3A_20 = tpu.memref_slice %arg12[%mul3A_0, %dma_start3A_19] : memref<10112x128xf32, #tpu.memory_space<vmem_shared>> -> memref<632x128xf32, #tpu.memory_space<vmem_shared>>
      tpu.enqueue_dma source(%dma_start3A_20 : memref<632x128xf32, #tpu.memory_space<vmem_shared>>) target(%dma_start3A_18 : memref<632x128xf32, #tpu.memory_space<hbm>>) target_semaphore(%run_scoped3A : memref<!tpu.dma_semaphore, #tpu.memory_space<semaphore_mem>>)
      %dma_wait3A = arith.constant 0 : i32
      %dma_wait3A_21 = tpu.memref_slice %arg8[%arg0, %mul3A_0, %dma_wait3A] : memref<2x10112x128xf32, #tpu.memory_space<hbm>> -> memref<1x632x128xf32, #tpu.memory_space<hbm>>
      %dma_wait3A_22 = tpu.memref_squeeze %dma_wait3A_21 : memref<1x632x128xf32, #tpu.memory_space<hbm>> -> memref<632x128xf32, #tpu.memory_space<hbm>>
      %dma_wait3A_23 = arith.constant 0 : i32
      %dma_wait3A_24 = tpu.memref_slice %arg12[%mul3A_0, %dma_wait3A_23] : memref<10112x128xf32, #tpu.memory_space<vmem_shared>> -> memref<632x128xf32, #tpu.memory_space<vmem_shared>>
      tpu.wait_dma2 semaphore(%run_scoped3A : memref<!tpu.dma_semaphore, #tpu.memory_space<semaphore_mem>>) src(%dma_wait3A_24 : memref<632x128xf32, #tpu.memory_space<vmem_shared>>) dst(%dma_wait3A_22 : memref<632x128xf32, #tpu.memory_space<hbm>>)
      tpu.yield
    }) : () -> ()
    return
  }
}

#map = affine_map<(d0, d1) -> (0, 0)>
#map1 = affine_map<(d0, d1) -> (0, 0, 0)>
module attributes {stable_mosaic.version = 14 : i64} {
  func.func @_edge_pass_sc_body(%arg0: i32, %arg1: i32, %arg2: memref<10112x128xf32, #tpu.memory_space<hbm>>, %arg3: memref<16x128x128xi32, #tpu.memory_space<hbm>>, %arg4: memref<16x128x128xi32, #tpu.memory_space<hbm>>, %arg5: memref<16x32x128xi32, #tpu.memory_space<hbm>>, %arg6: memref<16x32x128xi32, #tpu.memory_space<hbm>>, %arg7: memref<10112x128xf32, #tpu.memory_space<hbm>>, %arg8: memref<2x10112x128xf32, #tpu.memory_space<hbm>>, %arg9: memref<128x128xi32, #tpu.memory_space<vmem>>, %arg10: memref<128x128xi32, #tpu.memory_space<vmem>>, %arg11: memref<128x128xf32, #tpu.memory_space<vmem>>, %arg12: memref<10112x128xf32, #tpu.memory_space<vmem_shared>>, %arg13: memref<!tpu.dma_semaphore, #tpu.memory_space<semaphore_mem>>) attributes {dimension_semantics = [#tpu.dimension_semantics<core_parallel>, #tpu.dimension_semantics<subcore_parallel>], iteration_bounds = array<i64: 2, 16>, scalar_prefetch = 0 : i64, scratch_operands = 5 : i64, tpu.core_type = #tpu.core_type<sc_vector_subcore>, window_params = [{transform_indices = #map}, {transform_indices = #map1}, {transform_indices = #map1}, {transform_indices = #map1}, {transform_indices = #map1}, {transform_indices = #map}, {transform_indices = #map1}]} {
    %mul3A = arith.constant 632 : i32
    %mul3A_0 = arith.muli %arg1, %mul3A : i32
    %eq3A = arith.constant 0 : i32
    %eq3A_1 = arith.cmpi eq, %arg0, %eq3A : i32
    %convert_element_type3A = arith.extui %eq3A_1 : i1 to i32
    %cond3A = arith.constant 0 : i32
    %cond3A_2 = arith.cmpi ne, %convert_element_type3A, %cond3A : i32
    scf.if %cond3A_2 {
      "tpu.region"() ({
        %run_scoped3A = tpu.sem_alloc : memref<!tpu.dma_semaphore, #tpu.memory_space<semaphore_mem>>
        %dma_start3A = arith.constant 0 : i32
        %dma_start3A_17 = tpu.memref_slice %arg12[%mul3A_0, %dma_start3A] : memref<10112x128xf32, #tpu.memory_space<vmem_shared>> -> memref<632x128xf32, #tpu.memory_space<vmem_shared>>
        %dma_start3A_18 = arith.constant 0 : i32
        %dma_start3A_19 = tpu.memref_slice %arg2[%mul3A_0, %dma_start3A_18] : memref<10112x128xf32, #tpu.memory_space<hbm>> -> memref<632x128xf32, #tpu.memory_space<hbm>>
        tpu.enqueue_dma source(%dma_start3A_19 : memref<632x128xf32, #tpu.memory_space<hbm>>) target(%dma_start3A_17 : memref<632x128xf32, #tpu.memory_space<vmem_shared>>) target_semaphore(%run_scoped3A : memref<!tpu.dma_semaphore, #tpu.memory_space<semaphore_mem>>)
        %dma_wait3A = arith.constant 0 : i32
        %dma_wait3A_20 = tpu.memref_slice %arg12[%mul3A_0, %dma_wait3A] : memref<10112x128xf32, #tpu.memory_space<vmem_shared>> -> memref<632x128xf32, #tpu.memory_space<vmem_shared>>
        %dma_wait3A_21 = arith.constant 0 : i32
        %dma_wait3A_22 = tpu.memref_slice %arg2[%mul3A_0, %dma_wait3A_21] : memref<10112x128xf32, #tpu.memory_space<hbm>> -> memref<632x128xf32, #tpu.memory_space<hbm>>
        tpu.wait_dma2 semaphore(%run_scoped3A : memref<!tpu.dma_semaphore, #tpu.memory_space<semaphore_mem>>) src(%dma_wait3A_22 : memref<632x128xf32, #tpu.memory_space<hbm>>) dst(%dma_wait3A_20 : memref<632x128xf32, #tpu.memory_space<vmem_shared>>)
        tpu.yield
      }) : () -> ()
    } else {
    }
    %ne3A = arith.constant 0 : i32
    %ne3A_3 = arith.cmpi ne, %arg0, %ne3A : i32
    %convert_element_type3A_4 = arith.extui %ne3A_3 : i1 to i32
    %cond3A_5 = arith.constant 0 : i32
    %cond3A_6 = arith.cmpi ne, %convert_element_type3A_4, %cond3A_5 : i32
    scf.if %cond3A_6 {
      "tpu.region"() ({
        %run_scoped3A = tpu.sem_alloc : memref<!tpu.dma_semaphore, #tpu.memory_space<semaphore_mem>>
        %dma_start3A = arith.constant 0 : i32
        %dma_start3A_17 = tpu.memref_slice %arg12[%mul3A_0, %dma_start3A] : memref<10112x128xf32, #tpu.memory_space<vmem_shared>> -> memref<632x128xf32, #tpu.memory_space<vmem_shared>>
        %dma_start3A_18 = arith.constant 0 : i32
        %dma_start3A_19 = tpu.memref_slice %arg7[%mul3A_0, %dma_start3A_18] : memref<10112x128xf32, #tpu.memory_space<hbm>> -> memref<632x128xf32, #tpu.memory_space<hbm>>
        tpu.enqueue_dma source(%dma_start3A_19 : memref<632x128xf32, #tpu.memory_space<hbm>>) target(%dma_start3A_17 : memref<632x128xf32, #tpu.memory_space<vmem_shared>>) target_semaphore(%run_scoped3A : memref<!tpu.dma_semaphore, #tpu.memory_space<semaphore_mem>>)
        %dma_wait3A = arith.constant 0 : i32
        %dma_wait3A_20 = tpu.memref_slice %arg12[%mul3A_0, %dma_wait3A] : memref<10112x128xf32, #tpu.memory_space<vmem_shared>> -> memref<632x128xf32, #tpu.memory_space<vmem_shared>>
        %dma_wait3A_21 = arith.constant 0 : i32
        %dma_wait3A_22 = tpu.memref_slice %arg7[%mul3A_0, %dma_wait3A_21] : memref<10112x128xf32, #tpu.memory_space<hbm>> -> memref<632x128xf32, #tpu.memory_space<hbm>>
        tpu.wait_dma2 semaphore(%run_scoped3A : memref<!tpu.dma_semaphore, #tpu.memory_space<semaphore_mem>>) src(%dma_wait3A_22 : memref<632x128xf32, #tpu.memory_space<hbm>>) dst(%dma_wait3A_20 : memref<632x128xf32, #tpu.memory_space<vmem_shared>>)
        tpu.yield
      }) : () -> ()
    } else {
    }
    %eq3A_7 = arith.constant 0 : i32
    %eq3A_8 = arith.cmpi eq, %arg0, %eq3A_7 : i32
    %convert_element_type3A_9 = arith.extui %eq3A_8 : i1 to i32
    %cond3A_10 = arith.constant 0 : i32
    %cond3A_11 = arith.cmpi ne, %convert_element_type3A_9, %cond3A_10 : i32
    scf.if %cond3A_11 {
      "tpu.region"() ({
        %run_scoped3A = tpu.sem_alloc : memref<!tpu.dma_semaphore, #tpu.memory_space<semaphore_mem>>
        %dma_start3A = arith.constant 0 : i32
        %dma_start3A_23 = arith.constant 0 : i32
        %dma_start3A_24 = tpu.memref_slice %arg9[%dma_start3A, %dma_start3A_23] : memref<128x128xi32, #tpu.memory_space<vmem>> -> memref<128x128xi32, #tpu.memory_space<vmem>>
        %dma_start3A_25 = arith.constant 0 : i32
        %dma_start3A_26 = arith.constant 0 : i32
        %dma_start3A_27 = tpu.memref_slice %arg3[%arg1, %dma_start3A_25, %dma_start3A_26] : memref<16x128x128xi32, #tpu.memory_space<hbm>> -> memref<1x128x128xi32, #tpu.memory_space<hbm>>
        %dma_start3A_28 = tpu.memref_squeeze %dma_start3A_27 : memref<1x128x128xi32, #tpu.memory_space<hbm>> -> memref<128x128xi32, #tpu.memory_space<hbm>>
        %dma_start3A_29 = arith.constant 0 : i32
        %dma_start3A_30 = arith.constant 0 : i32
        %dma_start3A_31 = tpu.memref_slice %arg9[%dma_start3A_29, %dma_start3A_30] : memref<128x128xi32, #tpu.memory_space<vmem>> -> memref<128x128xi32, #tpu.memory_space<vmem>>
        %dma_start3A_32 = arith.constant 0 : i32
        %dma_start3A_33 = arith.constant 0 : i32
        %dma_start3A_34 = tpu.memref_slice %arg3[%arg1, %dma_start3A_32, %dma_start3A_33] : memref<16x128x128xi32, #tpu.memory_space<hbm>> -> memref<1x128x128xi32, #tpu.memory_space<hbm>>
        %dma_start3A_35 = tpu.memref_squeeze %dma_start3A_34 : memref<1x128x128xi32, #tpu.memory_space<hbm>> -> memref<128x128xi32, #tpu.memory_space<hbm>>
        tpu.enqueue_dma source(%dma_start3A_35 : memref<128x128xi32, #tpu.memory_space<hbm>>) target(%dma_start3A_31 : memref<128x128xi32, #tpu.memory_space<vmem>>) target_semaphore(%run_scoped3A : memref<!tpu.dma_semaphore, #tpu.memory_space<semaphore_mem>>)
        %dma_wait3A = arith.constant 0 : i32
        %dma_wait3A_36 = arith.constant 0 : i32
        %dma_wait3A_37 = tpu.memref_slice %arg9[%dma_wait3A, %dma_wait3A_36] : memref<128x128xi32, #tpu.memory_space<vmem>> -> memref<128x128xi32, #tpu.memory_space<vmem>>
        %dma_wait3A_38 = arith.constant 0 : i32
        %dma_wait3A_39 = arith.constant 0 : i32
        %dma_wait3A_40 = tpu.memref_slice %arg3[%arg1, %dma_wait3A_38, %dma_wait3A_39] : memref<16x128x128xi32, #tpu.memory_space<hbm>> -> memref<1x128x128xi32, #tpu.memory_space<hbm>>
        %dma_wait3A_41 = tpu.memref_squeeze %dma_wait3A_40 : memref<1x128x128xi32, #tpu.memory_space<hbm>> -> memref<128x128xi32, #tpu.memory_space<hbm>>
        %dma_wait3A_42 = arith.constant 0 : i32
        %dma_wait3A_43 = arith.constant 0 : i32
        %dma_wait3A_44 = tpu.memref_slice %arg9[%dma_wait3A_42, %dma_wait3A_43] : memref<128x128xi32, #tpu.memory_space<vmem>> -> memref<128x128xi32, #tpu.memory_space<vmem>>
        %dma_wait3A_45 = arith.constant 0 : i32
        %dma_wait3A_46 = arith.constant 0 : i32
        %dma_wait3A_47 = tpu.memref_slice %arg3[%arg1, %dma_wait3A_45, %dma_wait3A_46] : memref<16x128x128xi32, #tpu.memory_space<hbm>> -> memref<1x128x128xi32, #tpu.memory_space<hbm>>
        %dma_wait3A_48 = tpu.memref_squeeze %dma_wait3A_47 : memref<1x128x128xi32, #tpu.memory_space<hbm>> -> memref<128x128xi32, #tpu.memory_space<hbm>>
        tpu.wait_dma2 semaphore(%run_scoped3A : memref<!tpu.dma_semaphore, #tpu.memory_space<semaphore_mem>>) src(%dma_wait3A_48 : memref<128x128xi32, #tpu.memory_space<hbm>>) dst(%dma_wait3A_44 : memref<128x128xi32, #tpu.memory_space<vmem>>)
        tpu.yield
      }) : () -> ()
      "tpu.region"() ({
        %run_scoped3A = tpu.sem_alloc : memref<!tpu.dma_semaphore, #tpu.memory_space<semaphore_mem>>
        %dma_start3A = arith.constant 0 : i32
        %dma_start3A_23 = arith.constant 0 : i32
        %dma_start3A_24 = tpu.memref_slice %arg10[%dma_start3A, %dma_start3A_23] : memref<128x128xi32, #tpu.memory_space<vmem>> -> memref<128x128xi32, #tpu.memory_space<vmem>>
        %dma_start3A_25 = arith.constant 0 : i32
        %dma_start3A_26 = arith.constant 0 : i32
        %dma_start3A_27 = tpu.memref_slice %arg4[%arg1, %dma_start3A_25, %dma_start3A_26] : memref<16x128x128xi32, #tpu.memory_space<hbm>> -> memref<1x128x128xi32, #tpu.memory_space<hbm>>
        %dma_start3A_28 = tpu.memref_squeeze %dma_start3A_27 : memref<1x128x128xi32, #tpu.memory_space<hbm>> -> memref<128x128xi32, #tpu.memory_space<hbm>>
        %dma_start3A_29 = arith.constant 0 : i32
        %dma_start3A_30 = arith.constant 0 : i32
        %dma_start3A_31 = tpu.memref_slice %arg10[%dma_start3A_29, %dma_start3A_30] : memref<128x128xi32, #tpu.memory_space<vmem>> -> memref<128x128xi32, #tpu.memory_space<vmem>>
        %dma_start3A_32 = arith.constant 0 : i32
        %dma_start3A_33 = arith.constant 0 : i32
        %dma_start3A_34 = tpu.memref_slice %arg4[%arg1, %dma_start3A_32, %dma_start3A_33] : memref<16x128x128xi32, #tpu.memory_space<hbm>> -> memref<1x128x128xi32, #tpu.memory_space<hbm>>
        %dma_start3A_35 = tpu.memref_squeeze %dma_start3A_34 : memref<1x128x128xi32, #tpu.memory_space<hbm>> -> memref<128x128xi32, #tpu.memory_space<hbm>>
        tpu.enqueue_dma source(%dma_start3A_35 : memref<128x128xi32, #tpu.memory_space<hbm>>) target(%dma_start3A_31 : memref<128x128xi32, #tpu.memory_space<vmem>>) target_semaphore(%run_scoped3A : memref<!tpu.dma_semaphore, #tpu.memory_space<semaphore_mem>>)
        %dma_wait3A = arith.constant 0 : i32
        %dma_wait3A_36 = arith.constant 0 : i32
        %dma_wait3A_37 = tpu.memref_slice %arg10[%dma_wait3A, %dma_wait3A_36] : memref<128x128xi32, #tpu.memory_space<vmem>> -> memref<128x128xi32, #tpu.memory_space<vmem>>
        %dma_wait3A_38 = arith.constant 0 : i32
        %dma_wait3A_39 = arith.constant 0 : i32
        %dma_wait3A_40 = tpu.memref_slice %arg4[%arg1, %dma_wait3A_38, %dma_wait3A_39] : memref<16x128x128xi32, #tpu.memory_space<hbm>> -> memref<1x128x128xi32, #tpu.memory_space<hbm>>
        %dma_wait3A_41 = tpu.memref_squeeze %dma_wait3A_40 : memref<1x128x128xi32, #tpu.memory_space<hbm>> -> memref<128x128xi32, #tpu.memory_space<hbm>>
        %dma_wait3A_42 = arith.constant 0 : i32
        %dma_wait3A_43 = arith.constant 0 : i32
        %dma_wait3A_44 = tpu.memref_slice %arg10[%dma_wait3A_42, %dma_wait3A_43] : memref<128x128xi32, #tpu.memory_space<vmem>> -> memref<128x128xi32, #tpu.memory_space<vmem>>
        %dma_wait3A_45 = arith.constant 0 : i32
        %dma_wait3A_46 = arith.constant 0 : i32
        %dma_wait3A_47 = tpu.memref_slice %arg4[%arg1, %dma_wait3A_45, %dma_wait3A_46] : memref<16x128x128xi32, #tpu.memory_space<hbm>> -> memref<1x128x128xi32, #tpu.memory_space<hbm>>
        %dma_wait3A_48 = tpu.memref_squeeze %dma_wait3A_47 : memref<1x128x128xi32, #tpu.memory_space<hbm>> -> memref<128x128xi32, #tpu.memory_space<hbm>>
        tpu.wait_dma2 semaphore(%run_scoped3A : memref<!tpu.dma_semaphore, #tpu.memory_space<semaphore_mem>>) src(%dma_wait3A_48 : memref<128x128xi32, #tpu.memory_space<hbm>>) dst(%dma_wait3A_44 : memref<128x128xi32, #tpu.memory_space<vmem>>)
        tpu.yield
      }) : () -> ()
      %barrier3A_17 = arith.constant 0 : index
      tpu.barrier barrier_id(%barrier3A_17)
      %scan3A = arith.constant 0 : i32
      %scan3A_18 = arith.constant 0 : i32
      %scan3A_19 = arith.constant 128 : i32
      %scan3A_20 = arith.addi %scan3A_18, %scan3A_19 : i32
      %scan3A_21 = arith.constant 1 : i32
      scf.for %scan3A_23 = %scan3A_18 to %scan3A_20 step %scan3A_21  : i32 {
        %dma_start3A = arith.constant 0 : i32
        %dma_start3A_24 = tpu.memref_slice %arg9[%scan3A_23, %dma_start3A] : memref<128x128xi32, #tpu.memory_space<vmem>> -> memref<1x128xi32, #tpu.memory_space<vmem>>
        %dma_start3A_25 = tpu.memref_squeeze %dma_start3A_24 : memref<1x128xi32, #tpu.memory_space<vmem>> -> memref<128xi32, #tpu.memory_space<vmem>>
        %dma_start3A_26 = arith.constant 0 : i32
        %dma_start3A_27 = arith.constant 0 : i32
        %dma_start3A_28 = tpu.memref_slice %arg2[%dma_start3A_26, %dma_start3A_27] : memref<10112x128xf32, #tpu.memory_space<hbm>> -> memref<10112x128xf32, #tpu.memory_space<hbm>>
        tpu.enqueue_indirect_dma source(%dma_start3A_28 : memref<10112x128xf32, #tpu.memory_space<hbm>>) target(%arg11 : memref<128x128xf32, #tpu.memory_space<vmem>>) offsets(%dma_start3A_25 : memref<128xi32, #tpu.memory_space<vmem>>) semaphore(%arg13 : memref<!tpu.dma_semaphore, #tpu.memory_space<semaphore_mem>>)
        %dma_wait3A = arith.constant 0 : i32
        %dma_wait3A_29 = tpu.memref_slice %arg9[%scan3A_23, %dma_wait3A] : memref<128x128xi32, #tpu.memory_space<vmem>> -> memref<1x128xi32, #tpu.memory_space<vmem>>
        %dma_wait3A_30 = tpu.memref_squeeze %dma_wait3A_29 : memref<1x128xi32, #tpu.memory_space<vmem>> -> memref<128xi32, #tpu.memory_space<vmem>>
        %dma_wait3A_31 = arith.constant 0 : i32
        %dma_wait3A_32 = arith.constant 0 : i32
        %dma_wait3A_33 = tpu.memref_slice %arg2[%dma_wait3A_31, %dma_wait3A_32] : memref<10112x128xf32, #tpu.memory_space<hbm>> -> memref<10112x128xf32, #tpu.memory_space<hbm>>
        tpu.wait_indirect_dma semaphore(%arg13 : memref<!tpu.dma_semaphore, #tpu.memory_space<semaphore_mem>>) src(%dma_wait3A_33 : memref<10112x128xf32, #tpu.memory_space<hbm>>) dst(%arg11 : memref<128x128xf32, #tpu.memory_space<vmem>>)
        "tpu.region"() ({
          %run_scoped3A = tpu.sem_alloc : memref<!tpu.dma_semaphore, #tpu.memory_space<semaphore_mem>>
          %dma_start3A_34 = arith.constant 0 : i32
          %dma_start3A_35 = tpu.memref_slice %arg10[%scan3A_23, %dma_start3A_34] : memref<128x128xi32, #tpu.memory_space<vmem>> -> memref<1x128xi32, #tpu.memory_space<vmem>>
          %dma_start3A_36 = tpu.memref_squeeze %dma_start3A_35 : memref<1x128xi32, #tpu.memory_space<vmem>> -> memref<128xi32, #tpu.memory_space<vmem>>
          %dma_start3A_37 = arith.constant 0 : i32
          %dma_start3A_38 = arith.constant 0 : i32
          %dma_start3A_39 = tpu.memref_slice %arg12[%dma_start3A_37, %dma_start3A_38] : memref<10112x128xf32, #tpu.memory_space<vmem_shared>> -> memref<10112x128xf32, #tpu.memory_space<vmem_shared>>
          tpu.enqueue_indirect_dma source(%arg11 : memref<128x128xf32, #tpu.memory_space<vmem>>) target(%dma_start3A_39 : memref<10112x128xf32, #tpu.memory_space<vmem_shared>>) offsets(%dma_start3A_36 : memref<128xi32, #tpu.memory_space<vmem>>) semaphore(%run_scoped3A : memref<!tpu.dma_semaphore, #tpu.memory_space<semaphore_mem>>) {add = true}
          %dma_wait3A_40 = arith.constant 0 : i32
          %dma_wait3A_41 = tpu.memref_slice %arg10[%scan3A_23, %dma_wait3A_40] : memref<128x128xi32, #tpu.memory_space<vmem>> -> memref<1x128xi32, #tpu.memory_space<vmem>>
          %dma_wait3A_42 = tpu.memref_squeeze %dma_wait3A_41 : memref<1x128xi32, #tpu.memory_space<vmem>> -> memref<128xi32, #tpu.memory_space<vmem>>
          %dma_wait3A_43 = arith.constant 0 : i32
          %dma_wait3A_44 = arith.constant 0 : i32
          %dma_wait3A_45 = tpu.memref_slice %arg12[%dma_wait3A_43, %dma_wait3A_44] : memref<10112x128xf32, #tpu.memory_space<vmem_shared>> -> memref<10112x128xf32, #tpu.memory_space<vmem_shared>>
          tpu.wait_indirect_dma semaphore(%run_scoped3A : memref<!tpu.dma_semaphore, #tpu.memory_space<semaphore_mem>>) src(%arg11 : memref<128x128xf32, #tpu.memory_space<vmem>>) dst(%dma_wait3A_45 : memref<10112x128xf32, #tpu.memory_space<vmem_shared>>)
          tpu.yield
        }) : () -> ()
      }
      %scan3A_22 = arith.constant 128 : i32
    } else {
    }
    %ne3A_12 = arith.constant 0 : i32
    %ne3A_13 = arith.cmpi ne, %arg0, %ne3A_12 : i32
    %convert_element_type3A_14 = arith.extui %ne3A_13 : i1 to i32
    %cond3A_15 = arith.constant 0 : i32
    %cond3A_16 = arith.cmpi ne, %convert_element_type3A_14, %cond3A_15 : i32
    scf.if %cond3A_16 {
      "tpu.region"() ({
        %run_scoped3A = tpu.sem_alloc : memref<!tpu.dma_semaphore, #tpu.memory_space<semaphore_mem>>
        %dma_start3A = arith.constant 0 : i32
        %dma_start3A_23 = arith.constant 0 : i32
        %dma_start3A_24 = tpu.memref_slice %arg9[%dma_start3A, %dma_start3A_23] : memref<128x128xi32, #tpu.memory_space<vmem>> -> memref<32x128xi32, #tpu.memory_space<vmem>>
        %dma_start3A_25 = arith.constant 0 : i32
        %dma_start3A_26 = arith.constant 0 : i32
        %dma_start3A_27 = tpu.memref_slice %arg5[%arg1, %dma_start3A_25, %dma_start3A_26] : memref<16x32x128xi32, #tpu.memory_space<hbm>> -> memref<1x32x128xi32, #tpu.memory_space<hbm>>
        %dma_start3A_28 = tpu.memref_squeeze %dma_start3A_27 : memref<1x32x128xi32, #tpu.memory_space<hbm>> -> memref<32x128xi32, #tpu.memory_space<hbm>>
        %dma_start3A_29 = arith.constant 0 : i32
        %dma_start3A_30 = arith.constant 0 : i32
        %dma_start3A_31 = tpu.memref_slice %arg9[%dma_start3A_29, %dma_start3A_30] : memref<128x128xi32, #tpu.memory_space<vmem>> -> memref<32x128xi32, #tpu.memory_space<vmem>>
        %dma_start3A_32 = arith.constant 0 : i32
        %dma_start3A_33 = arith.constant 0 : i32
        %dma_start3A_34 = tpu.memref_slice %arg5[%arg1, %dma_start3A_32, %dma_start3A_33] : memref<16x32x128xi32, #tpu.memory_space<hbm>> -> memref<1x32x128xi32, #tpu.memory_space<hbm>>
        %dma_start3A_35 = tpu.memref_squeeze %dma_start3A_34 : memref<1x32x128xi32, #tpu.memory_space<hbm>> -> memref<32x128xi32, #tpu.memory_space<hbm>>
        tpu.enqueue_dma source(%dma_start3A_35 : memref<32x128xi32, #tpu.memory_space<hbm>>) target(%dma_start3A_31 : memref<32x128xi32, #tpu.memory_space<vmem>>) target_semaphore(%run_scoped3A : memref<!tpu.dma_semaphore, #tpu.memory_space<semaphore_mem>>)
        %dma_wait3A = arith.constant 0 : i32
        %dma_wait3A_36 = arith.constant 0 : i32
        %dma_wait3A_37 = tpu.memref_slice %arg9[%dma_wait3A, %dma_wait3A_36] : memref<128x128xi32, #tpu.memory_space<vmem>> -> memref<32x128xi32, #tpu.memory_space<vmem>>
        %dma_wait3A_38 = arith.constant 0 : i32
        %dma_wait3A_39 = arith.constant 0 : i32
        %dma_wait3A_40 = tpu.memref_slice %arg5[%arg1, %dma_wait3A_38, %dma_wait3A_39] : memref<16x32x128xi32, #tpu.memory_space<hbm>> -> memref<1x32x128xi32, #tpu.memory_space<hbm>>
        %dma_wait3A_41 = tpu.memref_squeeze %dma_wait3A_40 : memref<1x32x128xi32, #tpu.memory_space<hbm>> -> memref<32x128xi32, #tpu.memory_space<hbm>>
        %dma_wait3A_42 = arith.constant 0 : i32
        %dma_wait3A_43 = arith.constant 0 : i32
        %dma_wait3A_44 = tpu.memref_slice %arg9[%dma_wait3A_42, %dma_wait3A_43] : memref<128x128xi32, #tpu.memory_space<vmem>> -> memref<32x128xi32, #tpu.memory_space<vmem>>
        %dma_wait3A_45 = arith.constant 0 : i32
        %dma_wait3A_46 = arith.constant 0 : i32
        %dma_wait3A_47 = tpu.memref_slice %arg5[%arg1, %dma_wait3A_45, %dma_wait3A_46] : memref<16x32x128xi32, #tpu.memory_space<hbm>> -> memref<1x32x128xi32, #tpu.memory_space<hbm>>
        %dma_wait3A_48 = tpu.memref_squeeze %dma_wait3A_47 : memref<1x32x128xi32, #tpu.memory_space<hbm>> -> memref<32x128xi32, #tpu.memory_space<hbm>>
        tpu.wait_dma2 semaphore(%run_scoped3A : memref<!tpu.dma_semaphore, #tpu.memory_space<semaphore_mem>>) src(%dma_wait3A_48 : memref<32x128xi32, #tpu.memory_space<hbm>>) dst(%dma_wait3A_44 : memref<32x128xi32, #tpu.memory_space<vmem>>)
        tpu.yield
      }) : () -> ()
      "tpu.region"() ({
        %run_scoped3A = tpu.sem_alloc : memref<!tpu.dma_semaphore, #tpu.memory_space<semaphore_mem>>
        %dma_start3A = arith.constant 0 : i32
        %dma_start3A_23 = arith.constant 0 : i32
        %dma_start3A_24 = tpu.memref_slice %arg10[%dma_start3A, %dma_start3A_23] : memref<128x128xi32, #tpu.memory_space<vmem>> -> memref<32x128xi32, #tpu.memory_space<vmem>>
        %dma_start3A_25 = arith.constant 0 : i32
        %dma_start3A_26 = arith.constant 0 : i32
        %dma_start3A_27 = tpu.memref_slice %arg6[%arg1, %dma_start3A_25, %dma_start3A_26] : memref<16x32x128xi32, #tpu.memory_space<hbm>> -> memref<1x32x128xi32, #tpu.memory_space<hbm>>
        %dma_start3A_28 = tpu.memref_squeeze %dma_start3A_27 : memref<1x32x128xi32, #tpu.memory_space<hbm>> -> memref<32x128xi32, #tpu.memory_space<hbm>>
        %dma_start3A_29 = arith.constant 0 : i32
        %dma_start3A_30 = arith.constant 0 : i32
        %dma_start3A_31 = tpu.memref_slice %arg10[%dma_start3A_29, %dma_start3A_30] : memref<128x128xi32, #tpu.memory_space<vmem>> -> memref<32x128xi32, #tpu.memory_space<vmem>>
        %dma_start3A_32 = arith.constant 0 : i32
        %dma_start3A_33 = arith.constant 0 : i32
        %dma_start3A_34 = tpu.memref_slice %arg6[%arg1, %dma_start3A_32, %dma_start3A_33] : memref<16x32x128xi32, #tpu.memory_space<hbm>> -> memref<1x32x128xi32, #tpu.memory_space<hbm>>
        %dma_start3A_35 = tpu.memref_squeeze %dma_start3A_34 : memref<1x32x128xi32, #tpu.memory_space<hbm>> -> memref<32x128xi32, #tpu.memory_space<hbm>>
        tpu.enqueue_dma source(%dma_start3A_35 : memref<32x128xi32, #tpu.memory_space<hbm>>) target(%dma_start3A_31 : memref<32x128xi32, #tpu.memory_space<vmem>>) target_semaphore(%run_scoped3A : memref<!tpu.dma_semaphore, #tpu.memory_space<semaphore_mem>>)
        %dma_wait3A = arith.constant 0 : i32
        %dma_wait3A_36 = arith.constant 0 : i32
        %dma_wait3A_37 = tpu.memref_slice %arg10[%dma_wait3A, %dma_wait3A_36] : memref<128x128xi32, #tpu.memory_space<vmem>> -> memref<32x128xi32, #tpu.memory_space<vmem>>
        %dma_wait3A_38 = arith.constant 0 : i32
        %dma_wait3A_39 = arith.constant 0 : i32
        %dma_wait3A_40 = tpu.memref_slice %arg6[%arg1, %dma_wait3A_38, %dma_wait3A_39] : memref<16x32x128xi32, #tpu.memory_space<hbm>> -> memref<1x32x128xi32, #tpu.memory_space<hbm>>
        %dma_wait3A_41 = tpu.memref_squeeze %dma_wait3A_40 : memref<1x32x128xi32, #tpu.memory_space<hbm>> -> memref<32x128xi32, #tpu.memory_space<hbm>>
        %dma_wait3A_42 = arith.constant 0 : i32
        %dma_wait3A_43 = arith.constant 0 : i32
        %dma_wait3A_44 = tpu.memref_slice %arg10[%dma_wait3A_42, %dma_wait3A_43] : memref<128x128xi32, #tpu.memory_space<vmem>> -> memref<32x128xi32, #tpu.memory_space<vmem>>
        %dma_wait3A_45 = arith.constant 0 : i32
        %dma_wait3A_46 = arith.constant 0 : i32
        %dma_wait3A_47 = tpu.memref_slice %arg6[%arg1, %dma_wait3A_45, %dma_wait3A_46] : memref<16x32x128xi32, #tpu.memory_space<hbm>> -> memref<1x32x128xi32, #tpu.memory_space<hbm>>
        %dma_wait3A_48 = tpu.memref_squeeze %dma_wait3A_47 : memref<1x32x128xi32, #tpu.memory_space<hbm>> -> memref<32x128xi32, #tpu.memory_space<hbm>>
        tpu.wait_dma2 semaphore(%run_scoped3A : memref<!tpu.dma_semaphore, #tpu.memory_space<semaphore_mem>>) src(%dma_wait3A_48 : memref<32x128xi32, #tpu.memory_space<hbm>>) dst(%dma_wait3A_44 : memref<32x128xi32, #tpu.memory_space<vmem>>)
        tpu.yield
      }) : () -> ()
      %barrier3A_17 = arith.constant 0 : index
      tpu.barrier barrier_id(%barrier3A_17)
      %scan3A = arith.constant 0 : i32
      %scan3A_18 = arith.constant 0 : i32
      %scan3A_19 = arith.constant 32 : i32
      %scan3A_20 = arith.addi %scan3A_18, %scan3A_19 : i32
      %scan3A_21 = arith.constant 1 : i32
      scf.for %scan3A_23 = %scan3A_18 to %scan3A_20 step %scan3A_21  : i32 {
        %dma_start3A = arith.constant 0 : i32
        %dma_start3A_24 = tpu.memref_slice %arg9[%scan3A_23, %dma_start3A] : memref<128x128xi32, #tpu.memory_space<vmem>> -> memref<1x128xi32, #tpu.memory_space<vmem>>
        %dma_start3A_25 = tpu.memref_squeeze %dma_start3A_24 : memref<1x128xi32, #tpu.memory_space<vmem>> -> memref<128xi32, #tpu.memory_space<vmem>>
        %dma_start3A_26 = arith.constant 0 : i32
        %dma_start3A_27 = arith.constant 0 : i32
        %dma_start3A_28 = tpu.memref_slice %arg2[%dma_start3A_26, %dma_start3A_27] : memref<10112x128xf32, #tpu.memory_space<hbm>> -> memref<10112x128xf32, #tpu.memory_space<hbm>>
        tpu.enqueue_indirect_dma source(%dma_start3A_28 : memref<10112x128xf32, #tpu.memory_space<hbm>>) target(%arg11 : memref<128x128xf32, #tpu.memory_space<vmem>>) offsets(%dma_start3A_25 : memref<128xi32, #tpu.memory_space<vmem>>) semaphore(%arg13 : memref<!tpu.dma_semaphore, #tpu.memory_space<semaphore_mem>>)
        %dma_wait3A = arith.constant 0 : i32
        %dma_wait3A_29 = tpu.memref_slice %arg9[%scan3A_23, %dma_wait3A] : memref<128x128xi32, #tpu.memory_space<vmem>> -> memref<1x128xi32, #tpu.memory_space<vmem>>
        %dma_wait3A_30 = tpu.memref_squeeze %dma_wait3A_29 : memref<1x128xi32, #tpu.memory_space<vmem>> -> memref<128xi32, #tpu.memory_space<vmem>>
        %dma_wait3A_31 = arith.constant 0 : i32
        %dma_wait3A_32 = arith.constant 0 : i32
        %dma_wait3A_33 = tpu.memref_slice %arg2[%dma_wait3A_31, %dma_wait3A_32] : memref<10112x128xf32, #tpu.memory_space<hbm>> -> memref<10112x128xf32, #tpu.memory_space<hbm>>
        tpu.wait_indirect_dma semaphore(%arg13 : memref<!tpu.dma_semaphore, #tpu.memory_space<semaphore_mem>>) src(%dma_wait3A_33 : memref<10112x128xf32, #tpu.memory_space<hbm>>) dst(%arg11 : memref<128x128xf32, #tpu.memory_space<vmem>>)
        "tpu.region"() ({
          %run_scoped3A = tpu.sem_alloc : memref<!tpu.dma_semaphore, #tpu.memory_space<semaphore_mem>>
          %dma_start3A_34 = arith.constant 0 : i32
          %dma_start3A_35 = tpu.memref_slice %arg10[%scan3A_23, %dma_start3A_34] : memref<128x128xi32, #tpu.memory_space<vmem>> -> memref<1x128xi32, #tpu.memory_space<vmem>>
          %dma_start3A_36 = tpu.memref_squeeze %dma_start3A_35 : memref<1x128xi32, #tpu.memory_space<vmem>> -> memref<128xi32, #tpu.memory_space<vmem>>
          %dma_start3A_37 = arith.constant 0 : i32
          %dma_start3A_38 = arith.constant 0 : i32
          %dma_start3A_39 = tpu.memref_slice %arg12[%dma_start3A_37, %dma_start3A_38] : memref<10112x128xf32, #tpu.memory_space<vmem_shared>> -> memref<10112x128xf32, #tpu.memory_space<vmem_shared>>
          tpu.enqueue_indirect_dma source(%arg11 : memref<128x128xf32, #tpu.memory_space<vmem>>) target(%dma_start3A_39 : memref<10112x128xf32, #tpu.memory_space<vmem_shared>>) offsets(%dma_start3A_36 : memref<128xi32, #tpu.memory_space<vmem>>) semaphore(%run_scoped3A : memref<!tpu.dma_semaphore, #tpu.memory_space<semaphore_mem>>) {add = true}
          %dma_wait3A_40 = arith.constant 0 : i32
          %dma_wait3A_41 = tpu.memref_slice %arg10[%scan3A_23, %dma_wait3A_40] : memref<128x128xi32, #tpu.memory_space<vmem>> -> memref<1x128xi32, #tpu.memory_space<vmem>>
          %dma_wait3A_42 = tpu.memref_squeeze %dma_wait3A_41 : memref<1x128xi32, #tpu.memory_space<vmem>> -> memref<128xi32, #tpu.memory_space<vmem>>
          %dma_wait3A_43 = arith.constant 0 : i32
          %dma_wait3A_44 = arith.constant 0 : i32
          %dma_wait3A_45 = tpu.memref_slice %arg12[%dma_wait3A_43, %dma_wait3A_44] : memref<10112x128xf32, #tpu.memory_space<vmem_shared>> -> memref<10112x128xf32, #tpu.memory_space<vmem_shared>>
          tpu.wait_indirect_dma semaphore(%run_scoped3A : memref<!tpu.dma_semaphore, #tpu.memory_space<semaphore_mem>>) src(%arg11 : memref<128x128xf32, #tpu.memory_space<vmem>>) dst(%dma_wait3A_45 : memref<10112x128xf32, #tpu.memory_space<vmem_shared>>)
          tpu.yield
        }) : () -> ()
      }
      %scan3A_22 = arith.constant 32 : i32
    } else {
    }
    %barrier3A = arith.constant 0 : index
    tpu.barrier barrier_id(%barrier3A)
    "tpu.region"() ({
      %run_scoped3A = tpu.sem_alloc : memref<!tpu.dma_semaphore, #tpu.memory_space<semaphore_mem>>
      %dma_start3A = arith.constant 0 : i32
      %dma_start3A_17 = tpu.memref_slice %arg8[%arg0, %mul3A_0, %dma_start3A] : memref<2x10112x128xf32, #tpu.memory_space<hbm>> -> memref<1x632x128xf32, #tpu.memory_space<hbm>>
      %dma_start3A_18 = tpu.memref_squeeze %dma_start3A_17 : memref<1x632x128xf32, #tpu.memory_space<hbm>> -> memref<632x128xf32, #tpu.memory_space<hbm>>
      %dma_start3A_19 = arith.constant 0 : i32
      %dma_start3A_20 = tpu.memref_slice %arg12[%mul3A_0, %dma_start3A_19] : memref<10112x128xf32, #tpu.memory_space<vmem_shared>> -> memref<632x128xf32, #tpu.memory_space<vmem_shared>>
      tpu.enqueue_dma source(%dma_start3A_20 : memref<632x128xf32, #tpu.memory_space<vmem_shared>>) target(%dma_start3A_18 : memref<632x128xf32, #tpu.memory_space<hbm>>) target_semaphore(%run_scoped3A : memref<!tpu.dma_semaphore, #tpu.memory_space<semaphore_mem>>)
      %dma_wait3A = arith.constant 0 : i32
      %dma_wait3A_21 = tpu.memref_slice %arg8[%arg0, %mul3A_0, %dma_wait3A] : memref<2x10112x128xf32, #tpu.memory_space<hbm>> -> memref<1x632x128xf32, #tpu.memory_space<hbm>>
      %dma_wait3A_22 = tpu.memref_squeeze %dma_wait3A_21 : memref<1x632x128xf32, #tpu.memory_space<hbm>> -> memref<632x128xf32, #tpu.memory_space<hbm>>
      %dma_wait3A_23 = arith.constant 0 : i32
      %dma_wait3A_24 = tpu.memref_slice %arg12[%mul3A_0, %dma_wait3A_23] : memref<10112x128xf32, #tpu.memory_space<vmem_shared>> -> memref<632x128xf32, #tpu.memory_space<vmem_shared>>
      tpu.wait_dma2 semaphore(%run_scoped3A : memref<!tpu.dma_semaphore, #tpu.memory_space<semaphore_mem>>) src(%dma_wait3A_24 : memref<632x128xf32, #tpu.memory_space<vmem_shared>>) dst(%dma_wait3A_22 : memref<632x128xf32, #tpu.memory_space<hbm>>)
      tpu.yield
    }) : () -> ()
    return
  }
}

#map = affine_map<(d0, d1) -> (0, 0, 0)>
#map1 = affine_map<(d0, d1) -> (0, 0)>
module attributes {stable_mosaic.version = 14 : i64} {
  func.func @_deg_sc_body(%arg0: i32, %arg1: i32, %arg2: memref<32x80x128xi32, #tpu.memory_space<hbm>>, %arg3: memref<128x128xf32, #tpu.memory_space<hbm>>, %arg4: memref<10112x128xf32, #tpu.memory_space<hbm>>, %arg5: memref<2x10112x128xf32, #tpu.memory_space<hbm>>, %arg6: memref<80x128xi32, #tpu.memory_space<vmem>>, %arg7: memref<128x128xf32, #tpu.memory_space<vmem>>, %arg8: memref<10112x128xf32, #tpu.memory_space<vmem_shared>>) attributes {dimension_semantics = [#tpu.dimension_semantics<core_parallel>, #tpu.dimension_semantics<subcore_parallel>], iteration_bounds = array<i64: 2, 16>, scalar_prefetch = 0 : i64, scratch_operands = 3 : i64, tpu.core_type = #tpu.core_type<sc_vector_subcore>, window_params = [{transform_indices = #map}, {transform_indices = #map1}, {transform_indices = #map1}, {transform_indices = #map}]} {
    %mul3A = arith.constant 2 : i32
    %mul3A_0 = arith.muli %arg1, %mul3A : i32
    %add3A = arith.addi %mul3A_0, %arg0 : i32
    %mul3A_1 = arith.constant 632 : i32
    %mul3A_2 = arith.muli %arg1, %mul3A_1 : i32
    "tpu.region"() ({
      %run_scoped3A = tpu.sem_alloc : memref<!tpu.dma_semaphore, #tpu.memory_space<semaphore_mem>>
      %dma_start3A = arith.constant 0 : i32
      %dma_start3A_9 = tpu.memref_slice %arg8[%mul3A_2, %dma_start3A] : memref<10112x128xf32, #tpu.memory_space<vmem_shared>> -> memref<632x128xf32, #tpu.memory_space<vmem_shared>>
      %dma_start3A_10 = arith.constant 0 : i32
      %dma_start3A_11 = tpu.memref_slice %arg4[%mul3A_2, %dma_start3A_10] : memref<10112x128xf32, #tpu.memory_space<hbm>> -> memref<632x128xf32, #tpu.memory_space<hbm>>
      tpu.enqueue_dma source(%dma_start3A_11 : memref<632x128xf32, #tpu.memory_space<hbm>>) target(%dma_start3A_9 : memref<632x128xf32, #tpu.memory_space<vmem_shared>>) target_semaphore(%run_scoped3A : memref<!tpu.dma_semaphore, #tpu.memory_space<semaphore_mem>>)
      %dma_wait3A = arith.constant 0 : i32
      %dma_wait3A_12 = tpu.memref_slice %arg8[%mul3A_2, %dma_wait3A] : memref<10112x128xf32, #tpu.memory_space<vmem_shared>> -> memref<632x128xf32, #tpu.memory_space<vmem_shared>>
      %dma_wait3A_13 = arith.constant 0 : i32
      %dma_wait3A_14 = tpu.memref_slice %arg4[%mul3A_2, %dma_wait3A_13] : memref<10112x128xf32, #tpu.memory_space<hbm>> -> memref<632x128xf32, #tpu.memory_space<hbm>>
      tpu.wait_dma2 semaphore(%run_scoped3A : memref<!tpu.dma_semaphore, #tpu.memory_space<semaphore_mem>>) src(%dma_wait3A_14 : memref<632x128xf32, #tpu.memory_space<hbm>>) dst(%dma_wait3A_12 : memref<632x128xf32, #tpu.memory_space<vmem_shared>>)
      tpu.yield
    }) : () -> ()
    "tpu.region"() ({
      %run_scoped3A = tpu.sem_alloc : memref<!tpu.dma_semaphore, #tpu.memory_space<semaphore_mem>>
      tpu.enqueue_dma source(%arg3 : memref<128x128xf32, #tpu.memory_space<hbm>>) target(%arg7 : memref<128x128xf32, #tpu.memory_space<vmem>>) target_semaphore(%run_scoped3A : memref<!tpu.dma_semaphore, #tpu.memory_space<semaphore_mem>>)
      tpu.wait_dma2 semaphore(%run_scoped3A : memref<!tpu.dma_semaphore, #tpu.memory_space<semaphore_mem>>) src(%arg3 : memref<128x128xf32, #tpu.memory_space<hbm>>) dst(%arg7 : memref<128x128xf32, #tpu.memory_space<vmem>>)
      tpu.yield
    }) : () -> ()
    "tpu.region"() ({
      %run_scoped3A = tpu.sem_alloc : memref<!tpu.dma_semaphore, #tpu.memory_space<semaphore_mem>>
      %dma_start3A = arith.constant 0 : i32
      %dma_start3A_9 = arith.constant 0 : i32
      %dma_start3A_10 = tpu.memref_slice %arg2[%add3A, %dma_start3A, %dma_start3A_9] : memref<32x80x128xi32, #tpu.memory_space<hbm>> -> memref<1x80x128xi32, #tpu.memory_space<hbm>>
      %dma_start3A_11 = tpu.memref_squeeze %dma_start3A_10 : memref<1x80x128xi32, #tpu.memory_space<hbm>> -> memref<80x128xi32, #tpu.memory_space<hbm>>
      %dma_start3A_12 = arith.constant 0 : i32
      %dma_start3A_13 = arith.constant 0 : i32
      %dma_start3A_14 = tpu.memref_slice %arg2[%add3A, %dma_start3A_12, %dma_start3A_13] : memref<32x80x128xi32, #tpu.memory_space<hbm>> -> memref<1x80x128xi32, #tpu.memory_space<hbm>>
      %dma_start3A_15 = tpu.memref_squeeze %dma_start3A_14 : memref<1x80x128xi32, #tpu.memory_space<hbm>> -> memref<80x128xi32, #tpu.memory_space<hbm>>
      tpu.enqueue_dma source(%dma_start3A_15 : memref<80x128xi32, #tpu.memory_space<hbm>>) target(%arg6 : memref<80x128xi32, #tpu.memory_space<vmem>>) target_semaphore(%run_scoped3A : memref<!tpu.dma_semaphore, #tpu.memory_space<semaphore_mem>>)
      %dma_wait3A = arith.constant 0 : i32
      %dma_wait3A_16 = arith.constant 0 : i32
      %dma_wait3A_17 = tpu.memref_slice %arg2[%add3A, %dma_wait3A, %dma_wait3A_16] : memref<32x80x128xi32, #tpu.memory_space<hbm>> -> memref<1x80x128xi32, #tpu.memory_space<hbm>>
      %dma_wait3A_18 = tpu.memref_squeeze %dma_wait3A_17 : memref<1x80x128xi32, #tpu.memory_space<hbm>> -> memref<80x128xi32, #tpu.memory_space<hbm>>
      %dma_wait3A_19 = arith.constant 0 : i32
      %dma_wait3A_20 = arith.constant 0 : i32
      %dma_wait3A_21 = tpu.memref_slice %arg2[%add3A, %dma_wait3A_19, %dma_wait3A_20] : memref<32x80x128xi32, #tpu.memory_space<hbm>> -> memref<1x80x128xi32, #tpu.memory_space<hbm>>
      %dma_wait3A_22 = tpu.memref_squeeze %dma_wait3A_21 : memref<1x80x128xi32, #tpu.memory_space<hbm>> -> memref<80x128xi32, #tpu.memory_space<hbm>>
      tpu.wait_dma2 semaphore(%run_scoped3A : memref<!tpu.dma_semaphore, #tpu.memory_space<semaphore_mem>>) src(%dma_wait3A_22 : memref<80x128xi32, #tpu.memory_space<hbm>>) dst(%arg6 : memref<80x128xi32, #tpu.memory_space<vmem>>)
      tpu.yield
    }) : () -> ()
    %barrier3A = arith.constant 0 : index
    tpu.barrier barrier_id(%barrier3A)
    %scan3A = arith.constant 0 : i32
    %scan3A_3 = arith.constant 0 : i32
    %scan3A_4 = arith.constant 80 : i32
    %scan3A_5 = arith.addi %scan3A_3, %scan3A_4 : i32
    %scan3A_6 = arith.constant 1 : i32
    scf.for %scan3A_9 = %scan3A_3 to %scan3A_5 step %scan3A_6  : i32 {
      "tpu.region"() ({
        %run_scoped3A = tpu.sem_alloc : memref<!tpu.dma_semaphore, #tpu.memory_space<semaphore_mem>>
        %dma_start3A = arith.constant 0 : i32
        %dma_start3A_10 = tpu.memref_slice %arg6[%scan3A_9, %dma_start3A] : memref<80x128xi32, #tpu.memory_space<vmem>> -> memref<1x128xi32, #tpu.memory_space<vmem>>
        %dma_start3A_11 = tpu.memref_squeeze %dma_start3A_10 : memref<1x128xi32, #tpu.memory_space<vmem>> -> memref<128xi32, #tpu.memory_space<vmem>>
        %dma_start3A_12 = arith.constant 0 : i32
        %dma_start3A_13 = arith.constant 0 : i32
        %dma_start3A_14 = tpu.memref_slice %arg8[%dma_start3A_12, %dma_start3A_13] : memref<10112x128xf32, #tpu.memory_space<vmem_shared>> -> memref<10112x128xf32, #tpu.memory_space<vmem_shared>>
        tpu.enqueue_indirect_dma source(%arg7 : memref<128x128xf32, #tpu.memory_space<vmem>>) target(%dma_start3A_14 : memref<10112x128xf32, #tpu.memory_space<vmem_shared>>) offsets(%dma_start3A_11 : memref<128xi32, #tpu.memory_space<vmem>>) semaphore(%run_scoped3A : memref<!tpu.dma_semaphore, #tpu.memory_space<semaphore_mem>>) {add = true}
        %dma_wait3A = arith.constant 0 : i32
        %dma_wait3A_15 = tpu.memref_slice %arg6[%scan3A_9, %dma_wait3A] : memref<80x128xi32, #tpu.memory_space<vmem>> -> memref<1x128xi32, #tpu.memory_space<vmem>>
        %dma_wait3A_16 = tpu.memref_squeeze %dma_wait3A_15 : memref<1x128xi32, #tpu.memory_space<vmem>> -> memref<128xi32, #tpu.memory_space<vmem>>
        %dma_wait3A_17 = arith.constant 0 : i32
        %dma_wait3A_18 = arith.constant 0 : i32
        %dma_wait3A_19 = tpu.memref_slice %arg8[%dma_wait3A_17, %dma_wait3A_18] : memref<10112x128xf32, #tpu.memory_space<vmem_shared>> -> memref<10112x128xf32, #tpu.memory_space<vmem_shared>>
        tpu.wait_indirect_dma semaphore(%run_scoped3A : memref<!tpu.dma_semaphore, #tpu.memory_space<semaphore_mem>>) src(%arg7 : memref<128x128xf32, #tpu.memory_space<vmem>>) dst(%dma_wait3A_19 : memref<10112x128xf32, #tpu.memory_space<vmem_shared>>)
        tpu.yield
      }) : () -> ()
    }
    %scan3A_7 = arith.constant 80 : i32
    %barrier3A_8 = arith.constant 0 : index
    tpu.barrier barrier_id(%barrier3A_8)
    "tpu.region"() ({
      %run_scoped3A = tpu.sem_alloc : memref<!tpu.dma_semaphore, #tpu.memory_space<semaphore_mem>>
      %dma_start3A = arith.constant 0 : i32
      %dma_start3A_9 = tpu.memref_slice %arg5[%arg0, %mul3A_2, %dma_start3A] : memref<2x10112x128xf32, #tpu.memory_space<hbm>> -> memref<1x632x128xf32, #tpu.memory_space<hbm>>
      %dma_start3A_10 = tpu.memref_squeeze %dma_start3A_9 : memref<1x632x128xf32, #tpu.memory_space<hbm>> -> memref<632x128xf32, #tpu.memory_space<hbm>>
      %dma_start3A_11 = arith.constant 0 : i32
      %dma_start3A_12 = tpu.memref_slice %arg8[%mul3A_2, %dma_start3A_11] : memref<10112x128xf32, #tpu.memory_space<vmem_shared>> -> memref<632x128xf32, #tpu.memory_space<vmem_shared>>
      tpu.enqueue_dma source(%dma_start3A_12 : memref<632x128xf32, #tpu.memory_space<vmem_shared>>) target(%dma_start3A_10 : memref<632x128xf32, #tpu.memory_space<hbm>>) target_semaphore(%run_scoped3A : memref<!tpu.dma_semaphore, #tpu.memory_space<semaphore_mem>>)
      %dma_wait3A = arith.constant 0 : i32
      %dma_wait3A_13 = tpu.memref_slice %arg5[%arg0, %mul3A_2, %dma_wait3A] : memref<2x10112x128xf32, #tpu.memory_space<hbm>> -> memref<1x632x128xf32, #tpu.memory_space<hbm>>
      %dma_wait3A_14 = tpu.memref_squeeze %dma_wait3A_13 : memref<1x632x128xf32, #tpu.memory_space<hbm>> -> memref<632x128xf32, #tpu.memory_space<hbm>>
      %dma_wait3A_15 = arith.constant 0 : i32
      %dma_wait3A_16 = tpu.memref_slice %arg8[%mul3A_2, %dma_wait3A_15] : memref<10112x128xf32, #tpu.memory_space<vmem_shared>> -> memref<632x128xf32, #tpu.memory_space<vmem_shared>>
      tpu.wait_dma2 semaphore(%run_scoped3A : memref<!tpu.dma_semaphore, #tpu.memory_space<semaphore_mem>>) src(%dma_wait3A_16 : memref<632x128xf32, #tpu.memory_space<vmem_shared>>) dst(%dma_wait3A_14 : memref<632x128xf32, #tpu.memory_space<hbm>>)
      tpu.yield
    }) : () -> ()
    return
  }
}

#map = affine_map<(d0, d1) -> (0, 0)>
#map1 = affine_map<(d0, d1) -> (0, 0, 0)>
module attributes {stable_mosaic.version = 14 : i64} {
  func.func @_edge_pass_sc_body(%arg0: i32, %arg1: i32, %arg2: memref<10112x128xf32, #tpu.memory_space<hbm>>, %arg3: memref<16x128x128xi32, #tpu.memory_space<hbm>>, %arg4: memref<16x128x128xi32, #tpu.memory_space<hbm>>, %arg5: memref<16x32x128xi32, #tpu.memory_space<hbm>>, %arg6: memref<16x32x128xi32, #tpu.memory_space<hbm>>, %arg7: memref<10112x128xf32, #tpu.memory_space<hbm>>, %arg8: memref<2x10112x128xf32, #tpu.memory_space<hbm>>, %arg9: memref<128x128xi32, #tpu.memory_space<vmem>>, %arg10: memref<128x128xi32, #tpu.memory_space<vmem>>, %arg11: memref<128x128xf32, #tpu.memory_space<vmem>>, %arg12: memref<10112x128xf32, #tpu.memory_space<vmem_shared>>, %arg13: memref<!tpu.dma_semaphore, #tpu.memory_space<semaphore_mem>>) attributes {dimension_semantics = [#tpu.dimension_semantics<core_parallel>, #tpu.dimension_semantics<subcore_parallel>], iteration_bounds = array<i64: 2, 16>, scalar_prefetch = 0 : i64, scratch_operands = 5 : i64, tpu.core_type = #tpu.core_type<sc_vector_subcore>, window_params = [{transform_indices = #map}, {transform_indices = #map1}, {transform_indices = #map1}, {transform_indices = #map1}, {transform_indices = #map1}, {transform_indices = #map}, {transform_indices = #map1}]} {
    %mul3A = arith.constant 632 : i32
    %mul3A_0 = arith.muli %arg1, %mul3A : i32
    %eq3A = arith.constant 0 : i32
    %eq3A_1 = arith.cmpi eq, %arg0, %eq3A : i32
    %convert_element_type3A = arith.extui %eq3A_1 : i1 to i32
    %cond3A = arith.constant 0 : i32
    %cond3A_2 = arith.cmpi ne, %convert_element_type3A, %cond3A : i32
    scf.if %cond3A_2 {
      "tpu.region"() ({
        %run_scoped3A = tpu.sem_alloc : memref<!tpu.dma_semaphore, #tpu.memory_space<semaphore_mem>>
        %dma_start3A = arith.constant 0 : i32
        %dma_start3A_17 = tpu.memref_slice %arg12[%mul3A_0, %dma_start3A] : memref<10112x128xf32, #tpu.memory_space<vmem_shared>> -> memref<632x128xf32, #tpu.memory_space<vmem_shared>>
        %dma_start3A_18 = arith.constant 0 : i32
        %dma_start3A_19 = tpu.memref_slice %arg2[%mul3A_0, %dma_start3A_18] : memref<10112x128xf32, #tpu.memory_space<hbm>> -> memref<632x128xf32, #tpu.memory_space<hbm>>
        tpu.enqueue_dma source(%dma_start3A_19 : memref<632x128xf32, #tpu.memory_space<hbm>>) target(%dma_start3A_17 : memref<632x128xf32, #tpu.memory_space<vmem_shared>>) target_semaphore(%run_scoped3A : memref<!tpu.dma_semaphore, #tpu.memory_space<semaphore_mem>>)
        %dma_wait3A = arith.constant 0 : i32
        %dma_wait3A_20 = tpu.memref_slice %arg12[%mul3A_0, %dma_wait3A] : memref<10112x128xf32, #tpu.memory_space<vmem_shared>> -> memref<632x128xf32, #tpu.memory_space<vmem_shared>>
        %dma_wait3A_21 = arith.constant 0 : i32
        %dma_wait3A_22 = tpu.memref_slice %arg2[%mul3A_0, %dma_wait3A_21] : memref<10112x128xf32, #tpu.memory_space<hbm>> -> memref<632x128xf32, #tpu.memory_space<hbm>>
        tpu.wait_dma2 semaphore(%run_scoped3A : memref<!tpu.dma_semaphore, #tpu.memory_space<semaphore_mem>>) src(%dma_wait3A_22 : memref<632x128xf32, #tpu.memory_space<hbm>>) dst(%dma_wait3A_20 : memref<632x128xf32, #tpu.memory_space<vmem_shared>>)
        tpu.yield
      }) : () -> ()
    } else {
    }
    %ne3A = arith.constant 0 : i32
    %ne3A_3 = arith.cmpi ne, %arg0, %ne3A : i32
    %convert_element_type3A_4 = arith.extui %ne3A_3 : i1 to i32
    %cond3A_5 = arith.constant 0 : i32
    %cond3A_6 = arith.cmpi ne, %convert_element_type3A_4, %cond3A_5 : i32
    scf.if %cond3A_6 {
      "tpu.region"() ({
        %run_scoped3A = tpu.sem_alloc : memref<!tpu.dma_semaphore, #tpu.memory_space<semaphore_mem>>
        %dma_start3A = arith.constant 0 : i32
        %dma_start3A_17 = tpu.memref_slice %arg12[%mul3A_0, %dma_start3A] : memref<10112x128xf32, #tpu.memory_space<vmem_shared>> -> memref<632x128xf32, #tpu.memory_space<vmem_shared>>
        %dma_start3A_18 = arith.constant 0 : i32
        %dma_start3A_19 = tpu.memref_slice %arg7[%mul3A_0, %dma_start3A_18] : memref<10112x128xf32, #tpu.memory_space<hbm>> -> memref<632x128xf32, #tpu.memory_space<hbm>>
        tpu.enqueue_dma source(%dma_start3A_19 : memref<632x128xf32, #tpu.memory_space<hbm>>) target(%dma_start3A_17 : memref<632x128xf32, #tpu.memory_space<vmem_shared>>) target_semaphore(%run_scoped3A : memref<!tpu.dma_semaphore, #tpu.memory_space<semaphore_mem>>)
        %dma_wait3A = arith.constant 0 : i32
        %dma_wait3A_20 = tpu.memref_slice %arg12[%mul3A_0, %dma_wait3A] : memref<10112x128xf32, #tpu.memory_space<vmem_shared>> -> memref<632x128xf32, #tpu.memory_space<vmem_shared>>
        %dma_wait3A_21 = arith.constant 0 : i32
        %dma_wait3A_22 = tpu.memref_slice %arg7[%mul3A_0, %dma_wait3A_21] : memref<10112x128xf32, #tpu.memory_space<hbm>> -> memref<632x128xf32, #tpu.memory_space<hbm>>
        tpu.wait_dma2 semaphore(%run_scoped3A : memref<!tpu.dma_semaphore, #tpu.memory_space<semaphore_mem>>) src(%dma_wait3A_22 : memref<632x128xf32, #tpu.memory_space<hbm>>) dst(%dma_wait3A_20 : memref<632x128xf32, #tpu.memory_space<vmem_shared>>)
        tpu.yield
      }) : () -> ()
    } else {
    }
    %eq3A_7 = arith.constant 0 : i32
    %eq3A_8 = arith.cmpi eq, %arg0, %eq3A_7 : i32
    %convert_element_type3A_9 = arith.extui %eq3A_8 : i1 to i32
    %cond3A_10 = arith.constant 0 : i32
    %cond3A_11 = arith.cmpi ne, %convert_element_type3A_9, %cond3A_10 : i32
    scf.if %cond3A_11 {
      "tpu.region"() ({
        %run_scoped3A = tpu.sem_alloc : memref<!tpu.dma_semaphore, #tpu.memory_space<semaphore_mem>>
        %dma_start3A = arith.constant 0 : i32
        %dma_start3A_23 = arith.constant 0 : i32
        %dma_start3A_24 = tpu.memref_slice %arg9[%dma_start3A, %dma_start3A_23] : memref<128x128xi32, #tpu.memory_space<vmem>> -> memref<128x128xi32, #tpu.memory_space<vmem>>
        %dma_start3A_25 = arith.constant 0 : i32
        %dma_start3A_26 = arith.constant 0 : i32
        %dma_start3A_27 = tpu.memref_slice %arg3[%arg1, %dma_start3A_25, %dma_start3A_26] : memref<16x128x128xi32, #tpu.memory_space<hbm>> -> memref<1x128x128xi32, #tpu.memory_space<hbm>>
        %dma_start3A_28 = tpu.memref_squeeze %dma_start3A_27 : memref<1x128x128xi32, #tpu.memory_space<hbm>> -> memref<128x128xi32, #tpu.memory_space<hbm>>
        %dma_start3A_29 = arith.constant 0 : i32
        %dma_start3A_30 = arith.constant 0 : i32
        %dma_start3A_31 = tpu.memref_slice %arg9[%dma_start3A_29, %dma_start3A_30] : memref<128x128xi32, #tpu.memory_space<vmem>> -> memref<128x128xi32, #tpu.memory_space<vmem>>
        %dma_start3A_32 = arith.constant 0 : i32
        %dma_start3A_33 = arith.constant 0 : i32
        %dma_start3A_34 = tpu.memref_slice %arg3[%arg1, %dma_start3A_32, %dma_start3A_33] : memref<16x128x128xi32, #tpu.memory_space<hbm>> -> memref<1x128x128xi32, #tpu.memory_space<hbm>>
        %dma_start3A_35 = tpu.memref_squeeze %dma_start3A_34 : memref<1x128x128xi32, #tpu.memory_space<hbm>> -> memref<128x128xi32, #tpu.memory_space<hbm>>
        tpu.enqueue_dma source(%dma_start3A_35 : memref<128x128xi32, #tpu.memory_space<hbm>>) target(%dma_start3A_31 : memref<128x128xi32, #tpu.memory_space<vmem>>) target_semaphore(%run_scoped3A : memref<!tpu.dma_semaphore, #tpu.memory_space<semaphore_mem>>)
        %dma_wait3A = arith.constant 0 : i32
        %dma_wait3A_36 = arith.constant 0 : i32
        %dma_wait3A_37 = tpu.memref_slice %arg9[%dma_wait3A, %dma_wait3A_36] : memref<128x128xi32, #tpu.memory_space<vmem>> -> memref<128x128xi32, #tpu.memory_space<vmem>>
        %dma_wait3A_38 = arith.constant 0 : i32
        %dma_wait3A_39 = arith.constant 0 : i32
        %dma_wait3A_40 = tpu.memref_slice %arg3[%arg1, %dma_wait3A_38, %dma_wait3A_39] : memref<16x128x128xi32, #tpu.memory_space<hbm>> -> memref<1x128x128xi32, #tpu.memory_space<hbm>>
        %dma_wait3A_41 = tpu.memref_squeeze %dma_wait3A_40 : memref<1x128x128xi32, #tpu.memory_space<hbm>> -> memref<128x128xi32, #tpu.memory_space<hbm>>
        %dma_wait3A_42 = arith.constant 0 : i32
        %dma_wait3A_43 = arith.constant 0 : i32
        %dma_wait3A_44 = tpu.memref_slice %arg9[%dma_wait3A_42, %dma_wait3A_43] : memref<128x128xi32, #tpu.memory_space<vmem>> -> memref<128x128xi32, #tpu.memory_space<vmem>>
        %dma_wait3A_45 = arith.constant 0 : i32
        %dma_wait3A_46 = arith.constant 0 : i32
        %dma_wait3A_47 = tpu.memref_slice %arg3[%arg1, %dma_wait3A_45, %dma_wait3A_46] : memref<16x128x128xi32, #tpu.memory_space<hbm>> -> memref<1x128x128xi32, #tpu.memory_space<hbm>>
        %dma_wait3A_48 = tpu.memref_squeeze %dma_wait3A_47 : memref<1x128x128xi32, #tpu.memory_space<hbm>> -> memref<128x128xi32, #tpu.memory_space<hbm>>
        tpu.wait_dma2 semaphore(%run_scoped3A : memref<!tpu.dma_semaphore, #tpu.memory_space<semaphore_mem>>) src(%dma_wait3A_48 : memref<128x128xi32, #tpu.memory_space<hbm>>) dst(%dma_wait3A_44 : memref<128x128xi32, #tpu.memory_space<vmem>>)
        tpu.yield
      }) : () -> ()
      "tpu.region"() ({
        %run_scoped3A = tpu.sem_alloc : memref<!tpu.dma_semaphore, #tpu.memory_space<semaphore_mem>>
        %dma_start3A = arith.constant 0 : i32
        %dma_start3A_23 = arith.constant 0 : i32
        %dma_start3A_24 = tpu.memref_slice %arg10[%dma_start3A, %dma_start3A_23] : memref<128x128xi32, #tpu.memory_space<vmem>> -> memref<128x128xi32, #tpu.memory_space<vmem>>
        %dma_start3A_25 = arith.constant 0 : i32
        %dma_start3A_26 = arith.constant 0 : i32
        %dma_start3A_27 = tpu.memref_slice %arg4[%arg1, %dma_start3A_25, %dma_start3A_26] : memref<16x128x128xi32, #tpu.memory_space<hbm>> -> memref<1x128x128xi32, #tpu.memory_space<hbm>>
        %dma_start3A_28 = tpu.memref_squeeze %dma_start3A_27 : memref<1x128x128xi32, #tpu.memory_space<hbm>> -> memref<128x128xi32, #tpu.memory_space<hbm>>
        %dma_start3A_29 = arith.constant 0 : i32
        %dma_start3A_30 = arith.constant 0 : i32
        %dma_start3A_31 = tpu.memref_slice %arg10[%dma_start3A_29, %dma_start3A_30] : memref<128x128xi32, #tpu.memory_space<vmem>> -> memref<128x128xi32, #tpu.memory_space<vmem>>
        %dma_start3A_32 = arith.constant 0 : i32
        %dma_start3A_33 = arith.constant 0 : i32
        %dma_start3A_34 = tpu.memref_slice %arg4[%arg1, %dma_start3A_32, %dma_start3A_33] : memref<16x128x128xi32, #tpu.memory_space<hbm>> -> memref<1x128x128xi32, #tpu.memory_space<hbm>>
        %dma_start3A_35 = tpu.memref_squeeze %dma_start3A_34 : memref<1x128x128xi32, #tpu.memory_space<hbm>> -> memref<128x128xi32, #tpu.memory_space<hbm>>
        tpu.enqueue_dma source(%dma_start3A_35 : memref<128x128xi32, #tpu.memory_space<hbm>>) target(%dma_start3A_31 : memref<128x128xi32, #tpu.memory_space<vmem>>) target_semaphore(%run_scoped3A : memref<!tpu.dma_semaphore, #tpu.memory_space<semaphore_mem>>)
        %dma_wait3A = arith.constant 0 : i32
        %dma_wait3A_36 = arith.constant 0 : i32
        %dma_wait3A_37 = tpu.memref_slice %arg10[%dma_wait3A, %dma_wait3A_36] : memref<128x128xi32, #tpu.memory_space<vmem>> -> memref<128x128xi32, #tpu.memory_space<vmem>>
        %dma_wait3A_38 = arith.constant 0 : i32
        %dma_wait3A_39 = arith.constant 0 : i32
        %dma_wait3A_40 = tpu.memref_slice %arg4[%arg1, %dma_wait3A_38, %dma_wait3A_39] : memref<16x128x128xi32, #tpu.memory_space<hbm>> -> memref<1x128x128xi32, #tpu.memory_space<hbm>>
        %dma_wait3A_41 = tpu.memref_squeeze %dma_wait3A_40 : memref<1x128x128xi32, #tpu.memory_space<hbm>> -> memref<128x128xi32, #tpu.memory_space<hbm>>
        %dma_wait3A_42 = arith.constant 0 : i32
        %dma_wait3A_43 = arith.constant 0 : i32
        %dma_wait3A_44 = tpu.memref_slice %arg10[%dma_wait3A_42, %dma_wait3A_43] : memref<128x128xi32, #tpu.memory_space<vmem>> -> memref<128x128xi32, #tpu.memory_space<vmem>>
        %dma_wait3A_45 = arith.constant 0 : i32
        %dma_wait3A_46 = arith.constant 0 : i32
        %dma_wait3A_47 = tpu.memref_slice %arg4[%arg1, %dma_wait3A_45, %dma_wait3A_46] : memref<16x128x128xi32, #tpu.memory_space<hbm>> -> memref<1x128x128xi32, #tpu.memory_space<hbm>>
        %dma_wait3A_48 = tpu.memref_squeeze %dma_wait3A_47 : memref<1x128x128xi32, #tpu.memory_space<hbm>> -> memref<128x128xi32, #tpu.memory_space<hbm>>
        tpu.wait_dma2 semaphore(%run_scoped3A : memref<!tpu.dma_semaphore, #tpu.memory_space<semaphore_mem>>) src(%dma_wait3A_48 : memref<128x128xi32, #tpu.memory_space<hbm>>) dst(%dma_wait3A_44 : memref<128x128xi32, #tpu.memory_space<vmem>>)
        tpu.yield
      }) : () -> ()
      %barrier3A_17 = arith.constant 0 : index
      tpu.barrier barrier_id(%barrier3A_17)
      %scan3A = arith.constant 0 : i32
      %scan3A_18 = arith.constant 0 : i32
      %scan3A_19 = arith.constant 128 : i32
      %scan3A_20 = arith.addi %scan3A_18, %scan3A_19 : i32
      %scan3A_21 = arith.constant 1 : i32
      scf.for %scan3A_23 = %scan3A_18 to %scan3A_20 step %scan3A_21  : i32 {
        %dma_start3A = arith.constant 0 : i32
        %dma_start3A_24 = tpu.memref_slice %arg9[%scan3A_23, %dma_start3A] : memref<128x128xi32, #tpu.memory_space<vmem>> -> memref<1x128xi32, #tpu.memory_space<vmem>>
        %dma_start3A_25 = tpu.memref_squeeze %dma_start3A_24 : memref<1x128xi32, #tpu.memory_space<vmem>> -> memref<128xi32, #tpu.memory_space<vmem>>
        %dma_start3A_26 = arith.constant 0 : i32
        %dma_start3A_27 = arith.constant 0 : i32
        %dma_start3A_28 = tpu.memref_slice %arg2[%dma_start3A_26, %dma_start3A_27] : memref<10112x128xf32, #tpu.memory_space<hbm>> -> memref<10112x128xf32, #tpu.memory_space<hbm>>
        tpu.enqueue_indirect_dma source(%dma_start3A_28 : memref<10112x128xf32, #tpu.memory_space<hbm>>) target(%arg11 : memref<128x128xf32, #tpu.memory_space<vmem>>) offsets(%dma_start3A_25 : memref<128xi32, #tpu.memory_space<vmem>>) semaphore(%arg13 : memref<!tpu.dma_semaphore, #tpu.memory_space<semaphore_mem>>)
        %dma_wait3A = arith.constant 0 : i32
        %dma_wait3A_29 = tpu.memref_slice %arg9[%scan3A_23, %dma_wait3A] : memref<128x128xi32, #tpu.memory_space<vmem>> -> memref<1x128xi32, #tpu.memory_space<vmem>>
        %dma_wait3A_30 = tpu.memref_squeeze %dma_wait3A_29 : memref<1x128xi32, #tpu.memory_space<vmem>> -> memref<128xi32, #tpu.memory_space<vmem>>
        %dma_wait3A_31 = arith.constant 0 : i32
        %dma_wait3A_32 = arith.constant 0 : i32
        %dma_wait3A_33 = tpu.memref_slice %arg2[%dma_wait3A_31, %dma_wait3A_32] : memref<10112x128xf32, #tpu.memory_space<hbm>> -> memref<10112x128xf32, #tpu.memory_space<hbm>>
        tpu.wait_indirect_dma semaphore(%arg13 : memref<!tpu.dma_semaphore, #tpu.memory_space<semaphore_mem>>) src(%dma_wait3A_33 : memref<10112x128xf32, #tpu.memory_space<hbm>>) dst(%arg11 : memref<128x128xf32, #tpu.memory_space<vmem>>)
        "tpu.region"() ({
          %run_scoped3A = tpu.sem_alloc : memref<!tpu.dma_semaphore, #tpu.memory_space<semaphore_mem>>
          %dma_start3A_34 = arith.constant 0 : i32
          %dma_start3A_35 = tpu.memref_slice %arg10[%scan3A_23, %dma_start3A_34] : memref<128x128xi32, #tpu.memory_space<vmem>> -> memref<1x128xi32, #tpu.memory_space<vmem>>
          %dma_start3A_36 = tpu.memref_squeeze %dma_start3A_35 : memref<1x128xi32, #tpu.memory_space<vmem>> -> memref<128xi32, #tpu.memory_space<vmem>>
          %dma_start3A_37 = arith.constant 0 : i32
          %dma_start3A_38 = arith.constant 0 : i32
          %dma_start3A_39 = tpu.memref_slice %arg12[%dma_start3A_37, %dma_start3A_38] : memref<10112x128xf32, #tpu.memory_space<vmem_shared>> -> memref<10112x128xf32, #tpu.memory_space<vmem_shared>>
          tpu.enqueue_indirect_dma source(%arg11 : memref<128x128xf32, #tpu.memory_space<vmem>>) target(%dma_start3A_39 : memref<10112x128xf32, #tpu.memory_space<vmem_shared>>) offsets(%dma_start3A_36 : memref<128xi32, #tpu.memory_space<vmem>>) semaphore(%run_scoped3A : memref<!tpu.dma_semaphore, #tpu.memory_space<semaphore_mem>>) {add = true}
          %dma_wait3A_40 = arith.constant 0 : i32
          %dma_wait3A_41 = tpu.memref_slice %arg10[%scan3A_23, %dma_wait3A_40] : memref<128x128xi32, #tpu.memory_space<vmem>> -> memref<1x128xi32, #tpu.memory_space<vmem>>
          %dma_wait3A_42 = tpu.memref_squeeze %dma_wait3A_41 : memref<1x128xi32, #tpu.memory_space<vmem>> -> memref<128xi32, #tpu.memory_space<vmem>>
          %dma_wait3A_43 = arith.constant 0 : i32
          %dma_wait3A_44 = arith.constant 0 : i32
          %dma_wait3A_45 = tpu.memref_slice %arg12[%dma_wait3A_43, %dma_wait3A_44] : memref<10112x128xf32, #tpu.memory_space<vmem_shared>> -> memref<10112x128xf32, #tpu.memory_space<vmem_shared>>
          tpu.wait_indirect_dma semaphore(%run_scoped3A : memref<!tpu.dma_semaphore, #tpu.memory_space<semaphore_mem>>) src(%arg11 : memref<128x128xf32, #tpu.memory_space<vmem>>) dst(%dma_wait3A_45 : memref<10112x128xf32, #tpu.memory_space<vmem_shared>>)
          tpu.yield
        }) : () -> ()
      }
      %scan3A_22 = arith.constant 128 : i32
    } else {
    }
    %ne3A_12 = arith.constant 0 : i32
    %ne3A_13 = arith.cmpi ne, %arg0, %ne3A_12 : i32
    %convert_element_type3A_14 = arith.extui %ne3A_13 : i1 to i32
    %cond3A_15 = arith.constant 0 : i32
    %cond3A_16 = arith.cmpi ne, %convert_element_type3A_14, %cond3A_15 : i32
    scf.if %cond3A_16 {
      "tpu.region"() ({
        %run_scoped3A = tpu.sem_alloc : memref<!tpu.dma_semaphore, #tpu.memory_space<semaphore_mem>>
        %dma_start3A = arith.constant 0 : i32
        %dma_start3A_23 = arith.constant 0 : i32
        %dma_start3A_24 = tpu.memref_slice %arg9[%dma_start3A, %dma_start3A_23] : memref<128x128xi32, #tpu.memory_space<vmem>> -> memref<32x128xi32, #tpu.memory_space<vmem>>
        %dma_start3A_25 = arith.constant 0 : i32
        %dma_start3A_26 = arith.constant 0 : i32
        %dma_start3A_27 = tpu.memref_slice %arg5[%arg1, %dma_start3A_25, %dma_start3A_26] : memref<16x32x128xi32, #tpu.memory_space<hbm>> -> memref<1x32x128xi32, #tpu.memory_space<hbm>>
        %dma_start3A_28 = tpu.memref_squeeze %dma_start3A_27 : memref<1x32x128xi32, #tpu.memory_space<hbm>> -> memref<32x128xi32, #tpu.memory_space<hbm>>
        %dma_start3A_29 = arith.constant 0 : i32
        %dma_start3A_30 = arith.constant 0 : i32
        %dma_start3A_31 = tpu.memref_slice %arg9[%dma_start3A_29, %dma_start3A_30] : memref<128x128xi32, #tpu.memory_space<vmem>> -> memref<32x128xi32, #tpu.memory_space<vmem>>
        %dma_start3A_32 = arith.constant 0 : i32
        %dma_start3A_33 = arith.constant 0 : i32
        %dma_start3A_34 = tpu.memref_slice %arg5[%arg1, %dma_start3A_32, %dma_start3A_33] : memref<16x32x128xi32, #tpu.memory_space<hbm>> -> memref<1x32x128xi32, #tpu.memory_space<hbm>>
        %dma_start3A_35 = tpu.memref_squeeze %dma_start3A_34 : memref<1x32x128xi32, #tpu.memory_space<hbm>> -> memref<32x128xi32, #tpu.memory_space<hbm>>
        tpu.enqueue_dma source(%dma_start3A_35 : memref<32x128xi32, #tpu.memory_space<hbm>>) target(%dma_start3A_31 : memref<32x128xi32, #tpu.memory_space<vmem>>) target_semaphore(%run_scoped3A : memref<!tpu.dma_semaphore, #tpu.memory_space<semaphore_mem>>)
        %dma_wait3A = arith.constant 0 : i32
        %dma_wait3A_36 = arith.constant 0 : i32
        %dma_wait3A_37 = tpu.memref_slice %arg9[%dma_wait3A, %dma_wait3A_36] : memref<128x128xi32, #tpu.memory_space<vmem>> -> memref<32x128xi32, #tpu.memory_space<vmem>>
        %dma_wait3A_38 = arith.constant 0 : i32
        %dma_wait3A_39 = arith.constant 0 : i32
        %dma_wait3A_40 = tpu.memref_slice %arg5[%arg1, %dma_wait3A_38, %dma_wait3A_39] : memref<16x32x128xi32, #tpu.memory_space<hbm>> -> memref<1x32x128xi32, #tpu.memory_space<hbm>>
        %dma_wait3A_41 = tpu.memref_squeeze %dma_wait3A_40 : memref<1x32x128xi32, #tpu.memory_space<hbm>> -> memref<32x128xi32, #tpu.memory_space<hbm>>
        %dma_wait3A_42 = arith.constant 0 : i32
        %dma_wait3A_43 = arith.constant 0 : i32
        %dma_wait3A_44 = tpu.memref_slice %arg9[%dma_wait3A_42, %dma_wait3A_43] : memref<128x128xi32, #tpu.memory_space<vmem>> -> memref<32x128xi32, #tpu.memory_space<vmem>>
        %dma_wait3A_45 = arith.constant 0 : i32
        %dma_wait3A_46 = arith.constant 0 : i32
        %dma_wait3A_47 = tpu.memref_slice %arg5[%arg1, %dma_wait3A_45, %dma_wait3A_46] : memref<16x32x128xi32, #tpu.memory_space<hbm>> -> memref<1x32x128xi32, #tpu.memory_space<hbm>>
        %dma_wait3A_48 = tpu.memref_squeeze %dma_wait3A_47 : memref<1x32x128xi32, #tpu.memory_space<hbm>> -> memref<32x128xi32, #tpu.memory_space<hbm>>
        tpu.wait_dma2 semaphore(%run_scoped3A : memref<!tpu.dma_semaphore, #tpu.memory_space<semaphore_mem>>) src(%dma_wait3A_48 : memref<32x128xi32, #tpu.memory_space<hbm>>) dst(%dma_wait3A_44 : memref<32x128xi32, #tpu.memory_space<vmem>>)
        tpu.yield
      }) : () -> ()
      "tpu.region"() ({
        %run_scoped3A = tpu.sem_alloc : memref<!tpu.dma_semaphore, #tpu.memory_space<semaphore_mem>>
        %dma_start3A = arith.constant 0 : i32
        %dma_start3A_23 = arith.constant 0 : i32
        %dma_start3A_24 = tpu.memref_slice %arg10[%dma_start3A, %dma_start3A_23] : memref<128x128xi32, #tpu.memory_space<vmem>> -> memref<32x128xi32, #tpu.memory_space<vmem>>
        %dma_start3A_25 = arith.constant 0 : i32
        %dma_start3A_26 = arith.constant 0 : i32
        %dma_start3A_27 = tpu.memref_slice %arg6[%arg1, %dma_start3A_25, %dma_start3A_26] : memref<16x32x128xi32, #tpu.memory_space<hbm>> -> memref<1x32x128xi32, #tpu.memory_space<hbm>>
        %dma_start3A_28 = tpu.memref_squeeze %dma_start3A_27 : memref<1x32x128xi32, #tpu.memory_space<hbm>> -> memref<32x128xi32, #tpu.memory_space<hbm>>
        %dma_start3A_29 = arith.constant 0 : i32
        %dma_start3A_30 = arith.constant 0 : i32
        %dma_start3A_31 = tpu.memref_slice %arg10[%dma_start3A_29, %dma_start3A_30] : memref<128x128xi32, #tpu.memory_space<vmem>> -> memref<32x128xi32, #tpu.memory_space<vmem>>
        %dma_start3A_32 = arith.constant 0 : i32
        %dma_start3A_33 = arith.constant 0 : i32
        %dma_start3A_34 = tpu.memref_slice %arg6[%arg1, %dma_start3A_32, %dma_start3A_33] : memref<16x32x128xi32, #tpu.memory_space<hbm>> -> memref<1x32x128xi32, #tpu.memory_space<hbm>>
        %dma_start3A_35 = tpu.memref_squeeze %dma_start3A_34 : memref<1x32x128xi32, #tpu.memory_space<hbm>> -> memref<32x128xi32, #tpu.memory_space<hbm>>
        tpu.enqueue_dma source(%dma_start3A_35 : memref<32x128xi32, #tpu.memory_space<hbm>>) target(%dma_start3A_31 : memref<32x128xi32, #tpu.memory_space<vmem>>) target_semaphore(%run_scoped3A : memref<!tpu.dma_semaphore, #tpu.memory_space<semaphore_mem>>)
        %dma_wait3A = arith.constant 0 : i32
        %dma_wait3A_36 = arith.constant 0 : i32
        %dma_wait3A_37 = tpu.memref_slice %arg10[%dma_wait3A, %dma_wait3A_36] : memref<128x128xi32, #tpu.memory_space<vmem>> -> memref<32x128xi32, #tpu.memory_space<vmem>>
        %dma_wait3A_38 = arith.constant 0 : i32
        %dma_wait3A_39 = arith.constant 0 : i32
        %dma_wait3A_40 = tpu.memref_slice %arg6[%arg1, %dma_wait3A_38, %dma_wait3A_39] : memref<16x32x128xi32, #tpu.memory_space<hbm>> -> memref<1x32x128xi32, #tpu.memory_space<hbm>>
        %dma_wait3A_41 = tpu.memref_squeeze %dma_wait3A_40 : memref<1x32x128xi32, #tpu.memory_space<hbm>> -> memref<32x128xi32, #tpu.memory_space<hbm>>
        %dma_wait3A_42 = arith.constant 0 : i32
        %dma_wait3A_43 = arith.constant 0 : i32
        %dma_wait3A_44 = tpu.memref_slice %arg10[%dma_wait3A_42, %dma_wait3A_43] : memref<128x128xi32, #tpu.memory_space<vmem>> -> memref<32x128xi32, #tpu.memory_space<vmem>>
        %dma_wait3A_45 = arith.constant 0 : i32
        %dma_wait3A_46 = arith.constant 0 : i32
        %dma_wait3A_47 = tpu.memref_slice %arg6[%arg1, %dma_wait3A_45, %dma_wait3A_46] : memref<16x32x128xi32, #tpu.memory_space<hbm>> -> memref<1x32x128xi32, #tpu.memory_space<hbm>>
        %dma_wait3A_48 = tpu.memref_squeeze %dma_wait3A_47 : memref<1x32x128xi32, #tpu.memory_space<hbm>> -> memref<32x128xi32, #tpu.memory_space<hbm>>
        tpu.wait_dma2 semaphore(%run_scoped3A : memref<!tpu.dma_semaphore, #tpu.memory_space<semaphore_mem>>) src(%dma_wait3A_48 : memref<32x128xi32, #tpu.memory_space<hbm>>) dst(%dma_wait3A_44 : memref<32x128xi32, #tpu.memory_space<vmem>>)
        tpu.yield
      }) : () -> ()
      %barrier3A_17 = arith.constant 0 : index
      tpu.barrier barrier_id(%barrier3A_17)
      %scan3A = arith.constant 0 : i32
      %scan3A_18 = arith.constant 0 : i32
      %scan3A_19 = arith.constant 32 : i32
      %scan3A_20 = arith.addi %scan3A_18, %scan3A_19 : i32
      %scan3A_21 = arith.constant 1 : i32
      scf.for %scan3A_23 = %scan3A_18 to %scan3A_20 step %scan3A_21  : i32 {
        %dma_start3A = arith.constant 0 : i32
        %dma_start3A_24 = tpu.memref_slice %arg9[%scan3A_23, %dma_start3A] : memref<128x128xi32, #tpu.memory_space<vmem>> -> memref<1x128xi32, #tpu.memory_space<vmem>>
        %dma_start3A_25 = tpu.memref_squeeze %dma_start3A_24 : memref<1x128xi32, #tpu.memory_space<vmem>> -> memref<128xi32, #tpu.memory_space<vmem>>
        %dma_start3A_26 = arith.constant 0 : i32
        %dma_start3A_27 = arith.constant 0 : i32
        %dma_start3A_28 = tpu.memref_slice %arg2[%dma_start3A_26, %dma_start3A_27] : memref<10112x128xf32, #tpu.memory_space<hbm>> -> memref<10112x128xf32, #tpu.memory_space<hbm>>
        tpu.enqueue_indirect_dma source(%dma_start3A_28 : memref<10112x128xf32, #tpu.memory_space<hbm>>) target(%arg11 : memref<128x128xf32, #tpu.memory_space<vmem>>) offsets(%dma_start3A_25 : memref<128xi32, #tpu.memory_space<vmem>>) semaphore(%arg13 : memref<!tpu.dma_semaphore, #tpu.memory_space<semaphore_mem>>)
        %dma_wait3A = arith.constant 0 : i32
        %dma_wait3A_29 = tpu.memref_slice %arg9[%scan3A_23, %dma_wait3A] : memref<128x128xi32, #tpu.memory_space<vmem>> -> memref<1x128xi32, #tpu.memory_space<vmem>>
        %dma_wait3A_30 = tpu.memref_squeeze %dma_wait3A_29 : memref<1x128xi32, #tpu.memory_space<vmem>> -> memref<128xi32, #tpu.memory_space<vmem>>
        %dma_wait3A_31 = arith.constant 0 : i32
        %dma_wait3A_32 = arith.constant 0 : i32
        %dma_wait3A_33 = tpu.memref_slice %arg2[%dma_wait3A_31, %dma_wait3A_32] : memref<10112x128xf32, #tpu.memory_space<hbm>> -> memref<10112x128xf32, #tpu.memory_space<hbm>>
        tpu.wait_indirect_dma semaphore(%arg13 : memref<!tpu.dma_semaphore, #tpu.memory_space<semaphore_mem>>) src(%dma_wait3A_33 : memref<10112x128xf32, #tpu.memory_space<hbm>>) dst(%arg11 : memref<128x128xf32, #tpu.memory_space<vmem>>)
        "tpu.region"() ({
          %run_scoped3A = tpu.sem_alloc : memref<!tpu.dma_semaphore, #tpu.memory_space<semaphore_mem>>
          %dma_start3A_34 = arith.constant 0 : i32
          %dma_start3A_35 = tpu.memref_slice %arg10[%scan3A_23, %dma_start3A_34] : memref<128x128xi32, #tpu.memory_space<vmem>> -> memref<1x128xi32, #tpu.memory_space<vmem>>
          %dma_start3A_36 = tpu.memref_squeeze %dma_start3A_35 : memref<1x128xi32, #tpu.memory_space<vmem>> -> memref<128xi32, #tpu.memory_space<vmem>>
          %dma_start3A_37 = arith.constant 0 : i32
          %dma_start3A_38 = arith.constant 0 : i32
          %dma_start3A_39 = tpu.memref_slice %arg12[%dma_start3A_37, %dma_start3A_38] : memref<10112x128xf32, #tpu.memory_space<vmem_shared>> -> memref<10112x128xf32, #tpu.memory_space<vmem_shared>>
          tpu.enqueue_indirect_dma source(%arg11 : memref<128x128xf32, #tpu.memory_space<vmem>>) target(%dma_start3A_39 : memref<10112x128xf32, #tpu.memory_space<vmem_shared>>) offsets(%dma_start3A_36 : memref<128xi32, #tpu.memory_space<vmem>>) semaphore(%run_scoped3A : memref<!tpu.dma_semaphore, #tpu.memory_space<semaphore_mem>>) {add = true}
          %dma_wait3A_40 = arith.constant 0 : i32
          %dma_wait3A_41 = tpu.memref_slice %arg10[%scan3A_23, %dma_wait3A_40] : memref<128x128xi32, #tpu.memory_space<vmem>> -> memref<1x128xi32, #tpu.memory_space<vmem>>
          %dma_wait3A_42 = tpu.memref_squeeze %dma_wait3A_41 : memref<1x128xi32, #tpu.memory_space<vmem>> -> memref<128xi32, #tpu.memory_space<vmem>>
          %dma_wait3A_43 = arith.constant 0 : i32
          %dma_wait3A_44 = arith.constant 0 : i32
          %dma_wait3A_45 = tpu.memref_slice %arg12[%dma_wait3A_43, %dma_wait3A_44] : memref<10112x128xf32, #tpu.memory_space<vmem_shared>> -> memref<10112x128xf32, #tpu.memory_space<vmem_shared>>
          tpu.wait_indirect_dma semaphore(%run_scoped3A : memref<!tpu.dma_semaphore, #tpu.memory_space<semaphore_mem>>) src(%arg11 : memref<128x128xf32, #tpu.memory_space<vmem>>) dst(%dma_wait3A_45 : memref<10112x128xf32, #tpu.memory_space<vmem_shared>>)
          tpu.yield
        }) : () -> ()
      }
      %scan3A_22 = arith.constant 32 : i32
    } else {
    }
    %barrier3A = arith.constant 0 : index
    tpu.barrier barrier_id(%barrier3A)
    "tpu.region"() ({
      %run_scoped3A = tpu.sem_alloc : memref<!tpu.dma_semaphore, #tpu.memory_space<semaphore_mem>>
      %dma_start3A = arith.constant 0 : i32
      %dma_start3A_17 = tpu.memref_slice %arg8[%arg0, %mul3A_0, %dma_start3A] : memref<2x10112x128xf32, #tpu.memory_space<hbm>> -> memref<1x632x128xf32, #tpu.memory_space<hbm>>
      %dma_start3A_18 = tpu.memref_squeeze %dma_start3A_17 : memref<1x632x128xf32, #tpu.memory_space<hbm>> -> memref<632x128xf32, #tpu.memory_space<hbm>>
      %dma_start3A_19 = arith.constant 0 : i32
      %dma_start3A_20 = tpu.memref_slice %arg12[%mul3A_0, %dma_start3A_19] : memref<10112x128xf32, #tpu.memory_space<vmem_shared>> -> memref<632x128xf32, #tpu.memory_space<vmem_shared>>
      tpu.enqueue_dma source(%dma_start3A_20 : memref<632x128xf32, #tpu.memory_space<vmem_shared>>) target(%dma_start3A_18 : memref<632x128xf32, #tpu.memory_space<hbm>>) target_semaphore(%run_scoped3A : memref<!tpu.dma_semaphore, #tpu.memory_space<semaphore_mem>>)
      %dma_wait3A = arith.constant 0 : i32
      %dma_wait3A_21 = tpu.memref_slice %arg8[%arg0, %mul3A_0, %dma_wait3A] : memref<2x10112x128xf32, #tpu.memory_space<hbm>> -> memref<1x632x128xf32, #tpu.memory_space<hbm>>
      %dma_wait3A_22 = tpu.memref_squeeze %dma_wait3A_21 : memref<1x632x128xf32, #tpu.memory_space<hbm>> -> memref<632x128xf32, #tpu.memory_space<hbm>>
      %dma_wait3A_23 = arith.constant 0 : i32
      %dma_wait3A_24 = tpu.memref_slice %arg12[%mul3A_0, %dma_wait3A_23] : memref<10112x128xf32, #tpu.memory_space<vmem_shared>> -> memref<632x128xf32, #tpu.memory_space<vmem_shared>>
      tpu.wait_dma2 semaphore(%run_scoped3A : memref<!tpu.dma_semaphore, #tpu.memory_space<semaphore_mem>>) src(%dma_wait3A_24 : memref<632x128xf32, #tpu.memory_space<vmem_shared>>) dst(%dma_wait3A_22 : memref<632x128xf32, #tpu.memory_space<hbm>>)
      tpu.yield
    }) : () -> ()
    return
  }
}

#map = affine_map<(d0, d1) -> (0, 0)>
#map1 = affine_map<(d0, d1) -> (0, 0, 0)>
module attributes {stable_mosaic.version = 14 : i64} {
  func.func @_edge_pass_sc_body(%arg0: i32, %arg1: i32, %arg2: memref<10112x128xf32, #tpu.memory_space<hbm>>, %arg3: memref<16x128x128xi32, #tpu.memory_space<hbm>>, %arg4: memref<16x128x128xi32, #tpu.memory_space<hbm>>, %arg5: memref<16x32x128xi32, #tpu.memory_space<hbm>>, %arg6: memref<16x32x128xi32, #tpu.memory_space<hbm>>, %arg7: memref<10112x128xf32, #tpu.memory_space<hbm>>, %arg8: memref<2x10112x128xf32, #tpu.memory_space<hbm>>, %arg9: memref<128x128xi32, #tpu.memory_space<vmem>>, %arg10: memref<128x128xi32, #tpu.memory_space<vmem>>, %arg11: memref<128x128xf32, #tpu.memory_space<vmem>>, %arg12: memref<10112x128xf32, #tpu.memory_space<vmem_shared>>, %arg13: memref<!tpu.dma_semaphore, #tpu.memory_space<semaphore_mem>>) attributes {dimension_semantics = [#tpu.dimension_semantics<core_parallel>, #tpu.dimension_semantics<subcore_parallel>], iteration_bounds = array<i64: 2, 16>, scalar_prefetch = 0 : i64, scratch_operands = 5 : i64, tpu.core_type = #tpu.core_type<sc_vector_subcore>, window_params = [{transform_indices = #map}, {transform_indices = #map1}, {transform_indices = #map1}, {transform_indices = #map1}, {transform_indices = #map1}, {transform_indices = #map}, {transform_indices = #map1}]} {
    %mul3A = arith.constant 632 : i32
    %mul3A_0 = arith.muli %arg1, %mul3A : i32
    %eq3A = arith.constant 0 : i32
    %eq3A_1 = arith.cmpi eq, %arg0, %eq3A : i32
    %convert_element_type3A = arith.extui %eq3A_1 : i1 to i32
    %cond3A = arith.constant 0 : i32
    %cond3A_2 = arith.cmpi ne, %convert_element_type3A, %cond3A : i32
    scf.if %cond3A_2 {
      "tpu.region"() ({
        %run_scoped3A = tpu.sem_alloc : memref<!tpu.dma_semaphore, #tpu.memory_space<semaphore_mem>>
        %dma_start3A = arith.constant 0 : i32
        %dma_start3A_17 = tpu.memref_slice %arg12[%mul3A_0, %dma_start3A] : memref<10112x128xf32, #tpu.memory_space<vmem_shared>> -> memref<632x128xf32, #tpu.memory_space<vmem_shared>>
        %dma_start3A_18 = arith.constant 0 : i32
        %dma_start3A_19 = tpu.memref_slice %arg2[%mul3A_0, %dma_start3A_18] : memref<10112x128xf32, #tpu.memory_space<hbm>> -> memref<632x128xf32, #tpu.memory_space<hbm>>
        tpu.enqueue_dma source(%dma_start3A_19 : memref<632x128xf32, #tpu.memory_space<hbm>>) target(%dma_start3A_17 : memref<632x128xf32, #tpu.memory_space<vmem_shared>>) target_semaphore(%run_scoped3A : memref<!tpu.dma_semaphore, #tpu.memory_space<semaphore_mem>>)
        %dma_wait3A = arith.constant 0 : i32
        %dma_wait3A_20 = tpu.memref_slice %arg12[%mul3A_0, %dma_wait3A] : memref<10112x128xf32, #tpu.memory_space<vmem_shared>> -> memref<632x128xf32, #tpu.memory_space<vmem_shared>>
        %dma_wait3A_21 = arith.constant 0 : i32
        %dma_wait3A_22 = tpu.memref_slice %arg2[%mul3A_0, %dma_wait3A_21] : memref<10112x128xf32, #tpu.memory_space<hbm>> -> memref<632x128xf32, #tpu.memory_space<hbm>>
        tpu.wait_dma2 semaphore(%run_scoped3A : memref<!tpu.dma_semaphore, #tpu.memory_space<semaphore_mem>>) src(%dma_wait3A_22 : memref<632x128xf32, #tpu.memory_space<hbm>>) dst(%dma_wait3A_20 : memref<632x128xf32, #tpu.memory_space<vmem_shared>>)
        tpu.yield
      }) : () -> ()
    } else {
    }
    %ne3A = arith.constant 0 : i32
    %ne3A_3 = arith.cmpi ne, %arg0, %ne3A : i32
    %convert_element_type3A_4 = arith.extui %ne3A_3 : i1 to i32
    %cond3A_5 = arith.constant 0 : i32
    %cond3A_6 = arith.cmpi ne, %convert_element_type3A_4, %cond3A_5 : i32
    scf.if %cond3A_6 {
      "tpu.region"() ({
        %run_scoped3A = tpu.sem_alloc : memref<!tpu.dma_semaphore, #tpu.memory_space<semaphore_mem>>
        %dma_start3A = arith.constant 0 : i32
        %dma_start3A_17 = tpu.memref_slice %arg12[%mul3A_0, %dma_start3A] : memref<10112x128xf32, #tpu.memory_space<vmem_shared>> -> memref<632x128xf32, #tpu.memory_space<vmem_shared>>
        %dma_start3A_18 = arith.constant 0 : i32
        %dma_start3A_19 = tpu.memref_slice %arg7[%mul3A_0, %dma_start3A_18] : memref<10112x128xf32, #tpu.memory_space<hbm>> -> memref<632x128xf32, #tpu.memory_space<hbm>>
        tpu.enqueue_dma source(%dma_start3A_19 : memref<632x128xf32, #tpu.memory_space<hbm>>) target(%dma_start3A_17 : memref<632x128xf32, #tpu.memory_space<vmem_shared>>) target_semaphore(%run_scoped3A : memref<!tpu.dma_semaphore, #tpu.memory_space<semaphore_mem>>)
        %dma_wait3A = arith.constant 0 : i32
        %dma_wait3A_20 = tpu.memref_slice %arg12[%mul3A_0, %dma_wait3A] : memref<10112x128xf32, #tpu.memory_space<vmem_shared>> -> memref<632x128xf32, #tpu.memory_space<vmem_shared>>
        %dma_wait3A_21 = arith.constant 0 : i32
        %dma_wait3A_22 = tpu.memref_slice %arg7[%mul3A_0, %dma_wait3A_21] : memref<10112x128xf32, #tpu.memory_space<hbm>> -> memref<632x128xf32, #tpu.memory_space<hbm>>
        tpu.wait_dma2 semaphore(%run_scoped3A : memref<!tpu.dma_semaphore, #tpu.memory_space<semaphore_mem>>) src(%dma_wait3A_22 : memref<632x128xf32, #tpu.memory_space<hbm>>) dst(%dma_wait3A_20 : memref<632x128xf32, #tpu.memory_space<vmem_shared>>)
        tpu.yield
      }) : () -> ()
    } else {
    }
    %eq3A_7 = arith.constant 0 : i32
    %eq3A_8 = arith.cmpi eq, %arg0, %eq3A_7 : i32
    %convert_element_type3A_9 = arith.extui %eq3A_8 : i1 to i32
    %cond3A_10 = arith.constant 0 : i32
    %cond3A_11 = arith.cmpi ne, %convert_element_type3A_9, %cond3A_10 : i32
    scf.if %cond3A_11 {
      "tpu.region"() ({
        %run_scoped3A = tpu.sem_alloc : memref<!tpu.dma_semaphore, #tpu.memory_space<semaphore_mem>>
        %dma_start3A = arith.constant 0 : i32
        %dma_start3A_23 = arith.constant 0 : i32
        %dma_start3A_24 = tpu.memref_slice %arg9[%dma_start3A, %dma_start3A_23] : memref<128x128xi32, #tpu.memory_space<vmem>> -> memref<128x128xi32, #tpu.memory_space<vmem>>
        %dma_start3A_25 = arith.constant 0 : i32
        %dma_start3A_26 = arith.constant 0 : i32
        %dma_start3A_27 = tpu.memref_slice %arg3[%arg1, %dma_start3A_25, %dma_start3A_26] : memref<16x128x128xi32, #tpu.memory_space<hbm>> -> memref<1x128x128xi32, #tpu.memory_space<hbm>>
        %dma_start3A_28 = tpu.memref_squeeze %dma_start3A_27 : memref<1x128x128xi32, #tpu.memory_space<hbm>> -> memref<128x128xi32, #tpu.memory_space<hbm>>
        %dma_start3A_29 = arith.constant 0 : i32
        %dma_start3A_30 = arith.constant 0 : i32
        %dma_start3A_31 = tpu.memref_slice %arg9[%dma_start3A_29, %dma_start3A_30] : memref<128x128xi32, #tpu.memory_space<vmem>> -> memref<128x128xi32, #tpu.memory_space<vmem>>
        %dma_start3A_32 = arith.constant 0 : i32
        %dma_start3A_33 = arith.constant 0 : i32
        %dma_start3A_34 = tpu.memref_slice %arg3[%arg1, %dma_start3A_32, %dma_start3A_33] : memref<16x128x128xi32, #tpu.memory_space<hbm>> -> memref<1x128x128xi32, #tpu.memory_space<hbm>>
        %dma_start3A_35 = tpu.memref_squeeze %dma_start3A_34 : memref<1x128x128xi32, #tpu.memory_space<hbm>> -> memref<128x128xi32, #tpu.memory_space<hbm>>
        tpu.enqueue_dma source(%dma_start3A_35 : memref<128x128xi32, #tpu.memory_space<hbm>>) target(%dma_start3A_31 : memref<128x128xi32, #tpu.memory_space<vmem>>) target_semaphore(%run_scoped3A : memref<!tpu.dma_semaphore, #tpu.memory_space<semaphore_mem>>)
        %dma_wait3A = arith.constant 0 : i32
        %dma_wait3A_36 = arith.constant 0 : i32
        %dma_wait3A_37 = tpu.memref_slice %arg9[%dma_wait3A, %dma_wait3A_36] : memref<128x128xi32, #tpu.memory_space<vmem>> -> memref<128x128xi32, #tpu.memory_space<vmem>>
        %dma_wait3A_38 = arith.constant 0 : i32
        %dma_wait3A_39 = arith.constant 0 : i32
        %dma_wait3A_40 = tpu.memref_slice %arg3[%arg1, %dma_wait3A_38, %dma_wait3A_39] : memref<16x128x128xi32, #tpu.memory_space<hbm>> -> memref<1x128x128xi32, #tpu.memory_space<hbm>>
        %dma_wait3A_41 = tpu.memref_squeeze %dma_wait3A_40 : memref<1x128x128xi32, #tpu.memory_space<hbm>> -> memref<128x128xi32, #tpu.memory_space<hbm>>
        %dma_wait3A_42 = arith.constant 0 : i32
        %dma_wait3A_43 = arith.constant 0 : i32
        %dma_wait3A_44 = tpu.memref_slice %arg9[%dma_wait3A_42, %dma_wait3A_43] : memref<128x128xi32, #tpu.memory_space<vmem>> -> memref<128x128xi32, #tpu.memory_space<vmem>>
        %dma_wait3A_45 = arith.constant 0 : i32
        %dma_wait3A_46 = arith.constant 0 : i32
        %dma_wait3A_47 = tpu.memref_slice %arg3[%arg1, %dma_wait3A_45, %dma_wait3A_46] : memref<16x128x128xi32, #tpu.memory_space<hbm>> -> memref<1x128x128xi32, #tpu.memory_space<hbm>>
        %dma_wait3A_48 = tpu.memref_squeeze %dma_wait3A_47 : memref<1x128x128xi32, #tpu.memory_space<hbm>> -> memref<128x128xi32, #tpu.memory_space<hbm>>
        tpu.wait_dma2 semaphore(%run_scoped3A : memref<!tpu.dma_semaphore, #tpu.memory_space<semaphore_mem>>) src(%dma_wait3A_48 : memref<128x128xi32, #tpu.memory_space<hbm>>) dst(%dma_wait3A_44 : memref<128x128xi32, #tpu.memory_space<vmem>>)
        tpu.yield
      }) : () -> ()
      "tpu.region"() ({
        %run_scoped3A = tpu.sem_alloc : memref<!tpu.dma_semaphore, #tpu.memory_space<semaphore_mem>>
        %dma_start3A = arith.constant 0 : i32
        %dma_start3A_23 = arith.constant 0 : i32
        %dma_start3A_24 = tpu.memref_slice %arg10[%dma_start3A, %dma_start3A_23] : memref<128x128xi32, #tpu.memory_space<vmem>> -> memref<128x128xi32, #tpu.memory_space<vmem>>
        %dma_start3A_25 = arith.constant 0 : i32
        %dma_start3A_26 = arith.constant 0 : i32
        %dma_start3A_27 = tpu.memref_slice %arg4[%arg1, %dma_start3A_25, %dma_start3A_26] : memref<16x128x128xi32, #tpu.memory_space<hbm>> -> memref<1x128x128xi32, #tpu.memory_space<hbm>>
        %dma_start3A_28 = tpu.memref_squeeze %dma_start3A_27 : memref<1x128x128xi32, #tpu.memory_space<hbm>> -> memref<128x128xi32, #tpu.memory_space<hbm>>
        %dma_start3A_29 = arith.constant 0 : i32
        %dma_start3A_30 = arith.constant 0 : i32
        %dma_start3A_31 = tpu.memref_slice %arg10[%dma_start3A_29, %dma_start3A_30] : memref<128x128xi32, #tpu.memory_space<vmem>> -> memref<128x128xi32, #tpu.memory_space<vmem>>
        %dma_start3A_32 = arith.constant 0 : i32
        %dma_start3A_33 = arith.constant 0 : i32
        %dma_start3A_34 = tpu.memref_slice %arg4[%arg1, %dma_start3A_32, %dma_start3A_33] : memref<16x128x128xi32, #tpu.memory_space<hbm>> -> memref<1x128x128xi32, #tpu.memory_space<hbm>>
        %dma_start3A_35 = tpu.memref_squeeze %dma_start3A_34 : memref<1x128x128xi32, #tpu.memory_space<hbm>> -> memref<128x128xi32, #tpu.memory_space<hbm>>
        tpu.enqueue_dma source(%dma_start3A_35 : memref<128x128xi32, #tpu.memory_space<hbm>>) target(%dma_start3A_31 : memref<128x128xi32, #tpu.memory_space<vmem>>) target_semaphore(%run_scoped3A : memref<!tpu.dma_semaphore, #tpu.memory_space<semaphore_mem>>)
        %dma_wait3A = arith.constant 0 : i32
        %dma_wait3A_36 = arith.constant 0 : i32
        %dma_wait3A_37 = tpu.memref_slice %arg10[%dma_wait3A, %dma_wait3A_36] : memref<128x128xi32, #tpu.memory_space<vmem>> -> memref<128x128xi32, #tpu.memory_space<vmem>>
        %dma_wait3A_38 = arith.constant 0 : i32
        %dma_wait3A_39 = arith.constant 0 : i32
        %dma_wait3A_40 = tpu.memref_slice %arg4[%arg1, %dma_wait3A_38, %dma_wait3A_39] : memref<16x128x128xi32, #tpu.memory_space<hbm>> -> memref<1x128x128xi32, #tpu.memory_space<hbm>>
        %dma_wait3A_41 = tpu.memref_squeeze %dma_wait3A_40 : memref<1x128x128xi32, #tpu.memory_space<hbm>> -> memref<128x128xi32, #tpu.memory_space<hbm>>
        %dma_wait3A_42 = arith.constant 0 : i32
        %dma_wait3A_43 = arith.constant 0 : i32
        %dma_wait3A_44 = tpu.memref_slice %arg10[%dma_wait3A_42, %dma_wait3A_43] : memref<128x128xi32, #tpu.memory_space<vmem>> -> memref<128x128xi32, #tpu.memory_space<vmem>>
        %dma_wait3A_45 = arith.constant 0 : i32
        %dma_wait3A_46 = arith.constant 0 : i32
        %dma_wait3A_47 = tpu.memref_slice %arg4[%arg1, %dma_wait3A_45, %dma_wait3A_46] : memref<16x128x128xi32, #tpu.memory_space<hbm>> -> memref<1x128x128xi32, #tpu.memory_space<hbm>>
        %dma_wait3A_48 = tpu.memref_squeeze %dma_wait3A_47 : memref<1x128x128xi32, #tpu.memory_space<hbm>> -> memref<128x128xi32, #tpu.memory_space<hbm>>
        tpu.wait_dma2 semaphore(%run_scoped3A : memref<!tpu.dma_semaphore, #tpu.memory_space<semaphore_mem>>) src(%dma_wait3A_48 : memref<128x128xi32, #tpu.memory_space<hbm>>) dst(%dma_wait3A_44 : memref<128x128xi32, #tpu.memory_space<vmem>>)
        tpu.yield
      }) : () -> ()
      %barrier3A_17 = arith.constant 0 : index
      tpu.barrier barrier_id(%barrier3A_17)
      %scan3A = arith.constant 0 : i32
      %scan3A_18 = arith.constant 0 : i32
      %scan3A_19 = arith.constant 128 : i32
      %scan3A_20 = arith.addi %scan3A_18, %scan3A_19 : i32
      %scan3A_21 = arith.constant 1 : i32
      scf.for %scan3A_23 = %scan3A_18 to %scan3A_20 step %scan3A_21  : i32 {
        %dma_start3A = arith.constant 0 : i32
        %dma_start3A_24 = tpu.memref_slice %arg9[%scan3A_23, %dma_start3A] : memref<128x128xi32, #tpu.memory_space<vmem>> -> memref<1x128xi32, #tpu.memory_space<vmem>>
        %dma_start3A_25 = tpu.memref_squeeze %dma_start3A_24 : memref<1x128xi32, #tpu.memory_space<vmem>> -> memref<128xi32, #tpu.memory_space<vmem>>
        %dma_start3A_26 = arith.constant 0 : i32
        %dma_start3A_27 = arith.constant 0 : i32
        %dma_start3A_28 = tpu.memref_slice %arg2[%dma_start3A_26, %dma_start3A_27] : memref<10112x128xf32, #tpu.memory_space<hbm>> -> memref<10112x128xf32, #tpu.memory_space<hbm>>
        tpu.enqueue_indirect_dma source(%dma_start3A_28 : memref<10112x128xf32, #tpu.memory_space<hbm>>) target(%arg11 : memref<128x128xf32, #tpu.memory_space<vmem>>) offsets(%dma_start3A_25 : memref<128xi32, #tpu.memory_space<vmem>>) semaphore(%arg13 : memref<!tpu.dma_semaphore, #tpu.memory_space<semaphore_mem>>)
        %dma_wait3A = arith.constant 0 : i32
        %dma_wait3A_29 = tpu.memref_slice %arg9[%scan3A_23, %dma_wait3A] : memref<128x128xi32, #tpu.memory_space<vmem>> -> memref<1x128xi32, #tpu.memory_space<vmem>>
        %dma_wait3A_30 = tpu.memref_squeeze %dma_wait3A_29 : memref<1x128xi32, #tpu.memory_space<vmem>> -> memref<128xi32, #tpu.memory_space<vmem>>
        %dma_wait3A_31 = arith.constant 0 : i32
        %dma_wait3A_32 = arith.constant 0 : i32
        %dma_wait3A_33 = tpu.memref_slice %arg2[%dma_wait3A_31, %dma_wait3A_32] : memref<10112x128xf32, #tpu.memory_space<hbm>> -> memref<10112x128xf32, #tpu.memory_space<hbm>>
        tpu.wait_indirect_dma semaphore(%arg13 : memref<!tpu.dma_semaphore, #tpu.memory_space<semaphore_mem>>) src(%dma_wait3A_33 : memref<10112x128xf32, #tpu.memory_space<hbm>>) dst(%arg11 : memref<128x128xf32, #tpu.memory_space<vmem>>)
        "tpu.region"() ({
          %run_scoped3A = tpu.sem_alloc : memref<!tpu.dma_semaphore, #tpu.memory_space<semaphore_mem>>
          %dma_start3A_34 = arith.constant 0 : i32
          %dma_start3A_35 = tpu.memref_slice %arg10[%scan3A_23, %dma_start3A_34] : memref<128x128xi32, #tpu.memory_space<vmem>> -> memref<1x128xi32, #tpu.memory_space<vmem>>
          %dma_start3A_36 = tpu.memref_squeeze %dma_start3A_35 : memref<1x128xi32, #tpu.memory_space<vmem>> -> memref<128xi32, #tpu.memory_space<vmem>>
          %dma_start3A_37 = arith.constant 0 : i32
          %dma_start3A_38 = arith.constant 0 : i32
          %dma_start3A_39 = tpu.memref_slice %arg12[%dma_start3A_37, %dma_start3A_38] : memref<10112x128xf32, #tpu.memory_space<vmem_shared>> -> memref<10112x128xf32, #tpu.memory_space<vmem_shared>>
          tpu.enqueue_indirect_dma source(%arg11 : memref<128x128xf32, #tpu.memory_space<vmem>>) target(%dma_start3A_39 : memref<10112x128xf32, #tpu.memory_space<vmem_shared>>) offsets(%dma_start3A_36 : memref<128xi32, #tpu.memory_space<vmem>>) semaphore(%run_scoped3A : memref<!tpu.dma_semaphore, #tpu.memory_space<semaphore_mem>>) {add = true}
          %dma_wait3A_40 = arith.constant 0 : i32
          %dma_wait3A_41 = tpu.memref_slice %arg10[%scan3A_23, %dma_wait3A_40] : memref<128x128xi32, #tpu.memory_space<vmem>> -> memref<1x128xi32, #tpu.memory_space<vmem>>
          %dma_wait3A_42 = tpu.memref_squeeze %dma_wait3A_41 : memref<1x128xi32, #tpu.memory_space<vmem>> -> memref<128xi32, #tpu.memory_space<vmem>>
          %dma_wait3A_43 = arith.constant 0 : i32
          %dma_wait3A_44 = arith.constant 0 : i32
          %dma_wait3A_45 = tpu.memref_slice %arg12[%dma_wait3A_43, %dma_wait3A_44] : memref<10112x128xf32, #tpu.memory_space<vmem_shared>> -> memref<10112x128xf32, #tpu.memory_space<vmem_shared>>
          tpu.wait_indirect_dma semaphore(%run_scoped3A : memref<!tpu.dma_semaphore, #tpu.memory_space<semaphore_mem>>) src(%arg11 : memref<128x128xf32, #tpu.memory_space<vmem>>) dst(%dma_wait3A_45 : memref<10112x128xf32, #tpu.memory_space<vmem_shared>>)
          tpu.yield
        }) : () -> ()
      }
      %scan3A_22 = arith.constant 128 : i32
    } else {
    }
    %ne3A_12 = arith.constant 0 : i32
    %ne3A_13 = arith.cmpi ne, %arg0, %ne3A_12 : i32
    %convert_element_type3A_14 = arith.extui %ne3A_13 : i1 to i32
    %cond3A_15 = arith.constant 0 : i32
    %cond3A_16 = arith.cmpi ne, %convert_element_type3A_14, %cond3A_15 : i32
    scf.if %cond3A_16 {
      "tpu.region"() ({
        %run_scoped3A = tpu.sem_alloc : memref<!tpu.dma_semaphore, #tpu.memory_space<semaphore_mem>>
        %dma_start3A = arith.constant 0 : i32
        %dma_start3A_23 = arith.constant 0 : i32
        %dma_start3A_24 = tpu.memref_slice %arg9[%dma_start3A, %dma_start3A_23] : memref<128x128xi32, #tpu.memory_space<vmem>> -> memref<32x128xi32, #tpu.memory_space<vmem>>
        %dma_start3A_25 = arith.constant 0 : i32
        %dma_start3A_26 = arith.constant 0 : i32
        %dma_start3A_27 = tpu.memref_slice %arg5[%arg1, %dma_start3A_25, %dma_start3A_26] : memref<16x32x128xi32, #tpu.memory_space<hbm>> -> memref<1x32x128xi32, #tpu.memory_space<hbm>>
        %dma_start3A_28 = tpu.memref_squeeze %dma_start3A_27 : memref<1x32x128xi32, #tpu.memory_space<hbm>> -> memref<32x128xi32, #tpu.memory_space<hbm>>
        %dma_start3A_29 = arith.constant 0 : i32
        %dma_start3A_30 = arith.constant 0 : i32
        %dma_start3A_31 = tpu.memref_slice %arg9[%dma_start3A_29, %dma_start3A_30] : memref<128x128xi32, #tpu.memory_space<vmem>> -> memref<32x128xi32, #tpu.memory_space<vmem>>
        %dma_start3A_32 = arith.constant 0 : i32
        %dma_start3A_33 = arith.constant 0 : i32
        %dma_start3A_34 = tpu.memref_slice %arg5[%arg1, %dma_start3A_32, %dma_start3A_33] : memref<16x32x128xi32, #tpu.memory_space<hbm>> -> memref<1x32x128xi32, #tpu.memory_space<hbm>>
        %dma_start3A_35 = tpu.memref_squeeze %dma_start3A_34 : memref<1x32x128xi32, #tpu.memory_space<hbm>> -> memref<32x128xi32, #tpu.memory_space<hbm>>
        tpu.enqueue_dma source(%dma_start3A_35 : memref<32x128xi32, #tpu.memory_space<hbm>>) target(%dma_start3A_31 : memref<32x128xi32, #tpu.memory_space<vmem>>) target_semaphore(%run_scoped3A : memref<!tpu.dma_semaphore, #tpu.memory_space<semaphore_mem>>)
        %dma_wait3A = arith.constant 0 : i32
        %dma_wait3A_36 = arith.constant 0 : i32
        %dma_wait3A_37 = tpu.memref_slice %arg9[%dma_wait3A, %dma_wait3A_36] : memref<128x128xi32, #tpu.memory_space<vmem>> -> memref<32x128xi32, #tpu.memory_space<vmem>>
        %dma_wait3A_38 = arith.constant 0 : i32
        %dma_wait3A_39 = arith.constant 0 : i32
        %dma_wait3A_40 = tpu.memref_slice %arg5[%arg1, %dma_wait3A_38, %dma_wait3A_39] : memref<16x32x128xi32, #tpu.memory_space<hbm>> -> memref<1x32x128xi32, #tpu.memory_space<hbm>>
        %dma_wait3A_41 = tpu.memref_squeeze %dma_wait3A_40 : memref<1x32x128xi32, #tpu.memory_space<hbm>> -> memref<32x128xi32, #tpu.memory_space<hbm>>
        %dma_wait3A_42 = arith.constant 0 : i32
        %dma_wait3A_43 = arith.constant 0 : i32
        %dma_wait3A_44 = tpu.memref_slice %arg9[%dma_wait3A_42, %dma_wait3A_43] : memref<128x128xi32, #tpu.memory_space<vmem>> -> memref<32x128xi32, #tpu.memory_space<vmem>>
        %dma_wait3A_45 = arith.constant 0 : i32
        %dma_wait3A_46 = arith.constant 0 : i32
        %dma_wait3A_47 = tpu.memref_slice %arg5[%arg1, %dma_wait3A_45, %dma_wait3A_46] : memref<16x32x128xi32, #tpu.memory_space<hbm>> -> memref<1x32x128xi32, #tpu.memory_space<hbm>>
        %dma_wait3A_48 = tpu.memref_squeeze %dma_wait3A_47 : memref<1x32x128xi32, #tpu.memory_space<hbm>> -> memref<32x128xi32, #tpu.memory_space<hbm>>
        tpu.wait_dma2 semaphore(%run_scoped3A : memref<!tpu.dma_semaphore, #tpu.memory_space<semaphore_mem>>) src(%dma_wait3A_48 : memref<32x128xi32, #tpu.memory_space<hbm>>) dst(%dma_wait3A_44 : memref<32x128xi32, #tpu.memory_space<vmem>>)
        tpu.yield
      }) : () -> ()
      "tpu.region"() ({
        %run_scoped3A = tpu.sem_alloc : memref<!tpu.dma_semaphore, #tpu.memory_space<semaphore_mem>>
        %dma_start3A = arith.constant 0 : i32
        %dma_start3A_23 = arith.constant 0 : i32
        %dma_start3A_24 = tpu.memref_slice %arg10[%dma_start3A, %dma_start3A_23] : memref<128x128xi32, #tpu.memory_space<vmem>> -> memref<32x128xi32, #tpu.memory_space<vmem>>
        %dma_start3A_25 = arith.constant 0 : i32
        %dma_start3A_26 = arith.constant 0 : i32
        %dma_start3A_27 = tpu.memref_slice %arg6[%arg1, %dma_start3A_25, %dma_start3A_26] : memref<16x32x128xi32, #tpu.memory_space<hbm>> -> memref<1x32x128xi32, #tpu.memory_space<hbm>>
        %dma_start3A_28 = tpu.memref_squeeze %dma_start3A_27 : memref<1x32x128xi32, #tpu.memory_space<hbm>> -> memref<32x128xi32, #tpu.memory_space<hbm>>
        %dma_start3A_29 = arith.constant 0 : i32
        %dma_start3A_30 = arith.constant 0 : i32
        %dma_start3A_31 = tpu.memref_slice %arg10[%dma_start3A_29, %dma_start3A_30] : memref<128x128xi32, #tpu.memory_space<vmem>> -> memref<32x128xi32, #tpu.memory_space<vmem>>
        %dma_start3A_32 = arith.constant 0 : i32
        %dma_start3A_33 = arith.constant 0 : i32
        %dma_start3A_34 = tpu.memref_slice %arg6[%arg1, %dma_start3A_32, %dma_start3A_33] : memref<16x32x128xi32, #tpu.memory_space<hbm>> -> memref<1x32x128xi32, #tpu.memory_space<hbm>>
        %dma_start3A_35 = tpu.memref_squeeze %dma_start3A_34 : memref<1x32x128xi32, #tpu.memory_space<hbm>> -> memref<32x128xi32, #tpu.memory_space<hbm>>
        tpu.enqueue_dma source(%dma_start3A_35 : memref<32x128xi32, #tpu.memory_space<hbm>>) target(%dma_start3A_31 : memref<32x128xi32, #tpu.memory_space<vmem>>) target_semaphore(%run_scoped3A : memref<!tpu.dma_semaphore, #tpu.memory_space<semaphore_mem>>)
        %dma_wait3A = arith.constant 0 : i32
        %dma_wait3A_36 = arith.constant 0 : i32
        %dma_wait3A_37 = tpu.memref_slice %arg10[%dma_wait3A, %dma_wait3A_36] : memref<128x128xi32, #tpu.memory_space<vmem>> -> memref<32x128xi32, #tpu.memory_space<vmem>>
        %dma_wait3A_38 = arith.constant 0 : i32
        %dma_wait3A_39 = arith.constant 0 : i32
        %dma_wait3A_40 = tpu.memref_slice %arg6[%arg1, %dma_wait3A_38, %dma_wait3A_39] : memref<16x32x128xi32, #tpu.memory_space<hbm>> -> memref<1x32x128xi32, #tpu.memory_space<hbm>>
        %dma_wait3A_41 = tpu.memref_squeeze %dma_wait3A_40 : memref<1x32x128xi32, #tpu.memory_space<hbm>> -> memref<32x128xi32, #tpu.memory_space<hbm>>
        %dma_wait3A_42 = arith.constant 0 : i32
        %dma_wait3A_43 = arith.constant 0 : i32
        %dma_wait3A_44 = tpu.memref_slice %arg10[%dma_wait3A_42, %dma_wait3A_43] : memref<128x128xi32, #tpu.memory_space<vmem>> -> memref<32x128xi32, #tpu.memory_space<vmem>>
        %dma_wait3A_45 = arith.constant 0 : i32
        %dma_wait3A_46 = arith.constant 0 : i32
        %dma_wait3A_47 = tpu.memref_slice %arg6[%arg1, %dma_wait3A_45, %dma_wait3A_46] : memref<16x32x128xi32, #tpu.memory_space<hbm>> -> memref<1x32x128xi32, #tpu.memory_space<hbm>>
        %dma_wait3A_48 = tpu.memref_squeeze %dma_wait3A_47 : memref<1x32x128xi32, #tpu.memory_space<hbm>> -> memref<32x128xi32, #tpu.memory_space<hbm>>
        tpu.wait_dma2 semaphore(%run_scoped3A : memref<!tpu.dma_semaphore, #tpu.memory_space<semaphore_mem>>) src(%dma_wait3A_48 : memref<32x128xi32, #tpu.memory_space<hbm>>) dst(%dma_wait3A_44 : memref<32x128xi32, #tpu.memory_space<vmem>>)
        tpu.yield
      }) : () -> ()
      %barrier3A_17 = arith.constant 0 : index
      tpu.barrier barrier_id(%barrier3A_17)
      %scan3A = arith.constant 0 : i32
      %scan3A_18 = arith.constant 0 : i32
      %scan3A_19 = arith.constant 32 : i32
      %scan3A_20 = arith.addi %scan3A_18, %scan3A_19 : i32
      %scan3A_21 = arith.constant 1 : i32
      scf.for %scan3A_23 = %scan3A_18 to %scan3A_20 step %scan3A_21  : i32 {
        %dma_start3A = arith.constant 0 : i32
        %dma_start3A_24 = tpu.memref_slice %arg9[%scan3A_23, %dma_start3A] : memref<128x128xi32, #tpu.memory_space<vmem>> -> memref<1x128xi32, #tpu.memory_space<vmem>>
        %dma_start3A_25 = tpu.memref_squeeze %dma_start3A_24 : memref<1x128xi32, #tpu.memory_space<vmem>> -> memref<128xi32, #tpu.memory_space<vmem>>
        %dma_start3A_26 = arith.constant 0 : i32
        %dma_start3A_27 = arith.constant 0 : i32
        %dma_start3A_28 = tpu.memref_slice %arg2[%dma_start3A_26, %dma_start3A_27] : memref<10112x128xf32, #tpu.memory_space<hbm>> -> memref<10112x128xf32, #tpu.memory_space<hbm>>
        tpu.enqueue_indirect_dma source(%dma_start3A_28 : memref<10112x128xf32, #tpu.memory_space<hbm>>) target(%arg11 : memref<128x128xf32, #tpu.memory_space<vmem>>) offsets(%dma_start3A_25 : memref<128xi32, #tpu.memory_space<vmem>>) semaphore(%arg13 : memref<!tpu.dma_semaphore, #tpu.memory_space<semaphore_mem>>)
        %dma_wait3A = arith.constant 0 : i32
        %dma_wait3A_29 = tpu.memref_slice %arg9[%scan3A_23, %dma_wait3A] : memref<128x128xi32, #tpu.memory_space<vmem>> -> memref<1x128xi32, #tpu.memory_space<vmem>>
        %dma_wait3A_30 = tpu.memref_squeeze %dma_wait3A_29 : memref<1x128xi32, #tpu.memory_space<vmem>> -> memref<128xi32, #tpu.memory_space<vmem>>
        %dma_wait3A_31 = arith.constant 0 : i32
        %dma_wait3A_32 = arith.constant 0 : i32
        %dma_wait3A_33 = tpu.memref_slice %arg2[%dma_wait3A_31, %dma_wait3A_32] : memref<10112x128xf32, #tpu.memory_space<hbm>> -> memref<10112x128xf32, #tpu.memory_space<hbm>>
        tpu.wait_indirect_dma semaphore(%arg13 : memref<!tpu.dma_semaphore, #tpu.memory_space<semaphore_mem>>) src(%dma_wait3A_33 : memref<10112x128xf32, #tpu.memory_space<hbm>>) dst(%arg11 : memref<128x128xf32, #tpu.memory_space<vmem>>)
        "tpu.region"() ({
          %run_scoped3A = tpu.sem_alloc : memref<!tpu.dma_semaphore, #tpu.memory_space<semaphore_mem>>
          %dma_start3A_34 = arith.constant 0 : i32
          %dma_start3A_35 = tpu.memref_slice %arg10[%scan3A_23, %dma_start3A_34] : memref<128x128xi32, #tpu.memory_space<vmem>> -> memref<1x128xi32, #tpu.memory_space<vmem>>
          %dma_start3A_36 = tpu.memref_squeeze %dma_start3A_35 : memref<1x128xi32, #tpu.memory_space<vmem>> -> memref<128xi32, #tpu.memory_space<vmem>>
          %dma_start3A_37 = arith.constant 0 : i32
          %dma_start3A_38 = arith.constant 0 : i32
          %dma_start3A_39 = tpu.memref_slice %arg12[%dma_start3A_37, %dma_start3A_38] : memref<10112x128xf32, #tpu.memory_space<vmem_shared>> -> memref<10112x128xf32, #tpu.memory_space<vmem_shared>>
          tpu.enqueue_indirect_dma source(%arg11 : memref<128x128xf32, #tpu.memory_space<vmem>>) target(%dma_start3A_39 : memref<10112x128xf32, #tpu.memory_space<vmem_shared>>) offsets(%dma_start3A_36 : memref<128xi32, #tpu.memory_space<vmem>>) semaphore(%run_scoped3A : memref<!tpu.dma_semaphore, #tpu.memory_space<semaphore_mem>>) {add = true}
          %dma_wait3A_40 = arith.constant 0 : i32
          %dma_wait3A_41 = tpu.memref_slice %arg10[%scan3A_23, %dma_wait3A_40] : memref<128x128xi32, #tpu.memory_space<vmem>> -> memref<1x128xi32, #tpu.memory_space<vmem>>
          %dma_wait3A_42 = tpu.memref_squeeze %dma_wait3A_41 : memref<1x128xi32, #tpu.memory_space<vmem>> -> memref<128xi32, #tpu.memory_space<vmem>>
          %dma_wait3A_43 = arith.constant 0 : i32
          %dma_wait3A_44 = arith.constant 0 : i32
          %dma_wait3A_45 = tpu.memref_slice %arg12[%dma_wait3A_43, %dma_wait3A_44] : memref<10112x128xf32, #tpu.memory_space<vmem_shared>> -> memref<10112x128xf32, #tpu.memory_space<vmem_shared>>
          tpu.wait_indirect_dma semaphore(%run_scoped3A : memref<!tpu.dma_semaphore, #tpu.memory_space<semaphore_mem>>) src(%arg11 : memref<128x128xf32, #tpu.memory_space<vmem>>) dst(%dma_wait3A_45 : memref<10112x128xf32, #tpu.memory_space<vmem_shared>>)
          tpu.yield
        }) : () -> ()
      }
      %scan3A_22 = arith.constant 32 : i32
    } else {
    }
    %barrier3A = arith.constant 0 : index
    tpu.barrier barrier_id(%barrier3A)
    "tpu.region"() ({
      %run_scoped3A = tpu.sem_alloc : memref<!tpu.dma_semaphore, #tpu.memory_space<semaphore_mem>>
      %dma_start3A = arith.constant 0 : i32
      %dma_start3A_17 = tpu.memref_slice %arg8[%arg0, %mul3A_0, %dma_start3A] : memref<2x10112x128xf32, #tpu.memory_space<hbm>> -> memref<1x632x128xf32, #tpu.memory_space<hbm>>
      %dma_start3A_18 = tpu.memref_squeeze %dma_start3A_17 : memref<1x632x128xf32, #tpu.memory_space<hbm>> -> memref<632x128xf32, #tpu.memory_space<hbm>>
      %dma_start3A_19 = arith.constant 0 : i32
      %dma_start3A_20 = tpu.memref_slice %arg12[%mul3A_0, %dma_start3A_19] : memref<10112x128xf32, #tpu.memory_space<vmem_shared>> -> memref<632x128xf32, #tpu.memory_space<vmem_shared>>
      tpu.enqueue_dma source(%dma_start3A_20 : memref<632x128xf32, #tpu.memory_space<vmem_shared>>) target(%dma_start3A_18 : memref<632x128xf32, #tpu.memory_space<hbm>>) target_semaphore(%run_scoped3A : memref<!tpu.dma_semaphore, #tpu.memory_space<semaphore_mem>>)
      %dma_wait3A = arith.constant 0 : i32
      %dma_wait3A_21 = tpu.memref_slice %arg8[%arg0, %mul3A_0, %dma_wait3A] : memref<2x10112x128xf32, #tpu.memory_space<hbm>> -> memref<1x632x128xf32, #tpu.memory_space<hbm>>
      %dma_wait3A_22 = tpu.memref_squeeze %dma_wait3A_21 : memref<1x632x128xf32, #tpu.memory_space<hbm>> -> memref<632x128xf32, #tpu.memory_space<hbm>>
      %dma_wait3A_23 = arith.constant 0 : i32
      %dma_wait3A_24 = tpu.memref_slice %arg12[%mul3A_0, %dma_wait3A_23] : memref<10112x128xf32, #tpu.memory_space<vmem_shared>> -> memref<632x128xf32, #tpu.memory_space<vmem_shared>>
      tpu.wait_dma2 semaphore(%run_scoped3A : memref<!tpu.dma_semaphore, #tpu.memory_space<semaphore_mem>>) src(%dma_wait3A_24 : memref<632x128xf32, #tpu.memory_space<vmem_shared>>) dst(%dma_wait3A_22 : memref<632x128xf32, #tpu.memory_space<hbm>>)
      tpu.yield
    }) : () -> ()
    return
  }
}

#map = affine_map<(d0, d1) -> (0, 0)>
#map1 = affine_map<(d0, d1) -> (0, 0, 0)>
module attributes {stable_mosaic.version = 14 : i64} {
  func.func @_edge_pass_sc_body(%arg0: i32, %arg1: i32, %arg2: memref<10112x128xf32, #tpu.memory_space<hbm>>, %arg3: memref<16x128x128xi32, #tpu.memory_space<hbm>>, %arg4: memref<16x128x128xi32, #tpu.memory_space<hbm>>, %arg5: memref<16x32x128xi32, #tpu.memory_space<hbm>>, %arg6: memref<16x32x128xi32, #tpu.memory_space<hbm>>, %arg7: memref<10112x128xf32, #tpu.memory_space<hbm>>, %arg8: memref<2x10112x128xf32, #tpu.memory_space<hbm>>, %arg9: memref<128x128xi32, #tpu.memory_space<vmem>>, %arg10: memref<128x128xi32, #tpu.memory_space<vmem>>, %arg11: memref<128x128xf32, #tpu.memory_space<vmem>>, %arg12: memref<10112x128xf32, #tpu.memory_space<vmem_shared>>, %arg13: memref<!tpu.dma_semaphore, #tpu.memory_space<semaphore_mem>>) attributes {dimension_semantics = [#tpu.dimension_semantics<core_parallel>, #tpu.dimension_semantics<subcore_parallel>], iteration_bounds = array<i64: 2, 16>, scalar_prefetch = 0 : i64, scratch_operands = 5 : i64, tpu.core_type = #tpu.core_type<sc_vector_subcore>, window_params = [{transform_indices = #map}, {transform_indices = #map1}, {transform_indices = #map1}, {transform_indices = #map1}, {transform_indices = #map1}, {transform_indices = #map}, {transform_indices = #map1}]} {
    %mul3A = arith.constant 632 : i32
    %mul3A_0 = arith.muli %arg1, %mul3A : i32
    %eq3A = arith.constant 0 : i32
    %eq3A_1 = arith.cmpi eq, %arg0, %eq3A : i32
    %convert_element_type3A = arith.extui %eq3A_1 : i1 to i32
    %cond3A = arith.constant 0 : i32
    %cond3A_2 = arith.cmpi ne, %convert_element_type3A, %cond3A : i32
    scf.if %cond3A_2 {
      "tpu.region"() ({
        %run_scoped3A = tpu.sem_alloc : memref<!tpu.dma_semaphore, #tpu.memory_space<semaphore_mem>>
        %dma_start3A = arith.constant 0 : i32
        %dma_start3A_17 = tpu.memref_slice %arg12[%mul3A_0, %dma_start3A] : memref<10112x128xf32, #tpu.memory_space<vmem_shared>> -> memref<632x128xf32, #tpu.memory_space<vmem_shared>>
        %dma_start3A_18 = arith.constant 0 : i32
        %dma_start3A_19 = tpu.memref_slice %arg2[%mul3A_0, %dma_start3A_18] : memref<10112x128xf32, #tpu.memory_space<hbm>> -> memref<632x128xf32, #tpu.memory_space<hbm>>
        tpu.enqueue_dma source(%dma_start3A_19 : memref<632x128xf32, #tpu.memory_space<hbm>>) target(%dma_start3A_17 : memref<632x128xf32, #tpu.memory_space<vmem_shared>>) target_semaphore(%run_scoped3A : memref<!tpu.dma_semaphore, #tpu.memory_space<semaphore_mem>>)
        %dma_wait3A = arith.constant 0 : i32
        %dma_wait3A_20 = tpu.memref_slice %arg12[%mul3A_0, %dma_wait3A] : memref<10112x128xf32, #tpu.memory_space<vmem_shared>> -> memref<632x128xf32, #tpu.memory_space<vmem_shared>>
        %dma_wait3A_21 = arith.constant 0 : i32
        %dma_wait3A_22 = tpu.memref_slice %arg2[%mul3A_0, %dma_wait3A_21] : memref<10112x128xf32, #tpu.memory_space<hbm>> -> memref<632x128xf32, #tpu.memory_space<hbm>>
        tpu.wait_dma2 semaphore(%run_scoped3A : memref<!tpu.dma_semaphore, #tpu.memory_space<semaphore_mem>>) src(%dma_wait3A_22 : memref<632x128xf32, #tpu.memory_space<hbm>>) dst(%dma_wait3A_20 : memref<632x128xf32, #tpu.memory_space<vmem_shared>>)
        tpu.yield
      }) : () -> ()
    } else {
    }
    %ne3A = arith.constant 0 : i32
    %ne3A_3 = arith.cmpi ne, %arg0, %ne3A : i32
    %convert_element_type3A_4 = arith.extui %ne3A_3 : i1 to i32
    %cond3A_5 = arith.constant 0 : i32
    %cond3A_6 = arith.cmpi ne, %convert_element_type3A_4, %cond3A_5 : i32
    scf.if %cond3A_6 {
      "tpu.region"() ({
        %run_scoped3A = tpu.sem_alloc : memref<!tpu.dma_semaphore, #tpu.memory_space<semaphore_mem>>
        %dma_start3A = arith.constant 0 : i32
        %dma_start3A_17 = tpu.memref_slice %arg12[%mul3A_0, %dma_start3A] : memref<10112x128xf32, #tpu.memory_space<vmem_shared>> -> memref<632x128xf32, #tpu.memory_space<vmem_shared>>
        %dma_start3A_18 = arith.constant 0 : i32
        %dma_start3A_19 = tpu.memref_slice %arg7[%mul3A_0, %dma_start3A_18] : memref<10112x128xf32, #tpu.memory_space<hbm>> -> memref<632x128xf32, #tpu.memory_space<hbm>>
        tpu.enqueue_dma source(%dma_start3A_19 : memref<632x128xf32, #tpu.memory_space<hbm>>) target(%dma_start3A_17 : memref<632x128xf32, #tpu.memory_space<vmem_shared>>) target_semaphore(%run_scoped3A : memref<!tpu.dma_semaphore, #tpu.memory_space<semaphore_mem>>)
        %dma_wait3A = arith.constant 0 : i32
        %dma_wait3A_20 = tpu.memref_slice %arg12[%mul3A_0, %dma_wait3A] : memref<10112x128xf32, #tpu.memory_space<vmem_shared>> -> memref<632x128xf32, #tpu.memory_space<vmem_shared>>
        %dma_wait3A_21 = arith.constant 0 : i32
        %dma_wait3A_22 = tpu.memref_slice %arg7[%mul3A_0, %dma_wait3A_21] : memref<10112x128xf32, #tpu.memory_space<hbm>> -> memref<632x128xf32, #tpu.memory_space<hbm>>
        tpu.wait_dma2 semaphore(%run_scoped3A : memref<!tpu.dma_semaphore, #tpu.memory_space<semaphore_mem>>) src(%dma_wait3A_22 : memref<632x128xf32, #tpu.memory_space<hbm>>) dst(%dma_wait3A_20 : memref<632x128xf32, #tpu.memory_space<vmem_shared>>)
        tpu.yield
      }) : () -> ()
    } else {
    }
    %eq3A_7 = arith.constant 0 : i32
    %eq3A_8 = arith.cmpi eq, %arg0, %eq3A_7 : i32
    %convert_element_type3A_9 = arith.extui %eq3A_8 : i1 to i32
    %cond3A_10 = arith.constant 0 : i32
    %cond3A_11 = arith.cmpi ne, %convert_element_type3A_9, %cond3A_10 : i32
    scf.if %cond3A_11 {
      "tpu.region"() ({
        %run_scoped3A = tpu.sem_alloc : memref<!tpu.dma_semaphore, #tpu.memory_space<semaphore_mem>>
        %dma_start3A = arith.constant 0 : i32
        %dma_start3A_23 = arith.constant 0 : i32
        %dma_start3A_24 = tpu.memref_slice %arg9[%dma_start3A, %dma_start3A_23] : memref<128x128xi32, #tpu.memory_space<vmem>> -> memref<128x128xi32, #tpu.memory_space<vmem>>
        %dma_start3A_25 = arith.constant 0 : i32
        %dma_start3A_26 = arith.constant 0 : i32
        %dma_start3A_27 = tpu.memref_slice %arg3[%arg1, %dma_start3A_25, %dma_start3A_26] : memref<16x128x128xi32, #tpu.memory_space<hbm>> -> memref<1x128x128xi32, #tpu.memory_space<hbm>>
        %dma_start3A_28 = tpu.memref_squeeze %dma_start3A_27 : memref<1x128x128xi32, #tpu.memory_space<hbm>> -> memref<128x128xi32, #tpu.memory_space<hbm>>
        %dma_start3A_29 = arith.constant 0 : i32
        %dma_start3A_30 = arith.constant 0 : i32
        %dma_start3A_31 = tpu.memref_slice %arg9[%dma_start3A_29, %dma_start3A_30] : memref<128x128xi32, #tpu.memory_space<vmem>> -> memref<128x128xi32, #tpu.memory_space<vmem>>
        %dma_start3A_32 = arith.constant 0 : i32
        %dma_start3A_33 = arith.constant 0 : i32
        %dma_start3A_34 = tpu.memref_slice %arg3[%arg1, %dma_start3A_32, %dma_start3A_33] : memref<16x128x128xi32, #tpu.memory_space<hbm>> -> memref<1x128x128xi32, #tpu.memory_space<hbm>>
        %dma_start3A_35 = tpu.memref_squeeze %dma_start3A_34 : memref<1x128x128xi32, #tpu.memory_space<hbm>> -> memref<128x128xi32, #tpu.memory_space<hbm>>
        tpu.enqueue_dma source(%dma_start3A_35 : memref<128x128xi32, #tpu.memory_space<hbm>>) target(%dma_start3A_31 : memref<128x128xi32, #tpu.memory_space<vmem>>) target_semaphore(%run_scoped3A : memref<!tpu.dma_semaphore, #tpu.memory_space<semaphore_mem>>)
        %dma_wait3A = arith.constant 0 : i32
        %dma_wait3A_36 = arith.constant 0 : i32
        %dma_wait3A_37 = tpu.memref_slice %arg9[%dma_wait3A, %dma_wait3A_36] : memref<128x128xi32, #tpu.memory_space<vmem>> -> memref<128x128xi32, #tpu.memory_space<vmem>>
        %dma_wait3A_38 = arith.constant 0 : i32
        %dma_wait3A_39 = arith.constant 0 : i32
        %dma_wait3A_40 = tpu.memref_slice %arg3[%arg1, %dma_wait3A_38, %dma_wait3A_39] : memref<16x128x128xi32, #tpu.memory_space<hbm>> -> memref<1x128x128xi32, #tpu.memory_space<hbm>>
        %dma_wait3A_41 = tpu.memref_squeeze %dma_wait3A_40 : memref<1x128x128xi32, #tpu.memory_space<hbm>> -> memref<128x128xi32, #tpu.memory_space<hbm>>
        %dma_wait3A_42 = arith.constant 0 : i32
        %dma_wait3A_43 = arith.constant 0 : i32
        %dma_wait3A_44 = tpu.memref_slice %arg9[%dma_wait3A_42, %dma_wait3A_43] : memref<128x128xi32, #tpu.memory_space<vmem>> -> memref<128x128xi32, #tpu.memory_space<vmem>>
        %dma_wait3A_45 = arith.constant 0 : i32
        %dma_wait3A_46 = arith.constant 0 : i32
        %dma_wait3A_47 = tpu.memref_slice %arg3[%arg1, %dma_wait3A_45, %dma_wait3A_46] : memref<16x128x128xi32, #tpu.memory_space<hbm>> -> memref<1x128x128xi32, #tpu.memory_space<hbm>>
        %dma_wait3A_48 = tpu.memref_squeeze %dma_wait3A_47 : memref<1x128x128xi32, #tpu.memory_space<hbm>> -> memref<128x128xi32, #tpu.memory_space<hbm>>
        tpu.wait_dma2 semaphore(%run_scoped3A : memref<!tpu.dma_semaphore, #tpu.memory_space<semaphore_mem>>) src(%dma_wait3A_48 : memref<128x128xi32, #tpu.memory_space<hbm>>) dst(%dma_wait3A_44 : memref<128x128xi32, #tpu.memory_space<vmem>>)
        tpu.yield
      }) : () -> ()
      "tpu.region"() ({
        %run_scoped3A = tpu.sem_alloc : memref<!tpu.dma_semaphore, #tpu.memory_space<semaphore_mem>>
        %dma_start3A = arith.constant 0 : i32
        %dma_start3A_23 = arith.constant 0 : i32
        %dma_start3A_24 = tpu.memref_slice %arg10[%dma_start3A, %dma_start3A_23] : memref<128x128xi32, #tpu.memory_space<vmem>> -> memref<128x128xi32, #tpu.memory_space<vmem>>
        %dma_start3A_25 = arith.constant 0 : i32
        %dma_start3A_26 = arith.constant 0 : i32
        %dma_start3A_27 = tpu.memref_slice %arg4[%arg1, %dma_start3A_25, %dma_start3A_26] : memref<16x128x128xi32, #tpu.memory_space<hbm>> -> memref<1x128x128xi32, #tpu.memory_space<hbm>>
        %dma_start3A_28 = tpu.memref_squeeze %dma_start3A_27 : memref<1x128x128xi32, #tpu.memory_space<hbm>> -> memref<128x128xi32, #tpu.memory_space<hbm>>
        %dma_start3A_29 = arith.constant 0 : i32
        %dma_start3A_30 = arith.constant 0 : i32
        %dma_start3A_31 = tpu.memref_slice %arg10[%dma_start3A_29, %dma_start3A_30] : memref<128x128xi32, #tpu.memory_space<vmem>> -> memref<128x128xi32, #tpu.memory_space<vmem>>
        %dma_start3A_32 = arith.constant 0 : i32
        %dma_start3A_33 = arith.constant 0 : i32
        %dma_start3A_34 = tpu.memref_slice %arg4[%arg1, %dma_start3A_32, %dma_start3A_33] : memref<16x128x128xi32, #tpu.memory_space<hbm>> -> memref<1x128x128xi32, #tpu.memory_space<hbm>>
        %dma_start3A_35 = tpu.memref_squeeze %dma_start3A_34 : memref<1x128x128xi32, #tpu.memory_space<hbm>> -> memref<128x128xi32, #tpu.memory_space<hbm>>
        tpu.enqueue_dma source(%dma_start3A_35 : memref<128x128xi32, #tpu.memory_space<hbm>>) target(%dma_start3A_31 : memref<128x128xi32, #tpu.memory_space<vmem>>) target_semaphore(%run_scoped3A : memref<!tpu.dma_semaphore, #tpu.memory_space<semaphore_mem>>)
        %dma_wait3A = arith.constant 0 : i32
        %dma_wait3A_36 = arith.constant 0 : i32
        %dma_wait3A_37 = tpu.memref_slice %arg10[%dma_wait3A, %dma_wait3A_36] : memref<128x128xi32, #tpu.memory_space<vmem>> -> memref<128x128xi32, #tpu.memory_space<vmem>>
        %dma_wait3A_38 = arith.constant 0 : i32
        %dma_wait3A_39 = arith.constant 0 : i32
        %dma_wait3A_40 = tpu.memref_slice %arg4[%arg1, %dma_wait3A_38, %dma_wait3A_39] : memref<16x128x128xi32, #tpu.memory_space<hbm>> -> memref<1x128x128xi32, #tpu.memory_space<hbm>>
        %dma_wait3A_41 = tpu.memref_squeeze %dma_wait3A_40 : memref<1x128x128xi32, #tpu.memory_space<hbm>> -> memref<128x128xi32, #tpu.memory_space<hbm>>
        %dma_wait3A_42 = arith.constant 0 : i32
        %dma_wait3A_43 = arith.constant 0 : i32
        %dma_wait3A_44 = tpu.memref_slice %arg10[%dma_wait3A_42, %dma_wait3A_43] : memref<128x128xi32, #tpu.memory_space<vmem>> -> memref<128x128xi32, #tpu.memory_space<vmem>>
        %dma_wait3A_45 = arith.constant 0 : i32
        %dma_wait3A_46 = arith.constant 0 : i32
        %dma_wait3A_47 = tpu.memref_slice %arg4[%arg1, %dma_wait3A_45, %dma_wait3A_46] : memref<16x128x128xi32, #tpu.memory_space<hbm>> -> memref<1x128x128xi32, #tpu.memory_space<hbm>>
        %dma_wait3A_48 = tpu.memref_squeeze %dma_wait3A_47 : memref<1x128x128xi32, #tpu.memory_space<hbm>> -> memref<128x128xi32, #tpu.memory_space<hbm>>
        tpu.wait_dma2 semaphore(%run_scoped3A : memref<!tpu.dma_semaphore, #tpu.memory_space<semaphore_mem>>) src(%dma_wait3A_48 : memref<128x128xi32, #tpu.memory_space<hbm>>) dst(%dma_wait3A_44 : memref<128x128xi32, #tpu.memory_space<vmem>>)
        tpu.yield
      }) : () -> ()
      %barrier3A_17 = arith.constant 0 : index
      tpu.barrier barrier_id(%barrier3A_17)
      %scan3A = arith.constant 0 : i32
      %scan3A_18 = arith.constant 0 : i32
      %scan3A_19 = arith.constant 128 : i32
      %scan3A_20 = arith.addi %scan3A_18, %scan3A_19 : i32
      %scan3A_21 = arith.constant 1 : i32
      scf.for %scan3A_23 = %scan3A_18 to %scan3A_20 step %scan3A_21  : i32 {
        %dma_start3A = arith.constant 0 : i32
        %dma_start3A_24 = tpu.memref_slice %arg9[%scan3A_23, %dma_start3A] : memref<128x128xi32, #tpu.memory_space<vmem>> -> memref<1x128xi32, #tpu.memory_space<vmem>>
        %dma_start3A_25 = tpu.memref_squeeze %dma_start3A_24 : memref<1x128xi32, #tpu.memory_space<vmem>> -> memref<128xi32, #tpu.memory_space<vmem>>
        %dma_start3A_26 = arith.constant 0 : i32
        %dma_start3A_27 = arith.constant 0 : i32
        %dma_start3A_28 = tpu.memref_slice %arg2[%dma_start3A_26, %dma_start3A_27] : memref<10112x128xf32, #tpu.memory_space<hbm>> -> memref<10112x128xf32, #tpu.memory_space<hbm>>
        tpu.enqueue_indirect_dma source(%dma_start3A_28 : memref<10112x128xf32, #tpu.memory_space<hbm>>) target(%arg11 : memref<128x128xf32, #tpu.memory_space<vmem>>) offsets(%dma_start3A_25 : memref<128xi32, #tpu.memory_space<vmem>>) semaphore(%arg13 : memref<!tpu.dma_semaphore, #tpu.memory_space<semaphore_mem>>)
        %dma_wait3A = arith.constant 0 : i32
        %dma_wait3A_29 = tpu.memref_slice %arg9[%scan3A_23, %dma_wait3A] : memref<128x128xi32, #tpu.memory_space<vmem>> -> memref<1x128xi32, #tpu.memory_space<vmem>>
        %dma_wait3A_30 = tpu.memref_squeeze %dma_wait3A_29 : memref<1x128xi32, #tpu.memory_space<vmem>> -> memref<128xi32, #tpu.memory_space<vmem>>
        %dma_wait3A_31 = arith.constant 0 : i32
        %dma_wait3A_32 = arith.constant 0 : i32
        %dma_wait3A_33 = tpu.memref_slice %arg2[%dma_wait3A_31, %dma_wait3A_32] : memref<10112x128xf32, #tpu.memory_space<hbm>> -> memref<10112x128xf32, #tpu.memory_space<hbm>>
        tpu.wait_indirect_dma semaphore(%arg13 : memref<!tpu.dma_semaphore, #tpu.memory_space<semaphore_mem>>) src(%dma_wait3A_33 : memref<10112x128xf32, #tpu.memory_space<hbm>>) dst(%arg11 : memref<128x128xf32, #tpu.memory_space<vmem>>)
        "tpu.region"() ({
          %run_scoped3A = tpu.sem_alloc : memref<!tpu.dma_semaphore, #tpu.memory_space<semaphore_mem>>
          %dma_start3A_34 = arith.constant 0 : i32
          %dma_start3A_35 = tpu.memref_slice %arg10[%scan3A_23, %dma_start3A_34] : memref<128x128xi32, #tpu.memory_space<vmem>> -> memref<1x128xi32, #tpu.memory_space<vmem>>
          %dma_start3A_36 = tpu.memref_squeeze %dma_start3A_35 : memref<1x128xi32, #tpu.memory_space<vmem>> -> memref<128xi32, #tpu.memory_space<vmem>>
          %dma_start3A_37 = arith.constant 0 : i32
          %dma_start3A_38 = arith.constant 0 : i32
          %dma_start3A_39 = tpu.memref_slice %arg12[%dma_start3A_37, %dma_start3A_38] : memref<10112x128xf32, #tpu.memory_space<vmem_shared>> -> memref<10112x128xf32, #tpu.memory_space<vmem_shared>>
          tpu.enqueue_indirect_dma source(%arg11 : memref<128x128xf32, #tpu.memory_space<vmem>>) target(%dma_start3A_39 : memref<10112x128xf32, #tpu.memory_space<vmem_shared>>) offsets(%dma_start3A_36 : memref<128xi32, #tpu.memory_space<vmem>>) semaphore(%run_scoped3A : memref<!tpu.dma_semaphore, #tpu.memory_space<semaphore_mem>>) {add = true}
          %dma_wait3A_40 = arith.constant 0 : i32
          %dma_wait3A_41 = tpu.memref_slice %arg10[%scan3A_23, %dma_wait3A_40] : memref<128x128xi32, #tpu.memory_space<vmem>> -> memref<1x128xi32, #tpu.memory_space<vmem>>
          %dma_wait3A_42 = tpu.memref_squeeze %dma_wait3A_41 : memref<1x128xi32, #tpu.memory_space<vmem>> -> memref<128xi32, #tpu.memory_space<vmem>>
          %dma_wait3A_43 = arith.constant 0 : i32
          %dma_wait3A_44 = arith.constant 0 : i32
          %dma_wait3A_45 = tpu.memref_slice %arg12[%dma_wait3A_43, %dma_wait3A_44] : memref<10112x128xf32, #tpu.memory_space<vmem_shared>> -> memref<10112x128xf32, #tpu.memory_space<vmem_shared>>
          tpu.wait_indirect_dma semaphore(%run_scoped3A : memref<!tpu.dma_semaphore, #tpu.memory_space<semaphore_mem>>) src(%arg11 : memref<128x128xf32, #tpu.memory_space<vmem>>) dst(%dma_wait3A_45 : memref<10112x128xf32, #tpu.memory_space<vmem_shared>>)
          tpu.yield
        }) : () -> ()
      }
      %scan3A_22 = arith.constant 128 : i32
    } else {
    }
    %ne3A_12 = arith.constant 0 : i32
    %ne3A_13 = arith.cmpi ne, %arg0, %ne3A_12 : i32
    %convert_element_type3A_14 = arith.extui %ne3A_13 : i1 to i32
    %cond3A_15 = arith.constant 0 : i32
    %cond3A_16 = arith.cmpi ne, %convert_element_type3A_14, %cond3A_15 : i32
    scf.if %cond3A_16 {
      "tpu.region"() ({
        %run_scoped3A = tpu.sem_alloc : memref<!tpu.dma_semaphore, #tpu.memory_space<semaphore_mem>>
        %dma_start3A = arith.constant 0 : i32
        %dma_start3A_23 = arith.constant 0 : i32
        %dma_start3A_24 = tpu.memref_slice %arg9[%dma_start3A, %dma_start3A_23] : memref<128x128xi32, #tpu.memory_space<vmem>> -> memref<32x128xi32, #tpu.memory_space<vmem>>
        %dma_start3A_25 = arith.constant 0 : i32
        %dma_start3A_26 = arith.constant 0 : i32
        %dma_start3A_27 = tpu.memref_slice %arg5[%arg1, %dma_start3A_25, %dma_start3A_26] : memref<16x32x128xi32, #tpu.memory_space<hbm>> -> memref<1x32x128xi32, #tpu.memory_space<hbm>>
        %dma_start3A_28 = tpu.memref_squeeze %dma_start3A_27 : memref<1x32x128xi32, #tpu.memory_space<hbm>> -> memref<32x128xi32, #tpu.memory_space<hbm>>
        %dma_start3A_29 = arith.constant 0 : i32
        %dma_start3A_30 = arith.constant 0 : i32
        %dma_start3A_31 = tpu.memref_slice %arg9[%dma_start3A_29, %dma_start3A_30] : memref<128x128xi32, #tpu.memory_space<vmem>> -> memref<32x128xi32, #tpu.memory_space<vmem>>
        %dma_start3A_32 = arith.constant 0 : i32
        %dma_start3A_33 = arith.constant 0 : i32
        %dma_start3A_34 = tpu.memref_slice %arg5[%arg1, %dma_start3A_32, %dma_start3A_33] : memref<16x32x128xi32, #tpu.memory_space<hbm>> -> memref<1x32x128xi32, #tpu.memory_space<hbm>>
        %dma_start3A_35 = tpu.memref_squeeze %dma_start3A_34 : memref<1x32x128xi32, #tpu.memory_space<hbm>> -> memref<32x128xi32, #tpu.memory_space<hbm>>
        tpu.enqueue_dma source(%dma_start3A_35 : memref<32x128xi32, #tpu.memory_space<hbm>>) target(%dma_start3A_31 : memref<32x128xi32, #tpu.memory_space<vmem>>) target_semaphore(%run_scoped3A : memref<!tpu.dma_semaphore, #tpu.memory_space<semaphore_mem>>)
        %dma_wait3A = arith.constant 0 : i32
        %dma_wait3A_36 = arith.constant 0 : i32
        %dma_wait3A_37 = tpu.memref_slice %arg9[%dma_wait3A, %dma_wait3A_36] : memref<128x128xi32, #tpu.memory_space<vmem>> -> memref<32x128xi32, #tpu.memory_space<vmem>>
        %dma_wait3A_38 = arith.constant 0 : i32
        %dma_wait3A_39 = arith.constant 0 : i32
        %dma_wait3A_40 = tpu.memref_slice %arg5[%arg1, %dma_wait3A_38, %dma_wait3A_39] : memref<16x32x128xi32, #tpu.memory_space<hbm>> -> memref<1x32x128xi32, #tpu.memory_space<hbm>>
        %dma_wait3A_41 = tpu.memref_squeeze %dma_wait3A_40 : memref<1x32x128xi32, #tpu.memory_space<hbm>> -> memref<32x128xi32, #tpu.memory_space<hbm>>
        %dma_wait3A_42 = arith.constant 0 : i32
        %dma_wait3A_43 = arith.constant 0 : i32
        %dma_wait3A_44 = tpu.memref_slice %arg9[%dma_wait3A_42, %dma_wait3A_43] : memref<128x128xi32, #tpu.memory_space<vmem>> -> memref<32x128xi32, #tpu.memory_space<vmem>>
        %dma_wait3A_45 = arith.constant 0 : i32
        %dma_wait3A_46 = arith.constant 0 : i32
        %dma_wait3A_47 = tpu.memref_slice %arg5[%arg1, %dma_wait3A_45, %dma_wait3A_46] : memref<16x32x128xi32, #tpu.memory_space<hbm>> -> memref<1x32x128xi32, #tpu.memory_space<hbm>>
        %dma_wait3A_48 = tpu.memref_squeeze %dma_wait3A_47 : memref<1x32x128xi32, #tpu.memory_space<hbm>> -> memref<32x128xi32, #tpu.memory_space<hbm>>
        tpu.wait_dma2 semaphore(%run_scoped3A : memref<!tpu.dma_semaphore, #tpu.memory_space<semaphore_mem>>) src(%dma_wait3A_48 : memref<32x128xi32, #tpu.memory_space<hbm>>) dst(%dma_wait3A_44 : memref<32x128xi32, #tpu.memory_space<vmem>>)
        tpu.yield
      }) : () -> ()
      "tpu.region"() ({
        %run_scoped3A = tpu.sem_alloc : memref<!tpu.dma_semaphore, #tpu.memory_space<semaphore_mem>>
        %dma_start3A = arith.constant 0 : i32
        %dma_start3A_23 = arith.constant 0 : i32
        %dma_start3A_24 = tpu.memref_slice %arg10[%dma_start3A, %dma_start3A_23] : memref<128x128xi32, #tpu.memory_space<vmem>> -> memref<32x128xi32, #tpu.memory_space<vmem>>
        %dma_start3A_25 = arith.constant 0 : i32
        %dma_start3A_26 = arith.constant 0 : i32
        %dma_start3A_27 = tpu.memref_slice %arg6[%arg1, %dma_start3A_25, %dma_start3A_26] : memref<16x32x128xi32, #tpu.memory_space<hbm>> -> memref<1x32x128xi32, #tpu.memory_space<hbm>>
        %dma_start3A_28 = tpu.memref_squeeze %dma_start3A_27 : memref<1x32x128xi32, #tpu.memory_space<hbm>> -> memref<32x128xi32, #tpu.memory_space<hbm>>
        %dma_start3A_29 = arith.constant 0 : i32
        %dma_start3A_30 = arith.constant 0 : i32
        %dma_start3A_31 = tpu.memref_slice %arg10[%dma_start3A_29, %dma_start3A_30] : memref<128x128xi32, #tpu.memory_space<vmem>> -> memref<32x128xi32, #tpu.memory_space<vmem>>
        %dma_start3A_32 = arith.constant 0 : i32
        %dma_start3A_33 = arith.constant 0 : i32
        %dma_start3A_34 = tpu.memref_slice %arg6[%arg1, %dma_start3A_32, %dma_start3A_33] : memref<16x32x128xi32, #tpu.memory_space<hbm>> -> memref<1x32x128xi32, #tpu.memory_space<hbm>>
        %dma_start3A_35 = tpu.memref_squeeze %dma_start3A_34 : memref<1x32x128xi32, #tpu.memory_space<hbm>> -> memref<32x128xi32, #tpu.memory_space<hbm>>
        tpu.enqueue_dma source(%dma_start3A_35 : memref<32x128xi32, #tpu.memory_space<hbm>>) target(%dma_start3A_31 : memref<32x128xi32, #tpu.memory_space<vmem>>) target_semaphore(%run_scoped3A : memref<!tpu.dma_semaphore, #tpu.memory_space<semaphore_mem>>)
        %dma_wait3A = arith.constant 0 : i32
        %dma_wait3A_36 = arith.constant 0 : i32
        %dma_wait3A_37 = tpu.memref_slice %arg10[%dma_wait3A, %dma_wait3A_36] : memref<128x128xi32, #tpu.memory_space<vmem>> -> memref<32x128xi32, #tpu.memory_space<vmem>>
        %dma_wait3A_38 = arith.constant 0 : i32
        %dma_wait3A_39 = arith.constant 0 : i32
        %dma_wait3A_40 = tpu.memref_slice %arg6[%arg1, %dma_wait3A_38, %dma_wait3A_39] : memref<16x32x128xi32, #tpu.memory_space<hbm>> -> memref<1x32x128xi32, #tpu.memory_space<hbm>>
        %dma_wait3A_41 = tpu.memref_squeeze %dma_wait3A_40 : memref<1x32x128xi32, #tpu.memory_space<hbm>> -> memref<32x128xi32, #tpu.memory_space<hbm>>
        %dma_wait3A_42 = arith.constant 0 : i32
        %dma_wait3A_43 = arith.constant 0 : i32
        %dma_wait3A_44 = tpu.memref_slice %arg10[%dma_wait3A_42, %dma_wait3A_43] : memref<128x128xi32, #tpu.memory_space<vmem>> -> memref<32x128xi32, #tpu.memory_space<vmem>>
        %dma_wait3A_45 = arith.constant 0 : i32
        %dma_wait3A_46 = arith.constant 0 : i32
        %dma_wait3A_47 = tpu.memref_slice %arg6[%arg1, %dma_wait3A_45, %dma_wait3A_46] : memref<16x32x128xi32, #tpu.memory_space<hbm>> -> memref<1x32x128xi32, #tpu.memory_space<hbm>>
        %dma_wait3A_48 = tpu.memref_squeeze %dma_wait3A_47 : memref<1x32x128xi32, #tpu.memory_space<hbm>> -> memref<32x128xi32, #tpu.memory_space<hbm>>
        tpu.wait_dma2 semaphore(%run_scoped3A : memref<!tpu.dma_semaphore, #tpu.memory_space<semaphore_mem>>) src(%dma_wait3A_48 : memref<32x128xi32, #tpu.memory_space<hbm>>) dst(%dma_wait3A_44 : memref<32x128xi32, #tpu.memory_space<vmem>>)
        tpu.yield
      }) : () -> ()
      %barrier3A_17 = arith.constant 0 : index
      tpu.barrier barrier_id(%barrier3A_17)
      %scan3A = arith.constant 0 : i32
      %scan3A_18 = arith.constant 0 : i32
      %scan3A_19 = arith.constant 32 : i32
      %scan3A_20 = arith.addi %scan3A_18, %scan3A_19 : i32
      %scan3A_21 = arith.constant 1 : i32
      scf.for %scan3A_23 = %scan3A_18 to %scan3A_20 step %scan3A_21  : i32 {
        %dma_start3A = arith.constant 0 : i32
        %dma_start3A_24 = tpu.memref_slice %arg9[%scan3A_23, %dma_start3A] : memref<128x128xi32, #tpu.memory_space<vmem>> -> memref<1x128xi32, #tpu.memory_space<vmem>>
        %dma_start3A_25 = tpu.memref_squeeze %dma_start3A_24 : memref<1x128xi32, #tpu.memory_space<vmem>> -> memref<128xi32, #tpu.memory_space<vmem>>
        %dma_start3A_26 = arith.constant 0 : i32
        %dma_start3A_27 = arith.constant 0 : i32
        %dma_start3A_28 = tpu.memref_slice %arg2[%dma_start3A_26, %dma_start3A_27] : memref<10112x128xf32, #tpu.memory_space<hbm>> -> memref<10112x128xf32, #tpu.memory_space<hbm>>
        tpu.enqueue_indirect_dma source(%dma_start3A_28 : memref<10112x128xf32, #tpu.memory_space<hbm>>) target(%arg11 : memref<128x128xf32, #tpu.memory_space<vmem>>) offsets(%dma_start3A_25 : memref<128xi32, #tpu.memory_space<vmem>>) semaphore(%arg13 : memref<!tpu.dma_semaphore, #tpu.memory_space<semaphore_mem>>)
        %dma_wait3A = arith.constant 0 : i32
        %dma_wait3A_29 = tpu.memref_slice %arg9[%scan3A_23, %dma_wait3A] : memref<128x128xi32, #tpu.memory_space<vmem>> -> memref<1x128xi32, #tpu.memory_space<vmem>>
        %dma_wait3A_30 = tpu.memref_squeeze %dma_wait3A_29 : memref<1x128xi32, #tpu.memory_space<vmem>> -> memref<128xi32, #tpu.memory_space<vmem>>
        %dma_wait3A_31 = arith.constant 0 : i32
        %dma_wait3A_32 = arith.constant 0 : i32
        %dma_wait3A_33 = tpu.memref_slice %arg2[%dma_wait3A_31, %dma_wait3A_32] : memref<10112x128xf32, #tpu.memory_space<hbm>> -> memref<10112x128xf32, #tpu.memory_space<hbm>>
        tpu.wait_indirect_dma semaphore(%arg13 : memref<!tpu.dma_semaphore, #tpu.memory_space<semaphore_mem>>) src(%dma_wait3A_33 : memref<10112x128xf32, #tpu.memory_space<hbm>>) dst(%arg11 : memref<128x128xf32, #tpu.memory_space<vmem>>)
        "tpu.region"() ({
          %run_scoped3A = tpu.sem_alloc : memref<!tpu.dma_semaphore, #tpu.memory_space<semaphore_mem>>
          %dma_start3A_34 = arith.constant 0 : i32
          %dma_start3A_35 = tpu.memref_slice %arg10[%scan3A_23, %dma_start3A_34] : memref<128x128xi32, #tpu.memory_space<vmem>> -> memref<1x128xi32, #tpu.memory_space<vmem>>
          %dma_start3A_36 = tpu.memref_squeeze %dma_start3A_35 : memref<1x128xi32, #tpu.memory_space<vmem>> -> memref<128xi32, #tpu.memory_space<vmem>>
          %dma_start3A_37 = arith.constant 0 : i32
          %dma_start3A_38 = arith.constant 0 : i32
          %dma_start3A_39 = tpu.memref_slice %arg12[%dma_start3A_37, %dma_start3A_38] : memref<10112x128xf32, #tpu.memory_space<vmem_shared>> -> memref<10112x128xf32, #tpu.memory_space<vmem_shared>>
          tpu.enqueue_indirect_dma source(%arg11 : memref<128x128xf32, #tpu.memory_space<vmem>>) target(%dma_start3A_39 : memref<10112x128xf32, #tpu.memory_space<vmem_shared>>) offsets(%dma_start3A_36 : memref<128xi32, #tpu.memory_space<vmem>>) semaphore(%run_scoped3A : memref<!tpu.dma_semaphore, #tpu.memory_space<semaphore_mem>>) {add = true}
          %dma_wait3A_40 = arith.constant 0 : i32
          %dma_wait3A_41 = tpu.memref_slice %arg10[%scan3A_23, %dma_wait3A_40] : memref<128x128xi32, #tpu.memory_space<vmem>> -> memref<1x128xi32, #tpu.memory_space<vmem>>
          %dma_wait3A_42 = tpu.memref_squeeze %dma_wait3A_41 : memref<1x128xi32, #tpu.memory_space<vmem>> -> memref<128xi32, #tpu.memory_space<vmem>>
          %dma_wait3A_43 = arith.constant 0 : i32
          %dma_wait3A_44 = arith.constant 0 : i32
          %dma_wait3A_45 = tpu.memref_slice %arg12[%dma_wait3A_43, %dma_wait3A_44] : memref<10112x128xf32, #tpu.memory_space<vmem_shared>> -> memref<10112x128xf32, #tpu.memory_space<vmem_shared>>
          tpu.wait_indirect_dma semaphore(%run_scoped3A : memref<!tpu.dma_semaphore, #tpu.memory_space<semaphore_mem>>) src(%arg11 : memref<128x128xf32, #tpu.memory_space<vmem>>) dst(%dma_wait3A_45 : memref<10112x128xf32, #tpu.memory_space<vmem_shared>>)
          tpu.yield
        }) : () -> ()
      }
      %scan3A_22 = arith.constant 32 : i32
    } else {
    }
    %barrier3A = arith.constant 0 : index
    tpu.barrier barrier_id(%barrier3A)
    "tpu.region"() ({
      %run_scoped3A = tpu.sem_alloc : memref<!tpu.dma_semaphore, #tpu.memory_space<semaphore_mem>>
      %dma_start3A = arith.constant 0 : i32
      %dma_start3A_17 = tpu.memref_slice %arg8[%arg0, %mul3A_0, %dma_start3A] : memref<2x10112x128xf32, #tpu.memory_space<hbm>> -> memref<1x632x128xf32, #tpu.memory_space<hbm>>
      %dma_start3A_18 = tpu.memref_squeeze %dma_start3A_17 : memref<1x632x128xf32, #tpu.memory_space<hbm>> -> memref<632x128xf32, #tpu.memory_space<hbm>>
      %dma_start3A_19 = arith.constant 0 : i32
      %dma_start3A_20 = tpu.memref_slice %arg12[%mul3A_0, %dma_start3A_19] : memref<10112x128xf32, #tpu.memory_space<vmem_shared>> -> memref<632x128xf32, #tpu.memory_space<vmem_shared>>
      tpu.enqueue_dma source(%dma_start3A_20 : memref<632x128xf32, #tpu.memory_space<vmem_shared>>) target(%dma_start3A_18 : memref<632x128xf32, #tpu.memory_space<hbm>>) target_semaphore(%run_scoped3A : memref<!tpu.dma_semaphore, #tpu.memory_space<semaphore_mem>>)
      %dma_wait3A = arith.constant 0 : i32
      %dma_wait3A_21 = tpu.memref_slice %arg8[%arg0, %mul3A_0, %dma_wait3A] : memref<2x10112x128xf32, #tpu.memory_space<hbm>> -> memref<1x632x128xf32, #tpu.memory_space<hbm>>
      %dma_wait3A_22 = tpu.memref_squeeze %dma_wait3A_21 : memref<1x632x128xf32, #tpu.memory_space<hbm>> -> memref<632x128xf32, #tpu.memory_space<hbm>>
      %dma_wait3A_23 = arith.constant 0 : i32
      %dma_wait3A_24 = tpu.memref_slice %arg12[%mul3A_0, %dma_wait3A_23] : memref<10112x128xf32, #tpu.memory_space<vmem_shared>> -> memref<632x128xf32, #tpu.memory_space<vmem_shared>>
      tpu.wait_dma2 semaphore(%run_scoped3A : memref<!tpu.dma_semaphore, #tpu.memory_space<semaphore_mem>>) src(%dma_wait3A_24 : memref<632x128xf32, #tpu.memory_space<vmem_shared>>) dst(%dma_wait3A_22 : memref<632x128xf32, #tpu.memory_space<hbm>>)
      tpu.yield
    }) : () -> ()
    return
  }
}

module attributes {stable_mosaic.version = 14 : i64} {
  func.func @_prep_body(%arg0: memref<2x10112x128xf32, #tpu.memory_space<vmem>>, %arg1: memref<10112x128xf32, #tpu.memory_space<vmem>>) attributes {dimension_semantics = [], scalar_prefetch = 0 : i64, scratch_operands = 0 : i64, tpu.core_type = #tpu.core_type<tc>} {
    %get3A = arith.constant 0 : index
    %get3A_0 = arith.constant 0 : index
    %get3A_1 = arith.constant 0 : index
    %get3A_2 = vector.load %arg0[%get3A, %get3A_0, %get3A_1] : memref<2x10112x128xf32, #tpu.memory_space<vmem>>, vector<1x10112x128xf32>
    %get3A_3 = vector.shape_cast %get3A_2 : vector<1x10112x128xf32> to vector<10112x128xf32>
    %slice3A = vector.extract_strided_slice %get3A_3 {offsets = [0, 0], sizes = [10112, 1], strides = [1, 1]} : vector<10112x128xf32> to vector<10112x1xf32>
    %get3A_4 = arith.constant 1 : index
    %get3A_5 = arith.constant 0 : index
    %get3A_6 = arith.constant 0 : index
    %get3A_7 = vector.load %arg0[%get3A_4, %get3A_5, %get3A_6] : memref<2x10112x128xf32, #tpu.memory_space<vmem>>, vector<1x10112x128xf32>
    %get3A_8 = vector.shape_cast %get3A_7 : vector<1x10112x128xf32> to vector<10112x128xf32>
    %slice3A_9 = vector.extract_strided_slice %get3A_8 {offsets = [0, 0], sizes = [10112, 1], strides = [1, 1]} : vector<10112x128xf32> to vector<10112x1xf32>
    %add3A = arith.addf %slice3A, %slice3A_9 : vector<10112x1xf32>
    %add3A_10 = arith.constant 1.000000e+00 : f32
    %add3A_11 = vector.broadcast %add3A_10 : f32 to vector<10112x1xf32>
    %add3A_12 = arith.addf %add3A, %add3A_11 : vector<10112x1xf32>
    %max3A = arith.constant 1.000000e+00 : f32
    %max3A_13 = vector.broadcast %max3A : f32 to vector<10112x1xf32>
    %max3A_14 = arith.maximumf %add3A_12, %max3A_13 : vector<10112x1xf32>
    %rsqrt3A = math.rsqrt %max3A_14 : vector<10112x1xf32>
    %broadcast_in_dim3A = vector.shape_cast %rsqrt3A : vector<10112x1xf32> to vector<10112x1xf32>
    %broadcast_in_dim3A_15 = vector.broadcast %broadcast_in_dim3A : vector<10112x1xf32> to vector<10112x128xf32>
    %swap3A = arith.constant 0 : index
    %swap3A_16 = arith.constant 0 : index
    %swap3A_17 = vector.load %arg1[%swap3A, %swap3A_16] : memref<10112x128xf32, #tpu.memory_space<vmem>>, vector<10112x128xf32>
    tpu.vector_store %arg1[%swap3A, %swap3A_16], %broadcast_in_dim3A_15 {strides = array<i32>} : memref<10112x128xf32, #tpu.memory_space<vmem>>, vector<10112x128xf32>,
    return
  }
}

module attributes {stable_mosaic.version = 14 : i64} {
  func.func @_first_body(%arg0: memref<10112x128xf32, #tpu.memory_space<vmem>>, %arg1: memref<10112x128xf32, #tpu.memory_space<vmem>>, %arg2: memref<128x128xf32, #tpu.memory_space<vmem>>, %arg3: memref<10112x128xf32, #tpu.memory_space<vmem>>) attributes {dimension_semantics = [], scalar_prefetch = 0 : i64, scratch_operands = 0 : i64, tpu.core_type = #tpu.core_type<tc>} {
    %get3A = arith.constant 0 : index
    %get3A_0 = arith.constant 0 : index
    %get3A_1 = vector.load %arg1[%get3A, %get3A_0] : memref<10112x128xf32, #tpu.memory_space<vmem>>, vector<10112x128xf32>
    %get3A_2 = arith.constant 0 : index
    %get3A_3 = arith.constant 0 : index
    %get3A_4 = vector.load %arg0[%get3A_2, %get3A_3] : memref<10112x128xf32, #tpu.memory_space<vmem>>, vector<10112x128xf32>
    %get3A_5 = arith.constant 0 : index
    %get3A_6 = arith.constant 0 : index
    %get3A_7 = vector.load %arg2[%get3A_5, %get3A_6] : memref<128x128xf32, #tpu.memory_space<vmem>>, vector<128x128xf32>
    %dot_general3A = arith.constant dense<0.000000e+00> : vector<10112x128xf32>
    %dot_general3A_8 = tpu.matmul %get3A_4, %get3A_7, %dot_general3A {dimension_numbers = #tpu.dot_dimension_numbers<[1], [0], [0], [1], [0, 0, 1, 1], [], []>, transpose_lhs_hint = false} : vector<10112x128xf32>, vector<128x128xf32>, vector<10112x128xf32> -> vector<10112x128xf32>
    %mul3A = arith.mulf %get3A_1, %dot_general3A_8 : vector<10112x128xf32>
    %swap3A = arith.constant 0 : index
    %swap3A_9 = arith.constant 0 : index
    %swap3A_10 = vector.load %arg3[%swap3A, %swap3A_9] : memref<10112x128xf32, #tpu.memory_space<vmem>>, vector<10112x128xf32>
    tpu.vector_store %arg3[%swap3A, %swap3A_9], %mul3A {strides = array<i32>} : memref<10112x128xf32, #tpu.memory_space<vmem>>, vector<10112x128xf32>,
    return
  }
}

module attributes {stable_mosaic.version = 14 : i64} {
  func.func @_layer_body(%arg0: memref<2x10112x128xf32, #tpu.memory_space<vmem>>, %arg1: memref<10112x128xf32, #tpu.memory_space<vmem>>, %arg2: memref<1x128xf32, #tpu.memory_space<vmem>>, %arg3: memref<128x128xf32, #tpu.memory_space<vmem>>, %arg4: memref<10112x128xf32, #tpu.memory_space<vmem>>) attributes {dimension_semantics = [], scalar_prefetch = 0 : i64, scratch_operands = 0 : i64, tpu.core_type = #tpu.core_type<tc>} {
    %get3A = arith.constant 0 : index
    %get3A_0 = arith.constant 0 : index
    %get3A_1 = vector.load %arg1[%get3A, %get3A_0] : memref<10112x128xf32, #tpu.memory_space<vmem>>, vector<10112x128xf32>
    %get3A_2 = arith.constant 0 : index
    %get3A_3 = arith.constant 0 : index
    %get3A_4 = arith.constant 0 : index
    %get3A_5 = vector.load %arg0[%get3A_2, %get3A_3, %get3A_4] : memref<2x10112x128xf32, #tpu.memory_space<vmem>>, vector<1x10112x128xf32>
    %get3A_6 = vector.shape_cast %get3A_5 : vector<1x10112x128xf32> to vector<10112x128xf32>
    %get3A_7 = arith.constant 1 : index
    %get3A_8 = arith.constant 0 : index
    %get3A_9 = arith.constant 0 : index
    %get3A_10 = vector.load %arg0[%get3A_7, %get3A_8, %get3A_9] : memref<2x10112x128xf32, #tpu.memory_space<vmem>>, vector<1x10112x128xf32>
    %get3A_11 = vector.shape_cast %get3A_10 : vector<1x10112x128xf32> to vector<10112x128xf32>
    %add3A = arith.addf %get3A_6, %get3A_11 : vector<10112x128xf32>
    %mul3A = arith.mulf %get3A_1, %add3A : vector<10112x128xf32>
    %get3A_12 = arith.constant 0 : index
    %get3A_13 = arith.constant 0 : index
    %get3A_14 = vector.load %arg2[%get3A_12, %get3A_13] : memref<1x128xf32, #tpu.memory_space<vmem>>, vector<1x128xf32>
    %add3A_15 = vector.broadcast %get3A_14 : vector<1x128xf32> to vector<10112x128xf32>
    %add3A_16 = arith.addf %mul3A, %add3A_15 : vector<10112x128xf32>
    %max3A = arith.constant 0.000000e+00 : f32
    %max3A_17 = vector.broadcast %max3A : f32 to vector<10112x128xf32>
    %max3A_18 = arith.maximumf %add3A_16, %max3A_17 : vector<10112x128xf32>
    %get3A_19 = arith.constant 0 : index
    %get3A_20 = arith.constant 0 : index
    %get3A_21 = vector.load %arg3[%get3A_19, %get3A_20] : memref<128x128xf32, #tpu.memory_space<vmem>>, vector<128x128xf32>
    %dot_general3A = arith.constant dense<0.000000e+00> : vector<10112x128xf32>
    %dot_general3A_22 = tpu.matmul %max3A_18, %get3A_21, %dot_general3A {dimension_numbers = #tpu.dot_dimension_numbers<[1], [0], [0], [1], [0, 0, 1, 1], [], []>, transpose_lhs_hint = false} : vector<10112x128xf32>, vector<128x128xf32>, vector<10112x128xf32> -> vector<10112x128xf32>
    %mul3A_23 = arith.mulf %get3A_1, %dot_general3A_22 : vector<10112x128xf32>
    %swap3A = arith.constant 0 : index
    %swap3A_24 = arith.constant 0 : index
    %swap3A_25 = vector.load %arg4[%swap3A, %swap3A_24] : memref<10112x128xf32, #tpu.memory_space<vmem>>, vector<10112x128xf32>
    tpu.vector_store %arg4[%swap3A, %swap3A_24], %mul3A_23 {strides = array<i32>} : memref<10112x128xf32, #tpu.memory_space<vmem>>, vector<10112x128xf32>,
    return
  }
}

module attributes {stable_mosaic.version = 14 : i64} {
  func.func @_pool_body(%arg0: i32, %arg1: memref<1x1x2xi32, #tpu.memory_space<smem>>, %arg2: memref<32x128xf32, #tpu.memory_space<vmem>>, %arg3: memref<32x128xf32, #tpu.memory_space<vmem>>, %arg4: memref<32x128xf32, #tpu.memory_space<vmem>>, %arg5: memref<1x128xf32, #tpu.memory_space<vmem>>, %arg6: memref<32x1xi32, #tpu.memory_space<vmem>>, %arg7: memref<128x2xf32, #tpu.memory_space<vmem>>, %arg8: memref<1x2xf32, #tpu.memory_space<vmem>>, %arg9: memref<64x2xf32, #tpu.memory_space<vmem>>, %arg10: memref<72x128xf32, #tpu.memory_space<vmem>>) attributes {dimension_semantics = [#tpu.dimension_semantics<arbitrary>], iteration_bounds = array<i64: 316>, scalar_prefetch = 0 : i64, scratch_operands = 1 : i64, tpu.core_type = #tpu.core_type<tc>, window_params = [{transform_indices = @transform_0, window_bounds = array<i64: 1, 1, 2>}, {transform_indices = @transform_1, window_bounds = array<i64: 32, 128>}, {transform_indices = @transform_2, window_bounds = array<i64: 32, 128>}, {transform_indices = @transform_3, window_bounds = array<i64: 32, 128>}, {pipeline_mode = #tpu.pipeline_mode<synchronous>, transform_indices = @transform_4, window_bounds = array<i64: 1, 128>}, {transform_indices = @transform_5, window_bounds = array<i64: 32, 1>}, {pipeline_mode = #tpu.pipeline_mode<synchronous>, transform_indices = @transform_6, window_bounds = array<i64: 128, 2>}, {pipeline_mode = #tpu.pipeline_mode<synchronous>, transform_indices = @transform_7, window_bounds = array<i64: 1, 2>}, {pipeline_mode = #tpu.pipeline_mode<synchronous>, transform_indices = @transform_8, window_bounds = array<i64: 64, 2>}]} {
    %eq3A = arith.constant 0 : i32
    %eq3A_0 = arith.cmpi eq, %arg0, %eq3A : i32
    %convert_element_type3A = arith.extui %eq3A_0 : i1 to i32
    %cond3A = arith.constant 0 : i32
    %cond3A_1 = arith.cmpi ne, %convert_element_type3A, %cond3A : i32
    scf.if %cond3A_1 {
      %broadcast_in_dim3A = arith.constant 0xFF800000 : f32
      %broadcast_in_dim3A_43 = vector.broadcast %broadcast_in_dim3A : f32 to vector<72x128xf32>
      %swap3A = arith.constant 0 : index
      %swap3A_44 = arith.constant 0 : index
      %swap3A_45 = vector.load %arg10[%swap3A, %swap3A_44] : memref<72x128xf32, #tpu.memory_space<vmem>>, vector<72x128xf32>
      tpu.vector_store %arg10[%swap3A, %swap3A_44], %broadcast_in_dim3A_43 {strides = array<i32>} : memref<72x128xf32, #tpu.memory_space<vmem>>, vector<72x128xf32>,
    } else {
    }
    %get3A = arith.constant 0 : index
    %get3A_2 = arith.constant 0 : index
    %get3A_3 = vector.load %arg4[%get3A, %get3A_2] : memref<32x128xf32, #tpu.memory_space<vmem>>, vector<32x128xf32>
    %get3A_4 = arith.constant 0 : index
    %get3A_5 = arith.constant 0 : index
    %get3A_6 = vector.load %arg2[%get3A_4, %get3A_5] : memref<32x128xf32, #tpu.memory_space<vmem>>, vector<32x128xf32>
    %get3A_7 = arith.constant 0 : index
    %get3A_8 = arith.constant 0 : index
    %get3A_9 = vector.load %arg3[%get3A_7, %get3A_8] : memref<32x128xf32, #tpu.memory_space<vmem>>, vector<32x128xf32>
    %add3A = arith.addf %get3A_6, %get3A_9 : vector<32x128xf32>
    %mul3A = arith.mulf %get3A_3, %add3A : vector<32x128xf32>
    %get3A_10 = arith.constant 0 : index
    %get3A_11 = arith.constant 0 : index
    %get3A_12 = vector.load %arg5[%get3A_10, %get3A_11] : memref<1x128xf32, #tpu.memory_space<vmem>>, vector<1x128xf32>
    %add3A_13 = vector.broadcast %get3A_12 : vector<1x128xf32> to vector<32x128xf32>
    %add3A_14 = arith.addf %mul3A, %add3A_13 : vector<32x128xf32>
    %max3A = arith.constant 0.000000e+00 : f32
    %max3A_15 = vector.broadcast %max3A : f32 to vector<32x128xf32>
    %max3A_16 = arith.maximumf %add3A_14, %max3A_15 : vector<32x128xf32>
    %get3A_17 = arith.constant 0 : index
    %get3A_18 = arith.constant 0 : index
    %get3A_19 = vector.load %arg6[%get3A_17, %get3A_18] : memref<32x1xi32, #tpu.memory_space<vmem>>, vector<32x1xi32>
    %get3A_20 = arith.constant 0 : index
    %get3A_21 = arith.constant 0 : index
    %get3A_22 = arith.constant 0 : index
    %get3A_23 = memref.load %arg1[%get3A_20, %get3A_21, %get3A_22] : memref<1x1x2xi32, #tpu.memory_space<smem>>
    %get3A_24 = arith.constant 0 : index
    %get3A_25 = arith.constant 0 : index
    %get3A_26 = arith.constant 1 : index
    %get3A_27 = memref.load %arg1[%get3A_24, %get3A_25, %get3A_26] : memref<1x1x2xi32, #tpu.memory_space<smem>>
    %add3A_28 = arith.constant 1 : i32
    %add3A_29 = arith.addi %get3A_27, %add3A_28 : i32
    %while3A = arith.constant 0 : i32
    %while3A_30 = arith.subi %add3A_29, %get3A_23 : i32
    %while3A_31 = arith.addi %get3A_23, %while3A_30 : i32
    %while3A_32 = arith.constant 1 : i32
    %while3A_33 = arith.divsi %while3A_30, %while3A_32 : i32
    %while3A_34 = arith.muli %while3A_33, %while3A_32 : i32
    %while3A_35 = arith.addi %get3A_23, %while3A_34 : i32
    %while3A_36 = arith.constant 1 : i32
    scf.for %while3A_43 = %get3A_23 to %while3A_35 step %while3A_36  : i32 {
      %eq3A_44 = vector.broadcast %while3A_43 : i32 to vector<32x1xi32>
      %eq3A_45 = arith.cmpi eq, %get3A_19, %eq3A_44 : vector<32x1xi32>
      %jit3A = arith.constant 0xFF800000 : f32
      %broadcast_in_dim3A = vector.shape_cast %eq3A_45 : vector<32x1xi1> to vector<32x1xi1>
      %broadcast_in_dim3A_46 = vector.broadcast %broadcast_in_dim3A : vector<32x1xi1> to vector<32x128xi1>
      %broadcast_in_dim3A_47 = vector.broadcast %jit3A : f32 to vector<32x128xf32>
      %select_n3A = arith.select %broadcast_in_dim3A_46, %max3A_16, %broadcast_in_dim3A_47 : vector<32x128xi1>, vector<32x128xf32>
      %reduce_max3A = arith.constant dense<0xFF800000> : vector<128xf32>
      %reduce_max3A_48 = vector.multi_reduction <maximumf>, %select_n3A, %reduce_max3A [0] : vector<32x128xf32> to vector<128xf32>
      %broadcast_in_dim3A_49 = vector.shape_cast %reduce_max3A_48 : vector<128xf32> to vector<1x128xf32>
      %get3A_50 = arith.index_cast %while3A_43 : i32 to index
      %get3A_51 = arith.constant 0 : index
      %get3A_52 = vector.load %arg10[%get3A_50, %get3A_51] : memref<72x128xf32, #tpu.memory_space<vmem>>, vector<1x128xf32>
      %max3A_53 = arith.maximumf %get3A_52, %broadcast_in_dim3A_49 : vector<1x128xf32>
      %swap3A = arith.index_cast %while3A_43 : i32 to index
      %swap3A_54 = arith.constant 0 : index
      %swap3A_55 = vector.load %arg10[%swap3A, %swap3A_54] : memref<72x128xf32, #tpu.memory_space<vmem>>, vector<1x128xf32>
      tpu.vector_store %arg10[%swap3A, %swap3A_54], %max3A_53 {strides = array<i32>} : memref<72x128xf32, #tpu.memory_space<vmem>>, vector<1x128xf32>,
    }
    %while3A_37 = arith.constant 1 : i32
    scf.for %while3A_43 = %while3A_35 to %while3A_31 step %while3A_37  : i32 {
      %eq3A_44 = vector.broadcast %while3A_43 : i32 to vector<32x1xi32>
      %eq3A_45 = arith.cmpi eq, %get3A_19, %eq3A_44 : vector<32x1xi32>
      %jit3A = arith.constant 0xFF800000 : f32
      %broadcast_in_dim3A = vector.shape_cast %eq3A_45 : vector<32x1xi1> to vector<32x1xi1>
      %broadcast_in_dim3A_46 = vector.broadcast %broadcast_in_dim3A : vector<32x1xi1> to vector<32x128xi1>
      %broadcast_in_dim3A_47 = vector.broadcast %jit3A : f32 to vector<32x128xf32>
      %select_n3A = arith.select %broadcast_in_dim3A_46, %max3A_16, %broadcast_in_dim3A_47 : vector<32x128xi1>, vector<32x128xf32>
      %reduce_max3A = arith.constant dense<0xFF800000> : vector<128xf32>
      %reduce_max3A_48 = vector.multi_reduction <maximumf>, %select_n3A, %reduce_max3A [0] : vector<32x128xf32> to vector<128xf32>
      %broadcast_in_dim3A_49 = vector.shape_cast %reduce_max3A_48 : vector<128xf32> to vector<1x128xf32>
      %get3A_50 = arith.index_cast %while3A_43 : i32 to index
      %get3A_51 = arith.constant 0 : index
      %get3A_52 = vector.load %arg10[%get3A_50, %get3A_51] : memref<72x128xf32, #tpu.memory_space<vmem>>, vector<1x128xf32>
      %max3A_53 = arith.maximumf %get3A_52, %broadcast_in_dim3A_49 : vector<1x128xf32>
      %swap3A = arith.index_cast %while3A_43 : i32 to index
      %swap3A_54 = arith.constant 0 : index
      %swap3A_55 = vector.load %arg10[%swap3A, %swap3A_54] : memref<72x128xf32, #tpu.memory_space<vmem>>, vector<1x128xf32>
      tpu.vector_store %arg10[%swap3A, %swap3A_54], %max3A_53 {strides = array<i32>} : memref<72x128xf32, #tpu.memory_space<vmem>>, vector<1x128xf32>,
    }
    %eq3A_38 = arith.constant 315 : i32
    %eq3A_39 = arith.cmpi eq, %arg0, %eq3A_38 : i32
    %convert_element_type3A_40 = arith.extui %eq3A_39 : i1 to i32
    %cond3A_41 = arith.constant 0 : i32
    %cond3A_42 = arith.cmpi ne, %convert_element_type3A_40, %cond3A_41 : i32
    scf.if %cond3A_42 {
      %get3A_43 = arith.constant 0 : index
      %get3A_44 = arith.constant 0 : index
      %get3A_45 = vector.load %arg10[%get3A_43, %get3A_44] : memref<72x128xf32, #tpu.memory_space<vmem>>, vector<64x128xf32>
      %get3A_46 = arith.constant 0 : index
      %get3A_47 = arith.constant 0 : index
      %get3A_48 = vector.load %arg7[%get3A_46, %get3A_47] : memref<128x2xf32, #tpu.memory_space<vmem>>, vector<128x2xf32>
      %dot_general3A = arith.constant dense<0.000000e+00> : vector<64x2xf32>
      %dot_general3A_49 = tpu.matmul %get3A_45, %get3A_48, %dot_general3A {dimension_numbers = #tpu.dot_dimension_numbers<[1], [0], [0], [1], [0, 0, 1, 1], [], []>, transpose_lhs_hint = false} : vector<64x128xf32>, vector<128x2xf32>, vector<64x2xf32> -> vector<64x2xf32>
      %get3A_50 = arith.constant 0 : index
      %get3A_51 = arith.constant 0 : index
      %get3A_52 = vector.load %arg8[%get3A_50, %get3A_51] : memref<1x2xf32, #tpu.memory_space<vmem>>, vector<1x2xf32>
      %add3A_53 = vector.broadcast %get3A_52 : vector<1x2xf32> to vector<64x2xf32>
      %add3A_54 = arith.addf %dot_general3A_49, %add3A_53 : vector<64x2xf32>
      %swap3A = arith.constant 0 : index
      %swap3A_55 = arith.constant 0 : index
      %swap3A_56 = vector.load %arg9[%swap3A, %swap3A_55] : memref<64x2xf32, #tpu.memory_space<vmem>>, vector<64x2xf32>
      tpu.vector_store %arg9[%swap3A, %swap3A_55], %add3A_54 {strides = array<i32>} : memref<64x2xf32, #tpu.memory_space<vmem>>, vector<64x2xf32>,
    } else {
    }
    return
  }
  func.func @transform_0(%arg0: i32) -> (i32, i32, i32) {
    %c0_i32 = arith.constant 0 : i32
    %c0_i32_0 = arith.constant 0 : i32
    %c0_i32_1 = arith.constant 0 : i32
    return %arg0, %c0_i32, %c0_i32_0 : i32, i32, i32
  }
  func.func @transform_1(%arg0: i32) -> (i32, i32) {
    %c0_i32 = arith.constant 0 : i32
    %c0_i32_0 = arith.constant 0 : i32
    return %arg0, %c0_i32 : i32, i32
  }
  func.func @transform_2(%arg0: i32) -> (i32, i32) {
    %c0_i32 = arith.constant 0 : i32
    %c0_i32_0 = arith.constant 0 : i32
    return %arg0, %c0_i32 : i32, i32
  }
  func.func @transform_3(%arg0: i32) -> (i32, i32) {
    %c0_i32 = arith.constant 0 : i32
    %c0_i32_0 = arith.constant 0 : i32
    return %arg0, %c0_i32 : i32, i32
  }
  func.func @transform_4(%arg0: i32) -> (i32, i32) {
    %c0_i32 = arith.constant 0 : i32
    %c0_i32_0 = arith.constant 0 : i32
    %c0_i32_1 = arith.constant 0 : i32
    return %c0_i32, %c0_i32_0 : i32, i32
  }
  func.func @transform_5(%arg0: i32) -> (i32, i32) {
    %c0_i32 = arith.constant 0 : i32
    %c0_i32_0 = arith.constant 0 : i32
    return %arg0, %c0_i32 : i32, i32
  }
  func.func @transform_6(%arg0: i32) -> (i32, i32) {
    %c0_i32 = arith.constant 0 : i32
    %c0_i32_0 = arith.constant 0 : i32
    %c0_i32_1 = arith.constant 0 : i32
    return %c0_i32, %c0_i32_0 : i32, i32
  }
  func.func @transform_7(%arg0: i32) -> (i32, i32) {
    %c0_i32 = arith.constant 0 : i32
    %c0_i32_0 = arith.constant 0 : i32
    %c0_i32_1 = arith.constant 0 : i32
    return %c0_i32, %c0_i32_0 : i32, i32
  }
  func.func @transform_8(%arg0: i32) -> (i32, i32) {
    %c0_i32 = arith.constant 0 : i32
    %c0_i32_0 = arith.constant 0 : i32
    %c0_i32_1 = arith.constant 0 : i32
    return %c0_i32, %c0_i32_0 : i32, i32
  }
}

</mosaic_0001>

<sc_bundles>
// kernel: kernel.15.cloned.1.call-start
scs
__scs_entry_jumppad:
0x0: {  	(pc) =	sbr.rel $0x88, $3  }
0x1: {  	(tag) =	ssettag $0x0;
	lr =	simm.s32 $0x1  }
0x2: {  	[smem:$0x3F92] =	sst lr;
	_ =	strace $0xD0000000  }
0x3: {  	_ = 	snop  }
0x4: {  	_ = 	snop  }
0x5: {  	_ = 	snop  }
0x6: {  	_ = 	snop  }
0x7: {  	_ = 	snop  }
__scs_overlays_trampoline_lowered:
0x8: {  	[smem:$0x3FA1] =	sst s0  }
0x9: {  	[smem:$0x3FA2] =	sst s1  }
0xa: {  	[smem:$0x3FA3] =	sst s2  }
0xb: {  	[smem:$0x3FA4] =	sst s3  }
0xc: {  	[smem:$0x3FA5] =	sst s4  }
0xd: {  	[smem:$0x3FA6] =	sst s5  }
0xe: {  	[smem:$0x3FA7] =	sst s6  }
0xf: {  	[smem:$0x3FA8] =	sst s7  }
0x10: {  	[smem:$0x3FA9] =	sst s8  }
0x11: {  	[smem:$0x3FAA] =	sst s9;
	s0 =	simm.s32 @!p0 $0x0  }
0x12: {  	s1 =	sld [smem:$0x3F90];
	s0 =	simm.s32 @p0 $0x1  }
0x13: {  	[smem:$0x3FAB] =	sst s0;
	s0 =	simm.s32 @!p1 $0x0  }
0x14: {  	s2 =	sld [smem:$0x3F8F];
	s0 =	simm.s32 @p1 $0x1  }
0x15: {  	[smem:$0x3FAC] =	sst s0;
	s0 =	simm.s32 @!p2 $0x0  }
0x16: {  	s3 =	sld [smem:$0x3FDB];
	s0 =	simm.s32 @p2 $0x1  }
0x17: {  	s4 =	simm.s32 $0x1BF5;
	[smem:$0x3FAE] =	sst s0  }
0x18: {  	s0 =	sld [smem:$0x3F91];
	_ =	swait.ge [sflag:s4], $0x0  }
0x19: {  	s7 =	sld [smem:$0x3F92]  }
0x1a: {  	s8 =	sadd.s32 $0xFFFFE003, lr  }
0x1b: {  	s9 =	sadd.s32 $0xFFFFFEF7, lr;
	s5 =	simm.s32 $0xFFFFFFFF;
	p2 =	slt.u32 s8, $0xFFFFF086  }
0x1c: {  	p1 =	slt.u32 s9, $0xF7A;
	s5 =	simm.s32 @!p2 $0x0  }
0x1d: {  	s5 =	simm.s32 @p1 $0x1;
	p0 =	seq.s32 s7, s2  }
0x1e: {  	s7 =	smul.u32 @!p0 $0xF7A, s2;
	p2 =	seq.s32 @!p0 s5, $0x0  }
0x1f: {  	s9 =	smul.u32 $0xF7A, s1;
	s8 =	simm.s32 @!p0 $0x1BF5;
	p2 =	por !p2, p0  }
0x20: {  	[sflag:s8] =	ssyncset.s32 @!p0 $0xFFFFF086;
	s6 =	sadd.s32 @!p0 s3, s7;
	s7 =	simm.s32 @!p0 $0x108  }
0x21: {  	s3 =	sadd.s32 s3, s9;
	s6 =	sadd.s32 @!p0 $0x88, s6;
	s7 =	simm.s32 @p2 $0x1082  }
0x22: {  	[simem:s7], [sflag:s8] =	dma.local @!p0 [hbm:s6], $0xF7A  }
0x23: {  	s9 =	sor.u32 $0xD0000000, s2;
	s6 =	simm.s32 $0x108;
	_ =	swait.ge @!p0 [sflag:s8], $0x0  }
0x24: {  	s3 =	sadd.s32 $0x88, s3;
	s6 =	simm.s32 @!p1 $0x1082;
	[sflag:s4] =	ssyncset.s32 $0xFFFFF086  }
0x25: {  	[simem:s6], [sflag:s4] =	dma.local [hbm:s3], $0xF7A  }
0x26: {  	[smem:$0x3F92] =	sst s1;
	(tag) =	ssettag s2;
	_ =	strace s9  }
0x27: {  	s1 =	sld [smem:$0x3FA2]  }
0x28: {  	s2 =	sld [smem:$0x3FA3]  }
0x29: {  	s4 =	sld [smem:$0x3FA5]  }
0x2a: {  	p0 =	seq.s32 s5, $0x0;
	s5 =	sld [smem:$0x3FA6]  }
0x2b: {  	s6 =	sld [smem:$0x3FA7]  }
0x2c: {  	s7 =	sld [smem:$0x3FA8]  }
0x2d: {  	s3 =	simm.s32 $0x108;
	s8 =	sld [smem:$0x3FA9]  }
0x2e: {  	s3 =	simm.s32 @!p0 $0x1082;
	s9 =	sld [smem:$0x3FAA]  }
0x2f: {  	lr =	sadd.s32 s0, s3;
	s0 =	sld [smem:$0x3FA1]  }
0x30: {  	s3 =	sld [smem:$0x3FA4]  }
0x31: {  	[smem:$0x3FAD] =	sst s10  }
0x32: {  	s10 =	sld [smem:$0x3FAB];
	_ =	sdelay $0x3  }
0x33: {  	p0 =	seq.s32 s10, $0x1;
	s10 =	sld [smem:$0x3FAD];
	_ =	sdelay $0x3  }
0x34: {  	[smem:$0x3FAD] =	sst s10  }
0x35: {  	s10 =	sld [smem:$0x3FAC];
	_ =	sdelay $0x3  }
0x36: {  	p1 =	seq.s32 s10, $0x1;
	s10 =	sld [smem:$0x3FAD];
	_ =	sdelay $0x3  }
0x37: {  	[smem:$0x3FAD] =	sst s10  }
0x38: {  	s10 =	sld [smem:$0x3FAE]  }
0x39: {  	_ = 	snop;
	(pc) =	sbr.ind lr, $3  }
0x3a: {  	_ = 	snop  }
0x3b: {  	_ = 	snop  }
0x3c: {  	p2 =	seq.s32 s10, $0x1;
	s10 =	sld [smem:$0x3FAD]  }
0x3d: {  	_ =	shalt  }
0x3e: {  	_ =	shalt  }
0x3f: {  	_ =	shalt  }
0x40: {  	_ =	shalt  }
0x41: {  	_ =	shalt  }
0x42: {  	_ =	shalt  }
0x43: {  	_ =	shalt  }
0x44: {  	_ =	shalt  }
0x45: {  	_ =	shalt  }
0x46: {  	_ =	shalt  }
0x47: {  	_ =	shalt  }
0x48: {  	_ =	shalt  }
0x49: {  	_ =	shalt  }
0x4a: {  	_ =	shalt  }
0x4b: {  	_ =	shalt  }
0x4c: {  	_ =	shalt  }
0x4d: {  	_ =	shalt  }
0x4e: {  	_ =	shalt  }
0x4f: {  	_ =	shalt  }
0x50: {  	_ =	shalt  }
0x51: {  	_ =	shalt  }
0x52: {  	_ =	shalt  }
0x53: {  	_ =	shalt  }
0x54: {  	_ =	shalt  }
0x55: {  	_ =	shalt  }
0x56: {  	_ =	shalt  }
0x57: {  	_ =	shalt  }
0x58: {  	_ =	shalt  }
0x59: {  	_ =	shalt  }
0x5a: {  	_ =	shalt  }
0x5b: {  	_ =	shalt  }
0x5c: {  	_ =	shalt  }
0x5d: {  	_ =	shalt  }
0x5e: {  	_ =	shalt  }
0x5f: {  	_ =	shalt  }
0x60: {  	_ =	shalt  }
0x61: {  	_ =	shalt  }
0x62: {  	_ =	shalt  }
0x63: {  	_ =	shalt  }
0x64: {  	_ =	shalt  }
0x65: {  	_ =	shalt  }
0x66: {  	_ =	shalt  }
0x67: {  	_ =	shalt  }
0x68: {  	_ =	shalt  }
0x69: {  	_ =	shalt  }
0x6a: {  	_ =	shalt  }
0x6b: {  	_ =	shalt  }
0x6c: {  	_ =	shalt  }
0x6d: {  	_ =	shalt  }
0x6e: {  	_ =	shalt  }
0x6f: {  	_ =	shalt  }
0x70: {  	_ =	shalt  }
0x71: {  	_ =	shalt  }
0x72: {  	_ =	shalt  }
0x73: {  	_ =	shalt  }
0x74: {  	_ =	shalt  }
0x75: {  	_ =	shalt  }
0x76: {  	_ =	shalt  }
0x77: {  	_ =	shalt  }
0x78: {  	_ =	shalt  }
0x79: {  	_ =	shalt  }
0x7a: {  	_ =	shalt  }
0x7b: {  	_ =	shalt  }
0x7c: {  	_ =	shalt  }
0x7d: {  	_ =	shalt  }
0x7e: {  	_ =	shalt  }
0x7f: {  	_ =	shalt  }
0x80: {  	_ =	shalt  }
0x81: {  	_ =	shalt  }
0x82: {  	_ =	shalt  }
0x83: {  	_ =	shalt  }
0x84: {  	_ =	shalt  }
0x85: {  	_ =	shalt  }
0x86: {  	_ =	shalt  }
0x87: {  	_ =	shalt  }
.Lfunc_end0:
.L_simem_size_0:
called_computation_lowered:
.L_overlay_start_0:
0x88: {  	s2 =	sld [smem:$0x3FD9]  }
0x89: {  	s3 =	sld [smem:$0x3FFE];
	_ =	sdelay $0x1  }
0x8a: {  	s1 =	srdreg.scid  }
0x8b: {  	s0 =	sand.u32 $0x1, s1  }
0x8c: {  	s16 =	sshll.u32 s0, $0xA;
	s2 =	sadd.s32 s3, s2  }
0x8d: {  	s2 =	sadd.s32 s2, s16  }
0x8e: {  	[smem:$0x3FB9] =	sst s2  }
0x8f: {  	_ = 	snop  }
0x90: {  	(tm) =	ssettm $0x1  }
0x91: {  	s17 =	sld [smem:$0x3FFB];
	_ =	sdelay $0x3  }
0x92: {  	_ =	strace s17  }
0x93: {  	s2 =	sld [smem:$0x3FFC];
	_ =	sdelay $0x3  }
0x94: {  	_ =	strace s2  }
0x95: {  	s2 =	sld [smem:$0x3FFD];
	_ =	sdelay $0x3  }
0x96: {  	_ =	strace s2  }
0x97: {  	_ =	strace $0x8FFFFFFF  }
0x98: {  	s18 =	sld [smem:$0x3FDB];
	_ =	sdelay $0x1  }
0x99: {  	s19 =	simm.s32 $_scs_section_size  }
0x9a: {  	s4 =	simm.s32 $_size__tile_overlayer_lowered;
	s5 =	simm.s32 $_tile_overlayer_lowered  }
0x9b: {  	s22 =	simm.s32 $0x1BFF;
	s21 =	sshll.u32 s5, $0x1;
	s2 =	sadd.s32 s19, s18  }
0x9c: {  	s6 =	simm.s32 $0x0;
	s20 =	sshll.u32 s4, $0x1;
	s4 =	sadd.s32 s21, s2  }
0x9d: {  	[timem:s6], [sflag:s22] =	dma.local [hbm:s4], s20  }
0x9e: {  	_ =	swait.ge [sflag:s22], s20  }
0x9f: {  	s3 =	ssub.s32 $0x0, s20;
	[sflag:s22] =	ssyncset.done $0x0  }
0xa0: {  	[sflag:s22] =	ssyncadd.s32 s3;
	_ =	sdelay $0x1  }
0xa1: {  	s23 =	simm.s32 $0x1B8B  }
0xa2: {  	_ =	swait.ge [sflag:s23], $0x1  }
0xa3: {  	[sflag:s23] =	ssyncset.done $0x0  }
0xa4: {  	s25 =	simm.s32 $0x1B8E;
	s24 =	sld [smem:$0x3FFE];
	[sflag:s23] =	ssyncadd.s32 $0xFFFFFFFF  }
0xa5: {  	s26 =	simm.s32 $execute0_lowered;
	[smem:$0x3FD2] =	sst s25  }
0xa6: {  	s4 =	sshll.u32 s26, $0x1;
	_ =	strace $0x80000046;
	[dreg:$0x1] =	wrdreg $0xFFFFFFFF  }
0xa7: {  	s28 =	simm.s32 $_size_execute0_lowered;
	s2 =	sadd.s32 s2, s4;
	[dreg:$0x0] =	wrdreg $0x0  }
0xa8: {  	s4 =	sshll.u32 s28, $0x1;
	[dreg:$0x2] =	wrdreg s2  }
0xa9: {  	[dreg:$0x3] =	wrdreg s4  }
0xaa: {  	[dreg:$0x4] =	wrdreg $0xC0  }
0xab: {  	_ =	task [dreg:s6], $0x5FFFF  }
0xac: {  	[dreg:$0x1] =	wrdreg $0xFFFFFFFF  }
0xad: {  	[dreg:$0x0] =	wrdreg $0x60  }
0xae: {  	[dreg:$0x2] =	wrdreg s24  }
0xaf: {  	[dreg:$0x3] =	wrdreg $0x68000  }
0xb0: {  	[dreg:$0x4] =	wrdreg $0x9  }
0xb1: {  	_ =	task.clear_ibuf [dreg:s6], $0x5FFFF;
	_ =	strace $0x90000046  }
0xb2: {  	s29 =	simm.s32 $0x9;
	_ =	strace $0x80000048  }
0xb3: {  	_ =	swait.ge [sflag:s29], $0x1  }
0xb4: {  	[sflag:s29] =	ssyncadd.s32 $0xFFFFFFFF  }
0xb5: {  	_ =	strace $0x90000048  }
0xb6: {  	_ =	sfence  }
0xb7: {  	s30 =	sld [smem:$0x0];
	_ =	sdelay $0x2  }
0xb8: {  	s31 =	sshll.u32 s1, $0xD;
	s1 =	sshrl.u32 s1, $0x2  }
0xb9: {  	s3 =	sand.u32 $0x4000, s31;
	s1 =	sadd.s32 s1, s30  }
0xba: {  	s0 =	sor.u32 s3, s0;
	s1 =	sshll.u32 s1, $0x11  }
0xbb: {  	s0 =	sor.u32 s1, s0  }
0xbc: {  	s0 =	sadd.s32 $0x8F2B, s0  }
0xbd: {  	[sflag:s0] =	ssyncadd.remote.s32 $0x1  }
0xbe: {  	_ =	sfence.sel $0xFFFF  }
0xbf: {  	[dreg:$0x0] =	wrdreg $0xFFFFFFFF;
	(pc) =	sbr.abs _section_cstart, $3  }
0xc0: {  	[dreg:$0x1] =	wrdreg $0xFFFFFFFF  }
0xc1: {  	_ =	task.clear_ibuf [dreg:s6], $0x2FFFF;
	_ =	strace $0x9FFFFFFF  }
0xc2: {  	(tm) =	ssettm $0x7FFFFFFF  }
0xc3: {  	_ =	shalt  }
tec
execute0_lowered:
.L_overlay_start_1:
0x0: {  	(tag) =	ssettag $0x1  }
0x1: {  	s1 =	srdreg.scid;
	s5 =	rddreg [dreg:$0x0]  }
0x2: {  	s0 =	stileid.u32;
	s2 =	rddreg [dreg:$0x1];
	s3 =	simm.s32 $0x0  }
0x3: {  	s14 =	simm.s32 $0x0;
	s6 =	sand.u32 $0x1, s1;
	s1 =	rddreg [dreg:$0x2]  }
0x4: {  	s28 =	sshll.u32 s0, $0x1;
	[smem:$0x7FF] =	sst s3;
	s7 =	smul.u32 $0x13C00, s0  }
0x5: {  	s29 =	smul.u32 $0x4F000, s0;
	s31 =	sshll.u32 s0, $0x6;
	s4 =	sor.u32 s6, s28  }
0x6: {  	_ =	strace $0x80000047;
	s8 =	smul.u32 $0x13C000, s6;
	s6 =	ssub.s32 $0x2, s6  }
0x7: {  	s4 =	smul.u32 $0x500, s4;
	s10 =	sshrl.u32 s7, $0x3;
	s11 =	sshrl.u32 s6, $0x1  }
0x8: {  	s30 =	sshrl.u32 s29, $0x2;
	s7 =	sadd.s32 s7, s8;
	s10 =	sadd.s32 s10, s5  }
0x9: {  	s11 =	ssub.s32 s6, s11;
	s13 =	sadd.s32 s30, s2;
	s6 =	sor.u32 $0x1C01, s31  }
0xa: {  	s9 =	sadd.s32 s4, s5;
	s4 =	sadd.s32 $0x36600, s5;
	s7 =	sshrl.u32 s7, $0x3  }
0xb: {  	s12 =	sadd.s32 s7, s5;
	s5 =	sadd.s32 $0xEE00, s10;
	s7 =	sadd.s32 $0x4E00, s9  }
0xc: {  	s9 =	smax.u32 s11, $0x1;
	s10 =	sshrl.u32 s13, $0x3;
	s11 =	simm.s32 $0x1  }
0xd: {  	s13 =	simm.s32 $0x80;
	s8 =	sadd.s32 $0x36E00, s12;
	s12 =	simm.s32 $0x2800  }
.LBB2_1:
0xe: {  	[spmem:s10], [sflag:s6] =	dma.local [hbm:s5], $0x2780  }
0xf: {  	_ =	swait.ge [sflag:s11], $0x2780  }
0x10: {  	[sflag:s11] =	ssyncset.done $0x0  }
0x11: {  	[sflag:s11] =	ssyncadd.s32 $0xFFFFD880  }
0x12: {  	[tilespmem:s12], [sflag:$0x1] =	stream.linear.gather [hbm4b:s4+s3], $0x4000, $0x38;
	[tilespmem:$0x1A400] =	vst v63  }
0x13: {  	_ =	swait.ge [sflag:s11], $0x4000  }
0x14: {  	[sflag:s11] =	ssyncset.done $0x0  }
0x15: {  	[sflag:s11] =	ssyncadd.s32 $0xFFFFC000  }
0x16: {  	[tilespmem:s3], [sflag:$0x1] =	stream.linear.gather [hbm4b:s7+s3], $0x2800, $0x38;
	[tilespmem:$0x1A400] =	vst v63  }
0x17: {  	_ =	swait.ge [sflag:s11], $0x2800  }
0x18: {  	[sflag:s11] =	ssyncset.done $0x0  }
0x19: {  	[sflag:s11] =	ssyncadd.s32 $0xFFFFD800  }
0x1a: {  	s15 =	simm.s32 $0x0;
	[bflag:$0x0] =	sbarrier.arrive $0xFFFF  }
0x1b: {  	[spmem:s2] =	stream.indirect.scatter.add.f32 [tilespmem:s12], [sflag:$0x1], $0x80, s15, s13, $0xb8;
	[tilespmem:$0x1A400] =	vst v63  }
0x1c: {  	_ =	swait.ge [sflag:s11], $0x4000  }
0x1d: {  	s15 =	simm.s32 $0x200;
	[sflag:s11] =	ssyncset.done $0x0  }
.LBB2_2:
0x1e: {  	s16 =	sshra.s32 s15, $0x2;
	[sflag:s11] =	ssyncadd.s32 $0xFFFFC000;
	p0 =	sne.s32 s15, $0x9E00  }
0x1f: {  	[spmem:s2] =	stream.indirect.scatter.add.f32 [tilespmem:s12], [sflag:$0x1], $0x80, s16, s13, $0xb8;
	[tilespmem:$0x1A400] =	vst v63  }
.Ltmp0:
0x20: {  	_ = 	snop;
	(pc) =	sbr.rel @p0 .LBB2_2-.Ltmp0, $4  }
0x21: {  	_ = 	snop  }
0x22: {  	s15 =	sadd.s32 $0x200, s15  }
0x23: {  	_ =	swait.ge [sflag:s11], $0x4000  }
0x24: {  	[sflag:s11] =	ssyncset.done $0x0  }
0x25: {  	s14 =	sadd.s32 $0x1, s14  }
0x26: {  	[sflag:s11] =	ssyncadd.s32 $0xFFFFC000;
	p0 =	sne.s32 s14, s9  }
.Ltmp1:
0x27: {  	[bflag:$0x0] =	sbarrier.arrive $0xFFFF;
	(pc) =	sbr.rel @p0 .LBB2_1-.Ltmp1, $4  }
0x28: {  	[hbm:s8], [sflag:s6] =	dma.local [spmem:s10], $0x2780  }
0x29: {  	_ =	swait.ge [sflag:s11], $0x2780  }
0x2a: {  	[sflag:s11] =	ssyncset.done $0x0  }
0x2b: {  	[sflag:s11] =	ssyncadd.s32 $0xFFFFD880  }
0x2c: {  	_ =	sfence.sel $0x180000  }
0x2d: {  	[bflag:$0x0] =	sbarrier.arrive $0xFFFF  }
0x2e: {  	p0 =	sne.s32 s0, $0x0;
	_ =	strace $0x90000047  }
0x2f: {  	s0 =	sadd.s32 @!p0 $0x100000, s1;
	[bflag:$0x2] =	sbarrier.arrive $0xFFFF  }
0x30: {  	[sflag:s0] =	ssyncadd.tile.s32 @!p0 $0x1;
	_ =	shalt  }
.Lfunc_end2:
_tile_overlayer_lowered:
.L_overlay_start_2:
0x31: {  	(tag) =	ssettag $0x2  }
0x32: {  	s0 =	rddreg [dreg:$0x0];
	s2 =	stileid.u32  }
0x33: {  	s1 =	rddreg [dreg:$0x1];
	p0 =	sne.s32 s2, $0x0  }
0x34: {  	s3 =	rddreg [dreg:$0x2];
	[bflag:$0x3] =	sbarrier.arrive $0xFFFF;
	s2 =	simm.s32 @!p0 $0x1C01  }
0x35: {  	[timem:s3], [sflag:s2] =	dma.local @!p0 [hbm:s0], s1  }
0x36: {  	s0 =	simm.s32 @!p0 $0x1  }
0x37: {  	_ =	swait.ge @!p0 [sflag:s0], s1  }
0x38: {  	s1 =	ssub.s32 @!p0 $0x0, s1;
	[sflag:s0] =	ssyncset.done @!p0 $0x0  }
0x39: {  	[sflag:s0] =	ssyncadd.s32 @!p0 s1  }
0x3a: {  	[bflag:$0x3] =	sbarrier.arrive $0xFFFF  }
0x3b: {  	_ =	shalt  }

// kernel: kernel.18.cloned.1.call-start
scs
__scs_entry_jumppad:
0x0: {  	(pc) =	sbr.rel $0x88, $3  }
0x1: {  	(tag) =	ssettag $0x0;
	lr =	simm.s32 $0x1  }
0x2: {  	[smem:$0x3F92] =	sst lr;
	_ =	strace $0xD0000000  }
0x3: {  	_ = 	snop  }
0x4: {  	_ = 	snop  }
0x5: {  	_ = 	snop  }
0x6: {  	_ = 	snop  }
0x7: {  	_ = 	snop  }
__scs_overlays_trampoline_lowered:
0x8: {  	[smem:$0x3FA1] =	sst s0  }
0x9: {  	[smem:$0x3FA2] =	sst s1  }
0xa: {  	[smem:$0x3FA3] =	sst s2  }
0xb: {  	[smem:$0x3FA4] =	sst s3  }
0xc: {  	[smem:$0x3FA5] =	sst s4  }
0xd: {  	[smem:$0x3FA6] =	sst s5  }
0xe: {  	[smem:$0x3FA7] =	sst s6  }
0xf: {  	[smem:$0x3FA8] =	sst s7  }
0x10: {  	[smem:$0x3FA9] =	sst s8  }
0x11: {  	[smem:$0x3FAA] =	sst s9;
	s0 =	simm.s32 @!p0 $0x0  }
0x12: {  	s1 =	sld [smem:$0x3F90];
	s0 =	simm.s32 @p0 $0x1  }
0x13: {  	[smem:$0x3FAB] =	sst s0;
	s0 =	simm.s32 @!p1 $0x0  }
0x14: {  	s2 =	sld [smem:$0x3F8F];
	s0 =	simm.s32 @p1 $0x1  }
0x15: {  	[smem:$0x3FAC] =	sst s0;
	s0 =	simm.s32 @!p2 $0x0  }
0x16: {  	s3 =	sld [smem:$0x3FDB];
	s0 =	simm.s32 @p2 $0x1  }
0x17: {  	s4 =	simm.s32 $0x1BF5;
	[smem:$0x3FAE] =	sst s0  }
0x18: {  	s0 =	sld [smem:$0x3F91];
	_ =	swait.ge [sflag:s4], $0x0  }
0x19: {  	s7 =	sld [smem:$0x3F92]  }
0x1a: {  	s8 =	sadd.s32 $0xFFFFE003, lr  }
0x1b: {  	s9 =	sadd.s32 $0xFFFFFEF7, lr;
	s5 =	simm.s32 $0xFFFFFFFF;
	p2 =	slt.u32 s8, $0xFFFFF086  }
0x1c: {  	p1 =	slt.u32 s9, $0xF7A;
	s5 =	simm.s32 @!p2 $0x0  }
0x1d: {  	s5 =	simm.s32 @p1 $0x1;
	p0 =	seq.s32 s7, s2  }
0x1e: {  	s7 =	smul.u32 @!p0 $0xF7A, s2;
	p2 =	seq.s32 @!p0 s5, $0x0  }
0x1f: {  	s9 =	smul.u32 $0xF7A, s1;
	s8 =	simm.s32 @!p0 $0x1BF5;
	p2 =	por !p2, p0  }
0x20: {  	[sflag:s8] =	ssyncset.s32 @!p0 $0xFFFFF086;
	s6 =	sadd.s32 @!p0 s3, s7;
	s7 =	simm.s32 @!p0 $0x108  }
0x21: {  	s3 =	sadd.s32 s3, s9;
	s6 =	sadd.s32 @!p0 $0x88, s6;
	s7 =	simm.s32 @p2 $0x1082  }
0x22: {  	[simem:s7], [sflag:s8] =	dma.local @!p0 [hbm:s6], $0xF7A  }
0x23: {  	s9 =	sor.u32 $0xD0000000, s2;
	s6 =	simm.s32 $0x108;
	_ =	swait.ge @!p0 [sflag:s8], $0x0  }
0x24: {  	s3 =	sadd.s32 $0x88, s3;
	s6 =	simm.s32 @!p1 $0x1082;
	[sflag:s4] =	ssyncset.s32 $0xFFFFF086  }
0x25: {  	[simem:s6], [sflag:s4] =	dma.local [hbm:s3], $0xF7A  }
0x26: {  	[smem:$0x3F92] =	sst s1;
	(tag) =	ssettag s2;
	_ =	strace s9  }
0x27: {  	s1 =	sld [smem:$0x3FA2]  }
0x28: {  	s2 =	sld [smem:$0x3FA3]  }
0x29: {  	s4 =	sld [smem:$0x3FA5]  }
0x2a: {  	p0 =	seq.s32 s5, $0x0;
	s5 =	sld [smem:$0x3FA6]  }
0x2b: {  	s6 =	sld [smem:$0x3FA7]  }
0x2c: {  	s7 =	sld [smem:$0x3FA8]  }
0x2d: {  	s3 =	simm.s32 $0x108;
	s8 =	sld [smem:$0x3FA9]  }
0x2e: {  	s3 =	simm.s32 @!p0 $0x1082;
	s9 =	sld [smem:$0x3FAA]  }
0x2f: {  	lr =	sadd.s32 s0, s3;
	s0 =	sld [smem:$0x3FA1]  }
0x30: {  	s3 =	sld [smem:$0x3FA4]  }
0x31: {  	[smem:$0x3FAD] =	sst s10  }
0x32: {  	s10 =	sld [smem:$0x3FAB];
	_ =	sdelay $0x3  }
0x33: {  	p0 =	seq.s32 s10, $0x1;
	s10 =	sld [smem:$0x3FAD];
	_ =	sdelay $0x3  }
0x34: {  	[smem:$0x3FAD] =	sst s10  }
0x35: {  	s10 =	sld [smem:$0x3FAC];
	_ =	sdelay $0x3  }
0x36: {  	p1 =	seq.s32 s10, $0x1;
	s10 =	sld [smem:$0x3FAD];
	_ =	sdelay $0x3  }
0x37: {  	[smem:$0x3FAD] =	sst s10  }
0x38: {  	s10 =	sld [smem:$0x3FAE]  }
0x39: {  	_ = 	snop;
	(pc) =	sbr.ind lr, $3  }
0x3a: {  	_ = 	snop  }
0x3b: {  	_ = 	snop  }
0x3c: {  	p2 =	seq.s32 s10, $0x1;
	s10 =	sld [smem:$0x3FAD]  }
0x3d: {  	_ =	shalt  }
0x3e: {  	_ =	shalt  }
0x3f: {  	_ =	shalt  }
0x40: {  	_ =	shalt  }
0x41: {  	_ =	shalt  }
0x42: {  	_ =	shalt  }
0x43: {  	_ =	shalt  }
0x44: {  	_ =	shalt  }
0x45: {  	_ =	shalt  }
0x46: {  	_ =	shalt  }
0x47: {  	_ =	shalt  }
0x48: {  	_ =	shalt  }
0x49: {  	_ =	shalt  }
0x4a: {  	_ =	shalt  }
0x4b: {  	_ =	shalt  }
0x4c: {  	_ =	shalt  }
0x4d: {  	_ =	shalt  }
0x4e: {  	_ =	shalt  }
0x4f: {  	_ =	shalt  }
0x50: {  	_ =	shalt  }
0x51: {  	_ =	shalt  }
0x52: {  	_ =	shalt  }
0x53: {  	_ =	shalt  }
0x54: {  	_ =	shalt  }
0x55: {  	_ =	shalt  }
0x56: {  	_ =	shalt  }
0x57: {  	_ =	shalt  }
0x58: {  	_ =	shalt  }
0x59: {  	_ =	shalt  }
0x5a: {  	_ =	shalt  }
0x5b: {  	_ =	shalt  }
0x5c: {  	_ =	shalt  }
0x5d: {  	_ =	shalt  }
0x5e: {  	_ =	shalt  }
0x5f: {  	_ =	shalt  }
0x60: {  	_ =	shalt  }
0x61: {  	_ =	shalt  }
0x62: {  	_ =	shalt  }
0x63: {  	_ =	shalt  }
0x64: {  	_ =	shalt  }
0x65: {  	_ =	shalt  }
0x66: {  	_ =	shalt  }
0x67: {  	_ =	shalt  }
0x68: {  	_ =	shalt  }
0x69: {  	_ =	shalt  }
0x6a: {  	_ =	shalt  }
0x6b: {  	_ =	shalt  }
0x6c: {  	_ =	shalt  }
0x6d: {  	_ =	shalt  }
0x6e: {  	_ =	shalt  }
0x6f: {  	_ =	shalt  }
0x70: {  	_ =	shalt  }
0x71: {  	_ =	shalt  }
0x72: {  	_ =	shalt  }
0x73: {  	_ =	shalt  }
0x74: {  	_ =	shalt  }
0x75: {  	_ =	shalt  }
0x76: {  	_ =	shalt  }
0x77: {  	_ =	shalt  }
0x78: {  	_ =	shalt  }
0x79: {  	_ =	shalt  }
0x7a: {  	_ =	shalt  }
0x7b: {  	_ =	shalt  }
0x7c: {  	_ =	shalt  }
0x7d: {  	_ =	shalt  }
0x7e: {  	_ =	shalt  }
0x7f: {  	_ =	shalt  }
0x80: {  	_ =	shalt  }
0x81: {  	_ =	shalt  }
0x82: {  	_ =	shalt  }
0x83: {  	_ =	shalt  }
0x84: {  	_ =	shalt  }
0x85: {  	_ =	shalt  }
0x86: {  	_ =	shalt  }
0x87: {  	_ =	shalt  }
.Lfunc_end0:
.L_simem_size_0:
called_computation.1_lowered:
.L_overlay_start_0:
0x88: {  	s2 =	sld [smem:$0x3FD9]  }
0x89: {  	s3 =	sld [smem:$0x3FFE];
	_ =	sdelay $0x1  }
0x8a: {  	s1 =	srdreg.scid  }
0x8b: {  	s0 =	sand.u32 $0x1, s1  }
0x8c: {  	s16 =	sshll.u32 s0, $0xA;
	s2 =	sadd.s32 s3, s2  }
0x8d: {  	s2 =	sadd.s32 s2, s16  }
0x8e: {  	[smem:$0x3FB9] =	sst s2  }
0x8f: {  	_ = 	snop  }
0x90: {  	(tm) =	ssettm $0x1  }
0x91: {  	s17 =	sld [smem:$0x3FFB];
	_ =	sdelay $0x3  }
0x92: {  	_ =	strace s17  }
0x93: {  	s2 =	sld [smem:$0x3FFC];
	_ =	sdelay $0x3  }
0x94: {  	_ =	strace s2  }
0x95: {  	s2 =	sld [smem:$0x3FFD];
	_ =	sdelay $0x3  }
0x96: {  	_ =	strace s2  }
0x97: {  	_ =	strace $0x8FFFFFFF  }
0x98: {  	s18 =	sld [smem:$0x3FDB];
	_ =	sdelay $0x1  }
0x99: {  	s19 =	simm.s32 $_scs_section_size  }
0x9a: {  	s4 =	simm.s32 $_size__tile_overlayer_lowered;
	s5 =	simm.s32 $_tile_overlayer_lowered  }
0x9b: {  	s22 =	simm.s32 $0x1BFF;
	s21 =	sshll.u32 s5, $0x1;
	s2 =	sadd.s32 s19, s18  }
0x9c: {  	s6 =	simm.s32 $0x0;
	s20 =	sshll.u32 s4, $0x1;
	s4 =	sadd.s32 s21, s2  }
0x9d: {  	[timem:s6], [sflag:s22] =	dma.local [hbm:s4], s20  }
0x9e: {  	_ =	swait.ge [sflag:s22], s20  }
0x9f: {  	s3 =	ssub.s32 $0x0, s20;
	[sflag:s22] =	ssyncset.done $0x0  }
0xa0: {  	[sflag:s22] =	ssyncadd.s32 s3;
	_ =	sdelay $0x1  }
0xa1: {  	s23 =	simm.s32 $0x1B8B  }
0xa2: {  	_ =	swait.ge [sflag:s23], $0x1  }
0xa3: {  	[sflag:s23] =	ssyncset.done $0x0  }
0xa4: {  	s25 =	simm.s32 $0x1B8E;
	s24 =	sld [smem:$0x3FFE];
	[sflag:s23] =	ssyncadd.s32 $0xFFFFFFFF  }
0xa5: {  	s26 =	simm.s32 $execute0_lowered;
	[smem:$0x3FD2] =	sst s25  }
0xa6: {  	s4 =	sshll.u32 s26, $0x1;
	_ =	strace $0x80000049;
	[dreg:$0x1] =	wrdreg $0xFFFFFFFF  }
0xa7: {  	s28 =	simm.s32 $_size_execute0_lowered;
	s2 =	sadd.s32 s2, s4;
	[dreg:$0x0] =	wrdreg $0x0  }
0xa8: {  	s4 =	sshll.u32 s28, $0x1;
	[dreg:$0x2] =	wrdreg s2  }
0xa9: {  	[dreg:$0x3] =	wrdreg s4  }
0xaa: {  	[dreg:$0x4] =	wrdreg $0xC0  }
0xab: {  	_ =	task [dreg:s6], $0x5FFFF  }
0xac: {  	[dreg:$0x1] =	wrdreg $0xFFFFFFFF  }
0xad: {  	[dreg:$0x0] =	wrdreg $0x60  }
0xae: {  	[dreg:$0x2] =	wrdreg s24  }
0xaf: {  	[dreg:$0x3] =	wrdreg $0xC0000  }
0xb0: {  	[dreg:$0x4] =	wrdreg $0x9  }
0xb1: {  	_ =	task.clear_ibuf [dreg:s6], $0x5FFFF;
	_ =	strace $0x90000049  }
0xb2: {  	s29 =	simm.s32 $0x9;
	_ =	strace $0x8000004B  }
0xb3: {  	_ =	swait.ge [sflag:s29], $0x1  }
0xb4: {  	[sflag:s29] =	ssyncadd.s32 $0xFFFFFFFF  }
0xb5: {  	_ =	strace $0x9000004B  }
0xb6: {  	_ =	sfence  }
0xb7: {  	s30 =	sld [smem:$0x0];
	_ =	sdelay $0x2  }
0xb8: {  	s31 =	sshll.u32 s1, $0xD;
	s1 =	sshrl.u32 s1, $0x2  }
0xb9: {  	s3 =	sand.u32 $0x4000, s31;
	s1 =	sadd.s32 s1, s30  }
0xba: {  	s0 =	sor.u32 s3, s0;
	s1 =	sshll.u32 s1, $0x11  }
0xbb: {  	s0 =	sor.u32 s1, s0  }
0xbc: {  	s0 =	sadd.s32 $0x8F2B, s0  }
0xbd: {  	[sflag:s0] =	ssyncadd.remote.s32 $0x1  }
0xbe: {  	_ =	sfence.sel $0xFFFF  }
0xbf: {  	[dreg:$0x0] =	wrdreg $0xFFFFFFFF;
	(pc) =	sbr.abs _section_cstart, $3  }
0xc0: {  	[dreg:$0x1] =	wrdreg $0xFFFFFFFF  }
0xc1: {  	_ =	task.clear_ibuf [dreg:s6], $0x2FFFF;
	_ =	strace $0x9FFFFFFF  }
0xc2: {  	(tm) =	ssettm $0x7FFFFFFF  }
0xc3: {  	_ =	shalt  }
tec
execute0_lowered:
.L_overlay_start_1:
0x0: {  	(tag) =	ssettag $0x1  }
0x1: {  	s5 =	rddreg [dreg:$0x0]  }
0x2: {  	s1 =	rddreg [dreg:$0x1]  }
0x3: {  	s0 =	rddreg [dreg:$0x2]  }
0x4: {  	s2 =	simm.s32 $0x0;
	s3 =	srdreg.scid;
	s17 =	simm.s32 $0x80  }
0x5: {  	s18 =	simm.s32 $0x8000;
	[smem:$0x7FF] =	sst s2;
	s13 =	sand.u32 $0x1, s3  }
0x6: {  	s19 =	simm.s32 $0x1;
	s3 =	stileid.u32;
	s6 =	smul.u32 $0x13C000, s13  }
0x7: {  	s4 =	sadd.s32 $0x36600, s5;
	_ =	strace $0x8000004A;
	s9 =	smul.u32 $0x13C00, s3  }
0x8: {  	s7 =	sshll.u32 s3, $0xB;
	s8 =	sshll.u32 s3, $0x9;
	s28 =	smul.u32 $0x2780, s3  }
0x9: {  	s29 =	ssub.s32 $0x2, s13;
	s11 =	smul.u32 $0x4F000, s3;
	s31 =	sshll.u32 s3, $0x6  }
0xa: {  	p0 =	seq.s32 s13, $0x0;
	s10 =	sadd.s32 s7, s5;
	s26 =	sadd.s32 s8, s5  }
0xb: {  	s14 =	sshrl.u32 s29, $0x1;
	s13 =	sor.u32 $0x1C02, s31;
	s6 =	sadd.s32 s9, s6  }
0xc: {  	s12 =	sadd.s32 s28, s5;
	s14 =	ssub.s32 s29, s14;
	s30 =	sshrl.u32 s11, $0x2  }
.Ltmp0:
0xd: {  	s7 =	sadd.s32 $0x85E00, s26;
	s8 =	sadd.s32 s4, s28;
	(pc) =	sbr.rel .LBB2_1-.Ltmp0, $4  }
0xe: {  	s9 =	sadd.s32 $0x91E00, s10;
	s10 =	sadd.s32 $0x89E00, s10;
	s6 =	sshrl.u32 s6, $0x3  }
0xf: {  	s16 =	sadd.s32 s30, s1;
	s15 =	sadd.s32 s6, s5;
	s5 =	sadd.s32 $0xEE00, s12  }
0x10: {  	s6 =	sadd.s32 $0x87E00, s26;
	s12 =	smax.u32 s14, $0x1;
	s14 =	sshrl.u32 s16, $0x3  }
0x11: {  	s16 =	simm.s32 $0x4000;
	s11 =	sadd.s32 $0x99E00, s15;
	s15 =	simm.s32 $0x2  }
.LBB2_7:
0x12: {  	s20 =	sshra.s32 s20, $0x2;
	[sflag:s15] =	ssyncadd.s32 $0xFFFFC000  }
0x13: {  	[tilespmem:s18], [sflag:$0x1] =	stream.indirect.gather [hbm4b:s4+s17], $0x80, s20, s17, $0xb8;
	[tilespmem:$0x1FC00] =	vst v63  }
0x14: {  	_ =	swait.ge [sflag:s19], $0x4000  }
0x15: {  	[sflag:s19] =	ssyncset.done $0x0  }
0x16: {  	s20 =	sadd.s32 $0x4000, s20;
	[sflag:s19] =	ssyncadd.s32 $0xFFFFC000  }
0x17: {  	[spmem:s1] =	stream.indirect.scatter.add.f32 [tilespmem:s18], [sflag:$0x2], $0x80, s20, s17, $0xb8;
	[tilespmem:$0x1FC00] =	vst v63  }
0x18: {  	_ =	swait.ge [sflag:s15], $0x4000  }
0x19: {  	[sflag:s15] =	ssyncset.done $0x0  }
0x1a: {  	[sflag:s15] =	ssyncadd.s32 $0xFFFFC000  }
.LBB2_8:
0x1b: {  	s2 =	sadd.s32 $0x1, s2  }
0x1c: {  	p1 =	sne.s32 s2, s12  }
.Ltmp1:
0x1d: {  	[bflag:$0x0] =	sbarrier.arrive $0xFFFF;
	(pc) =	sbr.rel @!p1 .LBB2_9-.Ltmp1, $4  }
0x1e: {  	[hbm:s11], [sflag:s13] =	dma.local [spmem:s14], $0x2780  }
0x1f: {  	_ =	swait.ge [sflag:s15], $0x2780  }
0x20: {  	[sflag:s15] =	ssyncset.done $0x0  }
0x21: {  	[sflag:s15] =	ssyncadd.s32 $0xFFFFD880  }
.LBB2_1:
.Ltmp2:
0x22: {  	(pc) =	sbr.rel @!p0 .LBB2_2-.Ltmp2, $1  }
0x23: {  	_ =	sdelay $0x3  }
0x24: {  	[spmem:s14], [sflag:s13] =	dma.local [hbm:s8], $0x2780  }
0x25: {  	_ =	swait.ge [sflag:s15], $0x2780  }
0x26: {  	[sflag:s15] =	ssyncset.done $0x0  }
0x27: {  	s20 =	simm.s32 $0x0;
	[sflag:s15] =	ssyncadd.s32 $0xFFFFD880  }
0x28: {  	[tilespmem:s20], [sflag:$0x2] =	stream.linear.gather [hbm4b:s9+s20], $0x4000, $0x38;
	[tilespmem:$0x1FC00] =	vst v63  }
0x29: {  	_ =	swait.ge [sflag:s15], $0x4000  }
0x2a: {  	[sflag:s15] =	ssyncset.done $0x0  }
0x2b: {  	[sflag:s15] =	ssyncadd.s32 $0xFFFFC000  }
0x2c: {  	[tilespmem:s16], [sflag:$0x2] =	stream.linear.gather [hbm4b:s10+s20], $0x4000, $0x38;
	[tilespmem:$0x1FC00] =	vst v63  }
0x2d: {  	_ =	swait.ge [sflag:s15], $0x4000  }
0x2e: {  	[sflag:s15] =	ssyncset.done $0x0  }
0x2f: {  	[sflag:s15] =	ssyncadd.s32 $0xFFFFC000  }
0x30: {  	s30 =	simm.s32 $0x0;
	[bflag:$0x0] =	sbarrier.arrive $0xFFFF  }
0x31: {  	[tilespmem:s18], [sflag:$0x1] =	stream.indirect.gather [hbm4b:s4+s17], $0x80, s30, s17, $0xb8;
	[tilespmem:$0x1FC00] =	vst v63  }
0x32: {  	_ =	swait.ge [sflag:s19], $0x4000  }
0x33: {  	[sflag:s19] =	ssyncset.done $0x0  }
0x34: {  	s31 =	simm.s32 $0x4000;
	[sflag:s19] =	ssyncadd.s32 $0xFFFFC000  }
0x35: {  	[spmem:s1] =	stream.indirect.scatter.add.f32 [tilespmem:s18], [sflag:$0x2], $0x80, s31, s17, $0xb8;
	[tilespmem:$0x1FC00] =	vst v63  }
0x36: {  	_ =	swait.ge [sflag:s15], $0x4000  }
0x37: {  	s21 =	simm.s32 $0x400;
	s20 =	simm.s32 $0x200;
	[sflag:s15] =	ssyncset.done $0x0  }
.LBB2_6:
0x38: {  	s22 =	sshra.s32 s20, $0x2  }
0x39: {  	[sflag:s15] =	ssyncadd.s32 $0xFFFFC000;
	s20 =	smov.u32 s21;
	s23 =	sadd.s32 $0x200, s21  }
0x3a: {  	[tilespmem:s18], [sflag:$0x1] =	stream.indirect.gather [hbm4b:s4+s17], $0x80, s22, s17, $0xb8;
	[tilespmem:$0x1FC00] =	vst v63  }
0x3b: {  	p1 =	seq.s32 s21, $0xFE00;
	_ =	swait.ge [sflag:s19], $0x4000  }
.Ltmp3:
0x3c: {  	[sflag:s19] =	ssyncset.done $0x0;
	(pc) =	sbr.rel @!p1 .LBB2_6-.Ltmp3, $4  }
0x3d: {  	s21 =	sadd.s32 $0x4000, s22;
	[sflag:s19] =	ssyncadd.s32 $0xFFFFC000  }
0x3e: {  	[spmem:s1] =	stream.indirect.scatter.add.f32 [tilespmem:s18], [sflag:$0x2], $0x80, s21, s17, $0xb8;
	[tilespmem:$0x1FC00] =	vst v63  }
0x3f: {  	_ =	swait.ge [sflag:s15], $0x4000  }
0x40: {  	s21 =	smov.u32 s23;
	[sflag:s15] =	ssyncset.done $0x0  }
.Ltmp4:
0x41: {  	_ = 	snop;
	(pc) =	sbr.rel .LBB2_7-.Ltmp4, $1  }
0x42: {  	_ =	sdelay $0x3  }
.LBB2_2:
0x43: {  	[spmem:s14], [sflag:s13] =	dma.local [hbm:s5], $0x2780  }
0x44: {  	_ =	swait.ge [sflag:s15], $0x2780  }
0x45: {  	[sflag:s15] =	ssyncset.done $0x0  }
0x46: {  	s20 =	simm.s32 $0x0;
	[sflag:s15] =	ssyncadd.s32 $0xFFFFD880  }
0x47: {  	[tilespmem:s20], [sflag:$0x2] =	stream.linear.gather [hbm4b:s6+s20], $0x1000, $0x38;
	[tilespmem:$0x1FC00] =	vst v63  }
0x48: {  	_ =	swait.ge [sflag:s15], $0x1000  }
0x49: {  	[sflag:s15] =	ssyncset.done $0x0  }
0x4a: {  	[sflag:s15] =	ssyncadd.s32 $0xFFFFF000  }
0x4b: {  	[tilespmem:s16], [sflag:$0x2] =	stream.linear.gather [hbm4b:s7+s20], $0x1000, $0x38;
	[tilespmem:$0x1FC00] =	vst v63  }
0x4c: {  	_ =	swait.ge [sflag:s15], $0x1000  }
0x4d: {  	[sflag:s15] =	ssyncset.done $0x0  }
0x4e: {  	[sflag:s15] =	ssyncadd.s32 $0xFFFFF000  }
0x4f: {  	s30 =	simm.s32 $0x0;
	[bflag:$0x0] =	sbarrier.arrive $0xFFFF  }
0x50: {  	[tilespmem:s18], [sflag:$0x1] =	stream.indirect.gather [hbm4b:s4+s17], $0x80, s30, s17, $0xb8;
	[tilespmem:$0x1FC00] =	vst v63  }
0x51: {  	_ =	swait.ge [sflag:s19], $0x4000  }
0x52: {  	[sflag:s19] =	ssyncset.done $0x0  }
0x53: {  	s31 =	simm.s32 $0x4000;
	[sflag:s19] =	ssyncadd.s32 $0xFFFFC000  }
0x54: {  	[spmem:s1] =	stream.indirect.scatter.add.f32 [tilespmem:s18], [sflag:$0x2], $0x80, s31, s17, $0xb8;
	[tilespmem:$0x1FC00] =	vst v63  }
0x55: {  	_ =	swait.ge [sflag:s15], $0x4000  }
0x56: {  	s21 =	simm.s32 $0x400;
	s20 =	simm.s32 $0x200;
	[sflag:s15] =	ssyncset.done $0x0  }
.LBB2_3:
0x57: {  	s22 =	sshra.s32 s20, $0x2  }
0x58: {  	[sflag:s15] =	ssyncadd.s32 $0xFFFFC000;
	s20 =	smov.u32 s21;
	s23 =	sadd.s32 $0x200, s21  }
0x59: {  	[tilespmem:s18], [sflag:$0x1] =	stream.indirect.gather [hbm4b:s4+s17], $0x80, s22, s17, $0xb8;
	[tilespmem:$0x1FC00] =	vst v63  }
0x5a: {  	p1 =	sne.s32 s21, $0x3E00;
	_ =	swait.ge [sflag:s19], $0x4000  }
.Ltmp5:
0x5b: {  	[sflag:s19] =	ssyncset.done $0x0;
	(pc) =	sbr.rel @p1 .LBB2_3-.Ltmp5, $4  }
0x5c: {  	s21 =	sadd.s32 $0x4000, s22;
	[sflag:s19] =	ssyncadd.s32 $0xFFFFC000  }
0x5d: {  	[spmem:s1] =	stream.indirect.scatter.add.f32 [tilespmem:s18], [sflag:$0x2], $0x80, s21, s17, $0xb8;
	[tilespmem:$0x1FC00] =	vst v63  }
0x5e: {  	_ =	swait.ge [sflag:s15], $0x4000  }
0x5f: {  	s21 =	smov.u32 s23;
	[sflag:s15] =	ssyncset.done $0x0  }
0x60: {  	s20 =	sshra.s32 s20, $0x2;
	[sflag:s15] =	ssyncadd.s32 $0xFFFFC000  }
0x61: {  	[tilespmem:s18], [sflag:$0x1] =	stream.indirect.gather [hbm4b:s4+s17], $0x80, s20, s17, $0xb8;
	[tilespmem:$0x1FC00] =	vst v63  }
0x62: {  	_ =	swait.ge [sflag:s19], $0x4000  }
0x63: {  	[sflag:s19] =	ssyncset.done $0x0  }
.Ltmp6:
0x64: {  	s20 =	sadd.s32 $0x4000, s20;
	[sflag:s19] =	ssyncadd.s32 $0xFFFFC000;
	(pc) =	sbr.rel .LBB2_8-.Ltmp6, $4  }
0x65: {  	[spmem:s1] =	stream.indirect.scatter.add.f32 [tilespmem:s18], [sflag:$0x2], $0x80, s20, s17, $0xb8;
	[tilespmem:$0x1FC00] =	vst v63  }
0x66: {  	_ =	swait.ge [sflag:s15], $0x4000  }
0x67: {  	[sflag:s15] =	ssyncset.done $0x0  }
0x68: {  	[sflag:s15] =	ssyncadd.s32 $0xFFFFC000  }
.LBB2_9:
0x69: {  	_ =	sfence.sel $0x180000  }
0x6a: {  	[bflag:$0x0] =	sbarrier.arrive $0xFFFF  }
0x6b: {  	p0 =	sne.s32 s3, $0x0;
	_ =	strace $0x9000004A  }
0x6c: {  	s0 =	sadd.s32 @!p0 $0x100000, s0;
	[bflag:$0x2] =	sbarrier.arrive $0xFFFF  }
0x6d: {  	[sflag:s0] =	ssyncadd.tile.s32 @!p0 $0x1;
	_ =	shalt  }
.Lfunc_end2:
_tile_overlayer_lowered:
.L_overlay_start_2:
0x6e: {  	(tag) =	ssettag $0x2  }
0x6f: {  	s0 =	rddreg [dreg:$0x0];
	s2 =	stileid.u32  }
0x70: {  	s1 =	rddreg [dreg:$0x1];
	p0 =	sne.s32 s2, $0x0  }
0x71: {  	s3 =	rddreg [dreg:$0x2];
	[bflag:$0x3] =	sbarrier.arrive $0xFFFF;
	s2 =	simm.s32 @!p0 $0x1C02  }
0x72: {  	[timem:s3], [sflag:s2] =	dma.local @!p0 [hbm:s0], s1  }
0x73: {  	s0 =	simm.s32 @!p0 $0x2  }
0x74: {  	_ =	swait.ge @!p0 [sflag:s0], s1  }
0x75: {  	s1 =	ssub.s32 @!p0 $0x0, s1;
	[sflag:s0] =	ssyncset.done @!p0 $0x0  }
0x76: {  	[sflag:s0] =	ssyncadd.s32 @!p0 s1  }
0x77: {  	[bflag:$0x3] =	sbarrier.arrive $0xFFFF  }
0x78: {  	_ =	shalt  }

// kernel: kernel.21.cloned.1.call-start
scs
__scs_entry_jumppad:
0x0: {  	(pc) =	sbr.rel $0x88, $3  }
0x1: {  	(tag) =	ssettag $0x0;
	lr =	simm.s32 $0x1  }
0x2: {  	[smem:$0x3F92] =	sst lr;
	_ =	strace $0xD0000000  }
0x3: {  	_ = 	snop  }
0x4: {  	_ = 	snop  }
0x5: {  	_ = 	snop  }
0x6: {  	_ = 	snop  }
0x7: {  	_ = 	snop  }
__scs_overlays_trampoline_lowered:
0x8: {  	[smem:$0x3FA1] =	sst s0  }
0x9: {  	[smem:$0x3FA2] =	sst s1  }
0xa: {  	[smem:$0x3FA3] =	sst s2  }
0xb: {  	[smem:$0x3FA4] =	sst s3  }
0xc: {  	[smem:$0x3FA5] =	sst s4  }
0xd: {  	[smem:$0x3FA6] =	sst s5  }
0xe: {  	[smem:$0x3FA7] =	sst s6  }
0xf: {  	[smem:$0x3FA8] =	sst s7  }
0x10: {  	[smem:$0x3FA9] =	sst s8  }
0x11: {  	[smem:$0x3FAA] =	sst s9;
	s0 =	simm.s32 @!p0 $0x0  }
0x12: {  	s1 =	sld [smem:$0x3F90];
	s0 =	simm.s32 @p0 $0x1  }
0x13: {  	[smem:$0x3FAB] =	sst s0;
	s0 =	simm.s32 @!p1 $0x0  }
0x14: {  	s2 =	sld [smem:$0x3F8F];
	s0 =	simm.s32 @p1 $0x1  }
0x15: {  	[smem:$0x3FAC] =	sst s0;
	s0 =	simm.s32 @!p2 $0x0  }
0x16: {  	s3 =	sld [smem:$0x3FDB];
	s0 =	simm.s32 @p2 $0x1  }
0x17: {  	s4 =	simm.s32 $0x1BF5;
	[smem:$0x3FAE] =	sst s0  }
0x18: {  	s0 =	sld [smem:$0x3F91];
	_ =	swait.ge [sflag:s4], $0x0  }
0x19: {  	s7 =	sld [smem:$0x3F92]  }
0x1a: {  	s8 =	sadd.s32 $0xFFFFE003, lr  }
0x1b: {  	s9 =	sadd.s32 $0xFFFFFEF7, lr;
	s5 =	simm.s32 $0xFFFFFFFF;
	p2 =	slt.u32 s8, $0xFFFFF086  }
0x1c: {  	p1 =	slt.u32 s9, $0xF7A;
	s5 =	simm.s32 @!p2 $0x0  }
0x1d: {  	s5 =	simm.s32 @p1 $0x1;
	p0 =	seq.s32 s7, s2  }
0x1e: {  	s7 =	smul.u32 @!p0 $0xF7A, s2;
	p2 =	seq.s32 @!p0 s5, $0x0  }
0x1f: {  	s9 =	smul.u32 $0xF7A, s1;
	s8 =	simm.s32 @!p0 $0x1BF5;
	p2 =	por !p2, p0  }
0x20: {  	[sflag:s8] =	ssyncset.s32 @!p0 $0xFFFFF086;
	s6 =	sadd.s32 @!p0 s3, s7;
	s7 =	simm.s32 @!p0 $0x108  }
0x21: {  	s3 =	sadd.s32 s3, s9;
	s6 =	sadd.s32 @!p0 $0x88, s6;
	s7 =	simm.s32 @p2 $0x1082  }
0x22: {  	[simem:s7], [sflag:s8] =	dma.local @!p0 [hbm:s6], $0xF7A  }
0x23: {  	s9 =	sor.u32 $0xD0000000, s2;
	s6 =	simm.s32 $0x108;
	_ =	swait.ge @!p0 [sflag:s8], $0x0  }
0x24: {  	s3 =	sadd.s32 $0x88, s3;
	s6 =	simm.s32 @!p1 $0x1082;
	[sflag:s4] =	ssyncset.s32 $0xFFFFF086  }
0x25: {  	[simem:s6], [sflag:s4] =	dma.local [hbm:s3], $0xF7A  }
0x26: {  	[smem:$0x3F92] =	sst s1;
	(tag) =	ssettag s2;
	_ =	strace s9  }
0x27: {  	s1 =	sld [smem:$0x3FA2]  }
0x28: {  	s2 =	sld [smem:$0x3FA3]  }
0x29: {  	s4 =	sld [smem:$0x3FA5]  }
0x2a: {  	p0 =	seq.s32 s5, $0x0;
	s5 =	sld [smem:$0x3FA6]  }
0x2b: {  	s6 =	sld [smem:$0x3FA7]  }
0x2c: {  	s7 =	sld [smem:$0x3FA8]  }
0x2d: {  	s3 =	simm.s32 $0x108;
	s8 =	sld [smem:$0x3FA9]  }
0x2e: {  	s3 =	simm.s32 @!p0 $0x1082;
	s9 =	sld [smem:$0x3FAA]  }
0x2f: {  	lr =	sadd.s32 s0, s3;
	s0 =	sld [smem:$0x3FA1]  }
0x30: {  	s3 =	sld [smem:$0x3FA4]  }
0x31: {  	[smem:$0x3FAD] =	sst s10  }
0x32: {  	s10 =	sld [smem:$0x3FAB];
	_ =	sdelay $0x3  }
0x33: {  	p0 =	seq.s32 s10, $0x1;
	s10 =	sld [smem:$0x3FAD];
	_ =	sdelay $0x3  }
0x34: {  	[smem:$0x3FAD] =	sst s10  }
0x35: {  	s10 =	sld [smem:$0x3FAC];
	_ =	sdelay $0x3  }
0x36: {  	p1 =	seq.s32 s10, $0x1;
	s10 =	sld [smem:$0x3FAD];
	_ =	sdelay $0x3  }
0x37: {  	[smem:$0x3FAD] =	sst s10  }
0x38: {  	s10 =	sld [smem:$0x3FAE]  }
0x39: {  	_ = 	snop;
	(pc) =	sbr.ind lr, $3  }
0x3a: {  	_ = 	snop  }
0x3b: {  	_ = 	snop  }
0x3c: {  	p2 =	seq.s32 s10, $0x1;
	s10 =	sld [smem:$0x3FAD]  }
0x3d: {  	_ =	shalt  }
0x3e: {  	_ =	shalt  }
0x3f: {  	_ =	shalt  }
0x40: {  	_ =	shalt  }
0x41: {  	_ =	shalt  }
0x42: {  	_ =	shalt  }
0x43: {  	_ =	shalt  }
0x44: {  	_ =	shalt  }
0x45: {  	_ =	shalt  }
0x46: {  	_ =	shalt  }
0x47: {  	_ =	shalt  }
0x48: {  	_ =	shalt  }
0x49: {  	_ =	shalt  }
0x4a: {  	_ =	shalt  }
0x4b: {  	_ =	shalt  }
0x4c: {  	_ =	shalt  }
0x4d: {  	_ =	shalt  }
0x4e: {  	_ =	shalt  }
0x4f: {  	_ =	shalt  }
0x50: {  	_ =	shalt  }
0x51: {  	_ =	shalt  }
0x52: {  	_ =	shalt  }
0x53: {  	_ =	shalt  }
0x54: {  	_ =	shalt  }
0x55: {  	_ =	shalt  }
0x56: {  	_ =	shalt  }
0x57: {  	_ =	shalt  }
0x58: {  	_ =	shalt  }
0x59: {  	_ =	shalt  }
0x5a: {  	_ =	shalt  }
0x5b: {  	_ =	shalt  }
0x5c: {  	_ =	shalt  }
0x5d: {  	_ =	shalt  }
0x5e: {  	_ =	shalt  }
0x5f: {  	_ =	shalt  }
0x60: {  	_ =	shalt  }
0x61: {  	_ =	shalt  }
0x62: {  	_ =	shalt  }
0x63: {  	_ =	shalt  }
0x64: {  	_ =	shalt  }
0x65: {  	_ =	shalt  }
0x66: {  	_ =	shalt  }
0x67: {  	_ =	shalt  }
0x68: {  	_ =	shalt  }
0x69: {  	_ =	shalt  }
0x6a: {  	_ =	shalt  }
0x6b: {  	_ =	shalt  }
0x6c: {  	_ =	shalt  }
0x6d: {  	_ =	shalt  }
0x6e: {  	_ =	shalt  }
0x6f: {  	_ =	shalt  }
0x70: {  	_ =	shalt  }
0x71: {  	_ =	shalt  }
0x72: {  	_ =	shalt  }
0x73: {  	_ =	shalt  }
0x74: {  	_ =	shalt  }
0x75: {  	_ =	shalt  }
0x76: {  	_ =	shalt  }
0x77: {  	_ =	shalt  }
0x78: {  	_ =	shalt  }
0x79: {  	_ =	shalt  }
0x7a: {  	_ =	shalt  }
0x7b: {  	_ =	shalt  }
0x7c: {  	_ =	shalt  }
0x7d: {  	_ =	shalt  }
0x7e: {  	_ =	shalt  }
0x7f: {  	_ =	shalt  }
0x80: {  	_ =	shalt  }
0x81: {  	_ =	shalt  }
0x82: {  	_ =	shalt  }
0x83: {  	_ =	shalt  }
0x84: {  	_ =	shalt  }
0x85: {  	_ =	shalt  }
0x86: {  	_ =	shalt  }
0x87: {  	_ =	shalt  }
.Lfunc_end0:
.L_simem_size_0:
called_computation.2_lowered:
.L_overlay_start_0:
0x88: {  	s2 =	sld [smem:$0x3FD9]  }
0x89: {  	s3 =	sld [smem:$0x3FFE];
	_ =	sdelay $0x1  }
0x8a: {  	s1 =	srdreg.scid  }
0x8b: {  	s0 =	sand.u32 $0x1, s1  }
0x8c: {  	s16 =	sshll.u32 s0, $0xA;
	s2 =	sadd.s32 s3, s2  }
0x8d: {  	s2 =	sadd.s32 s2, s16  }
0x8e: {  	[smem:$0x3FB9] =	sst s2  }
0x8f: {  	_ = 	snop  }
0x90: {  	(tm) =	ssettm $0x1  }
0x91: {  	s17 =	sld [smem:$0x3FFB];
	_ =	sdelay $0x3  }
0x92: {  	_ =	strace s17  }
0x93: {  	s2 =	sld [smem:$0x3FFC];
	_ =	sdelay $0x3  }
0x94: {  	_ =	strace s2  }
0x95: {  	s2 =	sld [smem:$0x3FFD];
	_ =	sdelay $0x3  }
0x96: {  	_ =	strace s2  }
0x97: {  	_ =	strace $0x8FFFFFFF  }
0x98: {  	s18 =	sld [smem:$0x3FDB];
	_ =	sdelay $0x1  }
0x99: {  	s19 =	simm.s32 $_scs_section_size  }
0x9a: {  	s4 =	simm.s32 $_size__tile_overlayer_lowered;
	s5 =	simm.s32 $_tile_overlayer_lowered  }
0x9b: {  	s22 =	simm.s32 $0x1BFF;
	s21 =	sshll.u32 s5, $0x1;
	s2 =	sadd.s32 s19, s18  }
0x9c: {  	s6 =	simm.s32 $0x0;
	s20 =	sshll.u32 s4, $0x1;
	s4 =	sadd.s32 s21, s2  }
0x9d: {  	[timem:s6], [sflag:s22] =	dma.local [hbm:s4], s20  }
0x9e: {  	_ =	swait.ge [sflag:s22], s20  }
0x9f: {  	s3 =	ssub.s32 $0x0, s20;
	[sflag:s22] =	ssyncset.done $0x0  }
0xa0: {  	[sflag:s22] =	ssyncadd.s32 s3;
	_ =	sdelay $0x1  }
0xa1: {  	s23 =	simm.s32 $0x1B8B  }
0xa2: {  	_ =	swait.ge [sflag:s23], $0x1  }
0xa3: {  	[sflag:s23] =	ssyncset.done $0x0  }
0xa4: {  	s25 =	simm.s32 $0x1B8E;
	s24 =	sld [smem:$0x3FFE];
	[sflag:s23] =	ssyncadd.s32 $0xFFFFFFFF  }
0xa5: {  	s26 =	simm.s32 $execute0_lowered;
	[smem:$0x3FD2] =	sst s25  }
0xa6: {  	s4 =	sshll.u32 s26, $0x1;
	_ =	strace $0x8000004C;
	[dreg:$0x1] =	wrdreg $0xFFFFFFFF  }
0xa7: {  	s28 =	simm.s32 $_size_execute0_lowered;
	s2 =	sadd.s32 s2, s4;
	[dreg:$0x0] =	wrdreg $0x0  }
0xa8: {  	s4 =	sshll.u32 s28, $0x1;
	[dreg:$0x2] =	wrdreg s2  }
0xa9: {  	[dreg:$0x3] =	wrdreg s4  }
0xaa: {  	[dreg:$0x4] =	wrdreg $0xC0  }
0xab: {  	_ =	task [dreg:s6], $0x5FFFF  }
0xac: {  	[dreg:$0x1] =	wrdreg $0xFFFFFFFF  }
0xad: {  	[dreg:$0x0] =	wrdreg $0x60  }
0xae: {  	[dreg:$0x2] =	wrdreg s24  }
0xaf: {  	[dreg:$0x3] =	wrdreg $0xC0000  }
0xb0: {  	[dreg:$0x4] =	wrdreg $0x9  }
0xb1: {  	_ =	task.clear_ibuf [dreg:s6], $0x5FFFF;
	_ =	strace $0x9000004C  }
0xb2: {  	s29 =	simm.s32 $0x9;
	_ =	strace $0x8000004E  }
0xb3: {  	_ =	swait.ge [sflag:s29], $0x1  }
0xb4: {  	[sflag:s29] =	ssyncadd.s32 $0xFFFFFFFF  }
0xb5: {  	_ =	strace $0x9000004E  }
0xb6: {  	_ =	sfence  }
0xb7: {  	s30 =	sld [smem:$0x0];
	_ =	sdelay $0x2  }
0xb8: {  	s31 =	sshll.u32 s1, $0xD;
	s1 =	sshrl.u32 s1, $0x2  }
0xb9: {  	s3 =	sand.u32 $0x4000, s31;
	s1 =	sadd.s32 s1, s30  }
0xba: {  	s0 =	sor.u32 s3, s0;
	s1 =	sshll.u32 s1, $0x11  }
0xbb: {  	s0 =	sor.u32 s1, s0  }
0xbc: {  	s0 =	sadd.s32 $0x8F2B, s0  }
0xbd: {  	[sflag:s0] =	ssyncadd.remote.s32 $0x1  }
0xbe: {  	_ =	sfence.sel $0xFFFF  }
0xbf: {  	[dreg:$0x0] =	wrdreg $0xFFFFFFFF;
	(pc) =	sbr.abs _section_cstart, $3  }
0xc0: {  	[dreg:$0x1] =	wrdreg $0xFFFFFFFF  }
0xc1: {  	_ =	task.clear_ibuf [dreg:s6], $0x2FFFF;
	_ =	strace $0x9FFFFFFF  }
0xc2: {  	(tm) =	ssettm $0x7FFFFFFF  }
0xc3: {  	_ =	shalt  }
tec
execute0_lowered:
.L_overlay_start_1:
0x0: {  	(tag) =	ssettag $0x1  }
0x1: {  	s5 =	rddreg [dreg:$0x0]  }
0x2: {  	s1 =	rddreg [dreg:$0x1]  }
0x3: {  	s0 =	rddreg [dreg:$0x2]  }
0x4: {  	s2 =	simm.s32 $0x0;
	s3 =	srdreg.scid;
	s17 =	simm.s32 $0x80  }
0x5: {  	s18 =	simm.s32 $0x8000;
	[smem:$0x7FF] =	sst s2;
	s13 =	sand.u32 $0x1, s3  }
0x6: {  	s19 =	simm.s32 $0x1;
	s3 =	stileid.u32;
	s6 =	smul.u32 $0x13C000, s13  }
0x7: {  	s4 =	sadd.s32 $0x36600, s5;
	_ =	strace $0x8000004D;
	s9 =	smul.u32 $0x13C00, s3  }
0x8: {  	s7 =	sshll.u32 s3, $0xB;
	s8 =	sshll.u32 s3, $0x9;
	s28 =	smul.u32 $0x2780, s3  }
0x9: {  	s29 =	ssub.s32 $0x2, s13;
	s11 =	smul.u32 $0x4F000, s3;
	s31 =	sshll.u32 s3, $0x6  }
0xa: {  	p0 =	seq.s32 s13, $0x0;
	s10 =	sadd.s32 s7, s5;
	s26 =	sadd.s32 s8, s5  }
0xb: {  	s14 =	sshrl.u32 s29, $0x1;
	s13 =	sor.u32 $0x1C02, s31;
	s6 =	sadd.s32 s9, s6  }
0xc: {  	s12 =	sadd.s32 s28, s5;
	s14 =	ssub.s32 s29, s14;
	s30 =	sshrl.u32 s11, $0x2  }
.Ltmp0:
0xd: {  	s7 =	sadd.s32 $0x85E00, s26;
	s8 =	sadd.s32 s4, s28;
	(pc) =	sbr.rel .LBB2_1-.Ltmp0, $4  }
0xe: {  	s9 =	sadd.s32 $0x91E00, s10;
	s10 =	sadd.s32 $0x89E00, s10;
	s6 =	sshrl.u32 s6, $0x3  }
0xf: {  	s16 =	sadd.s32 s30, s1;
	s15 =	sadd.s32 s6, s5;
	s5 =	sadd.s32 $0xEE00, s12  }
0x10: {  	s6 =	sadd.s32 $0x87E00, s26;
	s12 =	smax.u32 s14, $0x1;
	s14 =	sshrl.u32 s16, $0x3  }
0x11: {  	s16 =	simm.s32 $0x4000;
	s11 =	sadd.s32 $0x99E00, s15;
	s15 =	simm.s32 $0x2  }
.LBB2_7:
0x12: {  	s20 =	sshra.s32 s20, $0x2;
	[sflag:s15] =	ssyncadd.s32 $0xFFFFC000  }
0x13: {  	[tilespmem:s18], [sflag:$0x1] =	stream.indirect.gather [hbm4b:s4+s17], $0x80, s20, s17, $0xb8;
	[tilespmem:$0x1FC00] =	vst v63  }
0x14: {  	_ =	swait.ge [sflag:s19], $0x4000  }
0x15: {  	[sflag:s19] =	ssyncset.done $0x0  }
0x16: {  	s20 =	sadd.s32 $0x4000, s20;
	[sflag:s19] =	ssyncadd.s32 $0xFFFFC000  }
0x17: {  	[spmem:s1] =	stream.indirect.scatter.add.f32 [tilespmem:s18], [sflag:$0x2], $0x80, s20, s17, $0xb8;
	[tilespmem:$0x1FC00] =	vst v63  }
0x18: {  	_ =	swait.ge [sflag:s15], $0x4000  }
0x19: {  	[sflag:s15] =	ssyncset.done $0x0  }
0x1a: {  	[sflag:s15] =	ssyncadd.s32 $0xFFFFC000  }
.LBB2_8:
0x1b: {  	s2 =	sadd.s32 $0x1, s2  }
0x1c: {  	p1 =	sne.s32 s2, s12  }
.Ltmp1:
0x1d: {  	[bflag:$0x0] =	sbarrier.arrive $0xFFFF;
	(pc) =	sbr.rel @!p1 .LBB2_9-.Ltmp1, $4  }
0x1e: {  	[hbm:s11], [sflag:s13] =	dma.local [spmem:s14], $0x2780  }
0x1f: {  	_ =	swait.ge [sflag:s15], $0x2780  }
0x20: {  	[sflag:s15] =	ssyncset.done $0x0  }
0x21: {  	[sflag:s15] =	ssyncadd.s32 $0xFFFFD880  }
.LBB2_1:
.Ltmp2:
0x22: {  	(pc) =	sbr.rel @!p0 .LBB2_2-.Ltmp2, $1  }
0x23: {  	_ =	sdelay $0x3  }
0x24: {  	[spmem:s14], [sflag:s13] =	dma.local [hbm:s8], $0x2780  }
0x25: {  	_ =	swait.ge [sflag:s15], $0x2780  }
0x26: {  	[sflag:s15] =	ssyncset.done $0x0  }
0x27: {  	s20 =	simm.s32 $0x0;
	[sflag:s15] =	ssyncadd.s32 $0xFFFFD880  }
0x28: {  	[tilespmem:s20], [sflag:$0x2] =	stream.linear.gather [hbm4b:s9+s20], $0x4000, $0x38;
	[tilespmem:$0x1FC00] =	vst v63  }
0x29: {  	_ =	swait.ge [sflag:s15], $0x4000  }
0x2a: {  	[sflag:s15] =	ssyncset.done $0x0  }
0x2b: {  	[sflag:s15] =	ssyncadd.s32 $0xFFFFC000  }
0x2c: {  	[tilespmem:s16], [sflag:$0x2] =	stream.linear.gather [hbm4b:s10+s20], $0x4000, $0x38;
	[tilespmem:$0x1FC00] =	vst v63  }
0x2d: {  	_ =	swait.ge [sflag:s15], $0x4000  }
0x2e: {  	[sflag:s15] =	ssyncset.done $0x0  }
0x2f: {  	[sflag:s15] =	ssyncadd.s32 $0xFFFFC000  }
0x30: {  	s30 =	simm.s32 $0x0;
	[bflag:$0x0] =	sbarrier.arrive $0xFFFF  }
0x31: {  	[tilespmem:s18], [sflag:$0x1] =	stream.indirect.gather [hbm4b:s4+s17], $0x80, s30, s17, $0xb8;
	[tilespmem:$0x1FC00] =	vst v63  }
0x32: {  	_ =	swait.ge [sflag:s19], $0x4000  }
0x33: {  	[sflag:s19] =	ssyncset.done $0x0  }
0x34: {  	s31 =	simm.s32 $0x4000;
	[sflag:s19] =	ssyncadd.s32 $0xFFFFC000  }
0x35: {  	[spmem:s1] =	stream.indirect.scatter.add.f32 [tilespmem:s18], [sflag:$0x2], $0x80, s31, s17, $0xb8;
	[tilespmem:$0x1FC00] =	vst v63  }
0x36: {  	_ =	swait.ge [sflag:s15], $0x4000  }
0x37: {  	s21 =	simm.s32 $0x400;
	s20 =	simm.s32 $0x200;
	[sflag:s15] =	ssyncset.done $0x0  }
.LBB2_6:
0x38: {  	s22 =	sshra.s32 s20, $0x2  }
0x39: {  	[sflag:s15] =	ssyncadd.s32 $0xFFFFC000;
	s20 =	smov.u32 s21;
	s23 =	sadd.s32 $0x200, s21  }
0x3a: {  	[tilespmem:s18], [sflag:$0x1] =	stream.indirect.gather [hbm4b:s4+s17], $0x80, s22, s17, $0xb8;
	[tilespmem:$0x1FC00] =	vst v63  }
0x3b: {  	p1 =	seq.s32 s21, $0xFE00;
	_ =	swait.ge [sflag:s19], $0x4000  }
.Ltmp3:
0x3c: {  	[sflag:s19] =	ssyncset.done $0x0;
	(pc) =	sbr.rel @!p1 .LBB2_6-.Ltmp3, $4  }
0x3d: {  	s21 =	sadd.s32 $0x4000, s22;
	[sflag:s19] =	ssyncadd.s32 $0xFFFFC000  }
0x3e: {  	[spmem:s1] =	stream.indirect.scatter.add.f32 [tilespmem:s18], [sflag:$0x2], $0x80, s21, s17, $0xb8;
	[tilespmem:$0x1FC00] =	vst v63  }
0x3f: {  	_ =	swait.ge [sflag:s15], $0x4000  }
0x40: {  	s21 =	smov.u32 s23;
	[sflag:s15] =	ssyncset.done $0x0  }
.Ltmp4:
0x41: {  	_ = 	snop;
	(pc) =	sbr.rel .LBB2_7-.Ltmp4, $1  }
0x42: {  	_ =	sdelay $0x3  }
.LBB2_2:
0x43: {  	[spmem:s14], [sflag:s13] =	dma.local [hbm:s5], $0x2780  }
0x44: {  	_ =	swait.ge [sflag:s15], $0x2780  }
0x45: {  	[sflag:s15] =	ssyncset.done $0x0  }
0x46: {  	s20 =	simm.s32 $0x0;
	[sflag:s15] =	ssyncadd.s32 $0xFFFFD880  }
0x47: {  	[tilespmem:s20], [sflag:$0x2] =	stream.linear.gather [hbm4b:s6+s20], $0x1000, $0x38;
	[tilespmem:$0x1FC00] =	vst v63  }
0x48: {  	_ =	swait.ge [sflag:s15], $0x1000  }
0x49: {  	[sflag:s15] =	ssyncset.done $0x0  }
0x4a: {  	[sflag:s15] =	ssyncadd.s32 $0xFFFFF000  }
0x4b: {  	[tilespmem:s16], [sflag:$0x2] =	stream.linear.gather [hbm4b:s7+s20], $0x1000, $0x38;
	[tilespmem:$0x1FC00] =	vst v63  }
0x4c: {  	_ =	swait.ge [sflag:s15], $0x1000  }
0x4d: {  	[sflag:s15] =	ssyncset.done $0x0  }
0x4e: {  	[sflag:s15] =	ssyncadd.s32 $0xFFFFF000  }
0x4f: {  	s30 =	simm.s32 $0x0;
	[bflag:$0x0] =	sbarrier.arrive $0xFFFF  }
0x50: {  	[tilespmem:s18], [sflag:$0x1] =	stream.indirect.gather [hbm4b:s4+s17], $0x80, s30, s17, $0xb8;
	[tilespmem:$0x1FC00] =	vst v63  }
0x51: {  	_ =	swait.ge [sflag:s19], $0x4000  }
0x52: {  	[sflag:s19] =	ssyncset.done $0x0  }
0x53: {  	s31 =	simm.s32 $0x4000;
	[sflag:s19] =	ssyncadd.s32 $0xFFFFC000  }
0x54: {  	[spmem:s1] =	stream.indirect.scatter.add.f32 [tilespmem:s18], [sflag:$0x2], $0x80, s31, s17, $0xb8;
	[tilespmem:$0x1FC00] =	vst v63  }
0x55: {  	_ =	swait.ge [sflag:s15], $0x4000  }
0x56: {  	s21 =	simm.s32 $0x400;
	s20 =	simm.s32 $0x200;
	[sflag:s15] =	ssyncset.done $0x0  }
.LBB2_3:
0x57: {  	s22 =	sshra.s32 s20, $0x2  }
0x58: {  	[sflag:s15] =	ssyncadd.s32 $0xFFFFC000;
	s20 =	smov.u32 s21;
	s23 =	sadd.s32 $0x200, s21  }
0x59: {  	[tilespmem:s18], [sflag:$0x1] =	stream.indirect.gather [hbm4b:s4+s17], $0x80, s22, s17, $0xb8;
	[tilespmem:$0x1FC00] =	vst v63  }
0x5a: {  	p1 =	sne.s32 s21, $0x3E00;
	_ =	swait.ge [sflag:s19], $0x4000  }
.Ltmp5:
0x5b: {  	[sflag:s19] =	ssyncset.done $0x0;
	(pc) =	sbr.rel @p1 .LBB2_3-.Ltmp5, $4  }
0x5c: {  	s21 =	sadd.s32 $0x4000, s22;
	[sflag:s19] =	ssyncadd.s32 $0xFFFFC000  }
0x5d: {  	[spmem:s1] =	stream.indirect.scatter.add.f32 [tilespmem:s18], [sflag:$0x2], $0x80, s21, s17, $0xb8;
	[tilespmem:$0x1FC00] =	vst v63  }
0x5e: {  	_ =	swait.ge [sflag:s15], $0x4000  }
0x5f: {  	s21 =	smov.u32 s23;
	[sflag:s15] =	ssyncset.done $0x0  }
0x60: {  	s20 =	sshra.s32 s20, $0x2;
	[sflag:s15] =	ssyncadd.s32 $0xFFFFC000  }
0x61: {  	[tilespmem:s18], [sflag:$0x1] =	stream.indirect.gather [hbm4b:s4+s17], $0x80, s20, s17, $0xb8;
	[tilespmem:$0x1FC00] =	vst v63  }
0x62: {  	_ =	swait.ge [sflag:s19], $0x4000  }
0x63: {  	[sflag:s19] =	ssyncset.done $0x0  }
.Ltmp6:
0x64: {  	s20 =	sadd.s32 $0x4000, s20;
	[sflag:s19] =	ssyncadd.s32 $0xFFFFC000;
	(pc) =	sbr.rel .LBB2_8-.Ltmp6, $4  }
0x65: {  	[spmem:s1] =	stream.indirect.scatter.add.f32 [tilespmem:s18], [sflag:$0x2], $0x80, s20, s17, $0xb8;
	[tilespmem:$0x1FC00] =	vst v63  }
0x66: {  	_ =	swait.ge [sflag:s15], $0x4000  }
0x67: {  	[sflag:s15] =	ssyncset.done $0x0  }
0x68: {  	[sflag:s15] =	ssyncadd.s32 $0xFFFFC000  }
.LBB2_9:
0x69: {  	_ =	sfence.sel $0x180000  }
0x6a: {  	[bflag:$0x0] =	sbarrier.arrive $0xFFFF  }
0x6b: {  	p0 =	sne.s32 s3, $0x0;
	_ =	strace $0x9000004D  }
0x6c: {  	s0 =	sadd.s32 @!p0 $0x100000, s0;
	[bflag:$0x2] =	sbarrier.arrive $0xFFFF  }
0x6d: {  	[sflag:s0] =	ssyncadd.tile.s32 @!p0 $0x1;
	_ =	shalt  }
.Lfunc_end2:
_tile_overlayer_lowered:
.L_overlay_start_2:
0x6e: {  	(tag) =	ssettag $0x2  }
0x6f: {  	s0 =	rddreg [dreg:$0x0];
	s2 =	stileid.u32  }
0x70: {  	s1 =	rddreg [dreg:$0x1];
	p0 =	sne.s32 s2, $0x0  }
0x71: {  	s3 =	rddreg [dreg:$0x2];
	[bflag:$0x3] =	sbarrier.arrive $0xFFFF;
	s2 =	simm.s32 @!p0 $0x1C02  }
0x72: {  	[timem:s3], [sflag:s2] =	dma.local @!p0 [hbm:s0], s1  }
0x73: {  	s0 =	simm.s32 @!p0 $0x2  }
0x74: {  	_ =	swait.ge @!p0 [sflag:s0], s1  }
0x75: {  	s1 =	ssub.s32 @!p0 $0x0, s1;
	[sflag:s0] =	ssyncset.done @!p0 $0x0  }
0x76: {  	[sflag:s0] =	ssyncadd.s32 @!p0 s1  }
0x77: {  	[bflag:$0x3] =	sbarrier.arrive $0xFFFF  }
0x78: {  	_ =	shalt  }

// kernel: kernel.24.cloned.1.call-start
scs
__scs_entry_jumppad:
0x0: {  	(pc) =	sbr.rel $0x88, $3  }
0x1: {  	(tag) =	ssettag $0x0;
	lr =	simm.s32 $0x1  }
0x2: {  	[smem:$0x3F92] =	sst lr;
	_ =	strace $0xD0000000  }
0x3: {  	_ = 	snop  }
0x4: {  	_ = 	snop  }
0x5: {  	_ = 	snop  }
0x6: {  	_ = 	snop  }
0x7: {  	_ = 	snop  }
__scs_overlays_trampoline_lowered:
0x8: {  	[smem:$0x3FA1] =	sst s0  }
0x9: {  	[smem:$0x3FA2] =	sst s1  }
0xa: {  	[smem:$0x3FA3] =	sst s2  }
0xb: {  	[smem:$0x3FA4] =	sst s3  }
0xc: {  	[smem:$0x3FA5] =	sst s4  }
0xd: {  	[smem:$0x3FA6] =	sst s5  }
0xe: {  	[smem:$0x3FA7] =	sst s6  }
0xf: {  	[smem:$0x3FA8] =	sst s7  }
0x10: {  	[smem:$0x3FA9] =	sst s8  }
0x11: {  	[smem:$0x3FAA] =	sst s9;
	s0 =	simm.s32 @!p0 $0x0  }
0x12: {  	s1 =	sld [smem:$0x3F90];
	s0 =	simm.s32 @p0 $0x1  }
0x13: {  	[smem:$0x3FAB] =	sst s0;
	s0 =	simm.s32 @!p1 $0x0  }
0x14: {  	s2 =	sld [smem:$0x3F8F];
	s0 =	simm.s32 @p1 $0x1  }
0x15: {  	[smem:$0x3FAC] =	sst s0;
	s0 =	simm.s32 @!p2 $0x0  }
0x16: {  	s3 =	sld [smem:$0x3FDB];
	s0 =	simm.s32 @p2 $0x1  }
0x17: {  	s4 =	simm.s32 $0x1BF5;
	[smem:$0x3FAE] =	sst s0  }
0x18: {  	s0 =	sld [smem:$0x3F91];
	_ =	swait.ge [sflag:s4], $0x0  }
0x19: {  	s7 =	sld [smem:$0x3F92]  }
0x1a: {  	s8 =	sadd.s32 $0xFFFFE003, lr  }
0x1b: {  	s9 =	sadd.s32 $0xFFFFFEF7, lr;
	s5 =	simm.s32 $0xFFFFFFFF;
	p2 =	slt.u32 s8, $0xFFFFF086  }
0x1c: {  	p1 =	slt.u32 s9, $0xF7A;
	s5 =	simm.s32 @!p2 $0x0  }
0x1d: {  	s5 =	simm.s32 @p1 $0x1;
	p0 =	seq.s32 s7, s2  }
0x1e: {  	s7 =	smul.u32 @!p0 $0xF7A, s2;
	p2 =	seq.s32 @!p0 s5, $0x0  }
0x1f: {  	s9 =	smul.u32 $0xF7A, s1;
	s8 =	simm.s32 @!p0 $0x1BF5;
	p2 =	por !p2, p0  }
0x20: {  	[sflag:s8] =	ssyncset.s32 @!p0 $0xFFFFF086;
	s6 =	sadd.s32 @!p0 s3, s7;
	s7 =	simm.s32 @!p0 $0x108  }
0x21: {  	s3 =	sadd.s32 s3, s9;
	s6 =	sadd.s32 @!p0 $0x88, s6;
	s7 =	simm.s32 @p2 $0x1082  }
0x22: {  	[simem:s7], [sflag:s8] =	dma.local @!p0 [hbm:s6], $0xF7A  }
0x23: {  	s9 =	sor.u32 $0xD0000000, s2;
	s6 =	simm.s32 $0x108;
	_ =	swait.ge @!p0 [sflag:s8], $0x0  }
0x24: {  	s3 =	sadd.s32 $0x88, s3;
	s6 =	simm.s32 @!p1 $0x1082;
	[sflag:s4] =	ssyncset.s32 $0xFFFFF086  }
0x25: {  	[simem:s6], [sflag:s4] =	dma.local [hbm:s3], $0xF7A  }
0x26: {  	[smem:$0x3F92] =	sst s1;
	(tag) =	ssettag s2;
	_ =	strace s9  }
0x27: {  	s1 =	sld [smem:$0x3FA2]  }
0x28: {  	s2 =	sld [smem:$0x3FA3]  }
0x29: {  	s4 =	sld [smem:$0x3FA5]  }
0x2a: {  	p0 =	seq.s32 s5, $0x0;
	s5 =	sld [smem:$0x3FA6]  }
0x2b: {  	s6 =	sld [smem:$0x3FA7]  }
0x2c: {  	s7 =	sld [smem:$0x3FA8]  }
0x2d: {  	s3 =	simm.s32 $0x108;
	s8 =	sld [smem:$0x3FA9]  }
0x2e: {  	s3 =	simm.s32 @!p0 $0x1082;
	s9 =	sld [smem:$0x3FAA]  }
0x2f: {  	lr =	sadd.s32 s0, s3;
	s0 =	sld [smem:$0x3FA1]  }
0x30: {  	s3 =	sld [smem:$0x3FA4]  }
0x31: {  	[smem:$0x3FAD] =	sst s10  }
0x32: {  	s10 =	sld [smem:$0x3FAB];
	_ =	sdelay $0x3  }
0x33: {  	p0 =	seq.s32 s10, $0x1;
	s10 =	sld [smem:$0x3FAD];
	_ =	sdelay $0x3  }
0x34: {  	[smem:$0x3FAD] =	sst s10  }
0x35: {  	s10 =	sld [smem:$0x3FAC];
	_ =	sdelay $0x3  }
0x36: {  	p1 =	seq.s32 s10, $0x1;
	s10 =	sld [smem:$0x3FAD];
	_ =	sdelay $0x3  }
0x37: {  	[smem:$0x3FAD] =	sst s10  }
0x38: {  	s10 =	sld [smem:$0x3FAE]  }
0x39: {  	_ = 	snop;
	(pc) =	sbr.ind lr, $3  }
0x3a: {  	_ = 	snop  }
0x3b: {  	_ = 	snop  }
0x3c: {  	p2 =	seq.s32 s10, $0x1;
	s10 =	sld [smem:$0x3FAD]  }
0x3d: {  	_ =	shalt  }
0x3e: {  	_ =	shalt  }
0x3f: {  	_ =	shalt  }
0x40: {  	_ =	shalt  }
0x41: {  	_ =	shalt  }
0x42: {  	_ =	shalt  }
0x43: {  	_ =	shalt  }
0x44: {  	_ =	shalt  }
0x45: {  	_ =	shalt  }
0x46: {  	_ =	shalt  }
0x47: {  	_ =	shalt  }
0x48: {  	_ =	shalt  }
0x49: {  	_ =	shalt  }
0x4a: {  	_ =	shalt  }
0x4b: {  	_ =	shalt  }
0x4c: {  	_ =	shalt  }
0x4d: {  	_ =	shalt  }
0x4e: {  	_ =	shalt  }
0x4f: {  	_ =	shalt  }
0x50: {  	_ =	shalt  }
0x51: {  	_ =	shalt  }
0x52: {  	_ =	shalt  }
0x53: {  	_ =	shalt  }
0x54: {  	_ =	shalt  }
0x55: {  	_ =	shalt  }
0x56: {  	_ =	shalt  }
0x57: {  	_ =	shalt  }
0x58: {  	_ =	shalt  }
0x59: {  	_ =	shalt  }
0x5a: {  	_ =	shalt  }
0x5b: {  	_ =	shalt  }
0x5c: {  	_ =	shalt  }
0x5d: {  	_ =	shalt  }
0x5e: {  	_ =	shalt  }
0x5f: {  	_ =	shalt  }
0x60: {  	_ =	shalt  }
0x61: {  	_ =	shalt  }
0x62: {  	_ =	shalt  }
0x63: {  	_ =	shalt  }
0x64: {  	_ =	shalt  }
0x65: {  	_ =	shalt  }
0x66: {  	_ =	shalt  }
0x67: {  	_ =	shalt  }
0x68: {  	_ =	shalt  }
0x69: {  	_ =	shalt  }
0x6a: {  	_ =	shalt  }
0x6b: {  	_ =	shalt  }
0x6c: {  	_ =	shalt  }
0x6d: {  	_ =	shalt  }
0x6e: {  	_ =	shalt  }
0x6f: {  	_ =	shalt  }
0x70: {  	_ =	shalt  }
0x71: {  	_ =	shalt  }
0x72: {  	_ =	shalt  }
0x73: {  	_ =	shalt  }
0x74: {  	_ =	shalt  }
0x75: {  	_ =	shalt  }
0x76: {  	_ =	shalt  }
0x77: {  	_ =	shalt  }
0x78: {  	_ =	shalt  }
0x79: {  	_ =	shalt  }
0x7a: {  	_ =	shalt  }
0x7b: {  	_ =	shalt  }
0x7c: {  	_ =	shalt  }
0x7d: {  	_ =	shalt  }
0x7e: {  	_ =	shalt  }
0x7f: {  	_ =	shalt  }
0x80: {  	_ =	shalt  }
0x81: {  	_ =	shalt  }
0x82: {  	_ =	shalt  }
0x83: {  	_ =	shalt  }
0x84: {  	_ =	shalt  }
0x85: {  	_ =	shalt  }
0x86: {  	_ =	shalt  }
0x87: {  	_ =	shalt  }
.Lfunc_end0:
.L_simem_size_0:
called_computation.3_lowered:
.L_overlay_start_0:
0x88: {  	s2 =	sld [smem:$0x3FD9]  }
0x89: {  	s3 =	sld [smem:$0x3FFE];
	_ =	sdelay $0x1  }
0x8a: {  	s1 =	srdreg.scid  }
0x8b: {  	s0 =	sand.u32 $0x1, s1  }
0x8c: {  	s16 =	sshll.u32 s0, $0xA;
	s2 =	sadd.s32 s3, s2  }
0x8d: {  	s2 =	sadd.s32 s2, s16  }
0x8e: {  	[smem:$0x3FB9] =	sst s2  }
0x8f: {  	_ = 	snop  }
0x90: {  	(tm) =	ssettm $0x1  }
0x91: {  	s17 =	sld [smem:$0x3FFB];
	_ =	sdelay $0x3  }
0x92: {  	_ =	strace s17  }
0x93: {  	s2 =	sld [smem:$0x3FFC];
	_ =	sdelay $0x3  }
0x94: {  	_ =	strace s2  }
0x95: {  	s2 =	sld [smem:$0x3FFD];
	_ =	sdelay $0x3  }
0x96: {  	_ =	strace s2  }
0x97: {  	_ =	strace $0x8FFFFFFF  }
0x98: {  	s18 =	sld [smem:$0x3FDB];
	_ =	sdelay $0x1  }
0x99: {  	s19 =	simm.s32 $_scs_section_size  }
0x9a: {  	s4 =	simm.s32 $_size__tile_overlayer_lowered;
	s5 =	simm.s32 $_tile_overlayer_lowered  }
0x9b: {  	s22 =	simm.s32 $0x1BFF;
	s21 =	sshll.u32 s5, $0x1;
	s2 =	sadd.s32 s19, s18  }
0x9c: {  	s6 =	simm.s32 $0x0;
	s20 =	sshll.u32 s4, $0x1;
	s4 =	sadd.s32 s21, s2  }
0x9d: {  	[timem:s6], [sflag:s22] =	dma.local [hbm:s4], s20  }
0x9e: {  	_ =	swait.ge [sflag:s22], s20  }
0x9f: {  	s3 =	ssub.s32 $0x0, s20;
	[sflag:s22] =	ssyncset.done $0x0  }
0xa0: {  	[sflag:s22] =	ssyncadd.s32 s3;
	_ =	sdelay $0x1  }
0xa1: {  	s23 =	simm.s32 $0x1B8B  }
0xa2: {  	_ =	swait.ge [sflag:s23], $0x1  }
0xa3: {  	[sflag:s23] =	ssyncset.done $0x0  }
0xa4: {  	s25 =	simm.s32 $0x1B8E;
	s24 =	sld [smem:$0x3FFE];
	[sflag:s23] =	ssyncadd.s32 $0xFFFFFFFF  }
0xa5: {  	s26 =	simm.s32 $execute0_lowered;
	[smem:$0x3FD2] =	sst s25  }
0xa6: {  	s4 =	sshll.u32 s26, $0x1;
	_ =	strace $0x8000004F;
	[dreg:$0x1] =	wrdreg $0xFFFFFFFF  }
0xa7: {  	s28 =	simm.s32 $_size_execute0_lowered;
	s2 =	sadd.s32 s2, s4;
	[dreg:$0x0] =	wrdreg $0x0  }
0xa8: {  	s4 =	sshll.u32 s28, $0x1;
	[dreg:$0x2] =	wrdreg s2  }
0xa9: {  	[dreg:$0x3] =	wrdreg s4  }
0xaa: {  	[dreg:$0x4] =	wrdreg $0xC0  }
0xab: {  	_ =	task [dreg:s6], $0x5FFFF  }
0xac: {  	[dreg:$0x1] =	wrdreg $0xFFFFFFFF  }
0xad: {  	[dreg:$0x0] =	wrdreg $0x60  }
0xae: {  	[dreg:$0x2] =	wrdreg s24  }
0xaf: {  	[dreg:$0x3] =	wrdreg $0xC0000  }
0xb0: {  	[dreg:$0x4] =	wrdreg $0x9  }
0xb1: {  	_ =	task.clear_ibuf [dreg:s6], $0x5FFFF;
	_ =	strace $0x9000004F  }
0xb2: {  	s29 =	simm.s32 $0x9;
	_ =	strace $0x80000051  }
0xb3: {  	_ =	swait.ge [sflag:s29], $0x1  }
0xb4: {  	[sflag:s29] =	ssyncadd.s32 $0xFFFFFFFF  }
0xb5: {  	_ =	strace $0x90000051  }
0xb6: {  	_ =	sfence  }
0xb7: {  	s30 =	sld [smem:$0x0];
	_ =	sdelay $0x2  }
0xb8: {  	s31 =	sshll.u32 s1, $0xD;
	s1 =	sshrl.u32 s1, $0x2  }
0xb9: {  	s3 =	sand.u32 $0x4000, s31;
	s1 =	sadd.s32 s1, s30  }
0xba: {  	s0 =	sor.u32 s3, s0;
	s1 =	sshll.u32 s1, $0x11  }
0xbb: {  	s0 =	sor.u32 s1, s0  }
0xbc: {  	s0 =	sadd.s32 $0x8F2B, s0  }
0xbd: {  	[sflag:s0] =	ssyncadd.remote.s32 $0x1  }
0xbe: {  	_ =	sfence.sel $0xFFFF  }
0xbf: {  	[dreg:$0x0] =	wrdreg $0xFFFFFFFF;
	(pc) =	sbr.abs _section_cstart, $3  }
0xc0: {  	[dreg:$0x1] =	wrdreg $0xFFFFFFFF  }
0xc1: {  	_ =	task.clear_ibuf [dreg:s6], $0x2FFFF;
	_ =	strace $0x9FFFFFFF  }
0xc2: {  	(tm) =	ssettm $0x7FFFFFFF  }
0xc3: {  	_ =	shalt  }
tec
execute0_lowered:
.L_overlay_start_1:
0x0: {  	(tag) =	ssettag $0x1  }
0x1: {  	s5 =	rddreg [dreg:$0x0]  }
0x2: {  	s1 =	rddreg [dreg:$0x1]  }
0x3: {  	s0 =	rddreg [dreg:$0x2]  }
0x4: {  	s2 =	simm.s32 $0x0;
	s3 =	srdreg.scid;
	s17 =	simm.s32 $0x80  }
0x5: {  	s18 =	simm.s32 $0x8000;
	[smem:$0x7FF] =	sst s2;
	s13 =	sand.u32 $0x1, s3  }
0x6: {  	s19 =	simm.s32 $0x1;
	s3 =	stileid.u32;
	s6 =	smul.u32 $0x13C000, s13  }
0x7: {  	s4 =	sadd.s32 $0x36600, s5;
	_ =	strace $0x80000050;
	s9 =	smul.u32 $0x13C00, s3  }
0x8: {  	s7 =	sshll.u32 s3, $0xB;
	s8 =	sshll.u32 s3, $0x9;
	s28 =	smul.u32 $0x2780, s3  }
0x9: {  	s29 =	ssub.s32 $0x2, s13;
	s11 =	smul.u32 $0x4F000, s3;
	s31 =	sshll.u32 s3, $0x6  }
0xa: {  	p0 =	seq.s32 s13, $0x0;
	s10 =	sadd.s32 s7, s5;
	s26 =	sadd.s32 s8, s5  }
0xb: {  	s14 =	sshrl.u32 s29, $0x1;
	s13 =	sor.u32 $0x1C02, s31;
	s6 =	sadd.s32 s9, s6  }
0xc: {  	s12 =	sadd.s32 s28, s5;
	s14 =	ssub.s32 s29, s14;
	s30 =	sshrl.u32 s11, $0x2  }
.Ltmp0:
0xd: {  	s7 =	sadd.s32 $0x85E00, s26;
	s8 =	sadd.s32 s4, s28;
	(pc) =	sbr.rel .LBB2_1-.Ltmp0, $4  }
0xe: {  	s9 =	sadd.s32 $0x91E00, s10;
	s10 =	sadd.s32 $0x89E00, s10;
	s6 =	sshrl.u32 s6, $0x3  }
0xf: {  	s16 =	sadd.s32 s30, s1;
	s15 =	sadd.s32 s6, s5;
	s5 =	sadd.s32 $0xEE00, s12  }
0x10: {  	s6 =	sadd.s32 $0x87E00, s26;
	s12 =	smax.u32 s14, $0x1;
	s14 =	sshrl.u32 s16, $0x3  }
0x11: {  	s16 =	simm.s32 $0x4000;
	s11 =	sadd.s32 $0x99E00, s15;
	s15 =	simm.s32 $0x2  }
.LBB2_7:
0x12: {  	s20 =	sshra.s32 s20, $0x2;
	[sflag:s15] =	ssyncadd.s32 $0xFFFFC000  }
0x13: {  	[tilespmem:s18], [sflag:$0x1] =	stream.indirect.gather [hbm4b:s4+s17], $0x80, s20, s17, $0xb8;
	[tilespmem:$0x1FC00] =	vst v63  }
0x14: {  	_ =	swait.ge [sflag:s19], $0x4000  }
0x15: {  	[sflag:s19] =	ssyncset.done $0x0  }
0x16: {  	s20 =	sadd.s32 $0x4000, s20;
	[sflag:s19] =	ssyncadd.s32 $0xFFFFC000  }
0x17: {  	[spmem:s1] =	stream.indirect.scatter.add.f32 [tilespmem:s18], [sflag:$0x2], $0x80, s20, s17, $0xb8;
	[tilespmem:$0x1FC00] =	vst v63  }
0x18: {  	_ =	swait.ge [sflag:s15], $0x4000  }
0x19: {  	[sflag:s15] =	ssyncset.done $0x0  }
0x1a: {  	[sflag:s15] =	ssyncadd.s32 $0xFFFFC000  }
.LBB2_8:
0x1b: {  	s2 =	sadd.s32 $0x1, s2  }
0x1c: {  	p1 =	sne.s32 s2, s12  }
.Ltmp1:
0x1d: {  	[bflag:$0x0] =	sbarrier.arrive $0xFFFF;
	(pc) =	sbr.rel @!p1 .LBB2_9-.Ltmp1, $4  }
0x1e: {  	[hbm:s11], [sflag:s13] =	dma.local [spmem:s14], $0x2780  }
0x1f: {  	_ =	swait.ge [sflag:s15], $0x2780  }
0x20: {  	[sflag:s15] =	ssyncset.done $0x0  }
0x21: {  	[sflag:s15] =	ssyncadd.s32 $0xFFFFD880  }
.LBB2_1:
.Ltmp2:
0x22: {  	(pc) =	sbr.rel @!p0 .LBB2_2-.Ltmp2, $1  }
0x23: {  	_ =	sdelay $0x3  }
0x24: {  	[spmem:s14], [sflag:s13] =	dma.local [hbm:s8], $0x2780  }
0x25: {  	_ =	swait.ge [sflag:s15], $0x2780  }
0x26: {  	[sflag:s15] =	ssyncset.done $0x0  }
0x27: {  	s20 =	simm.s32 $0x0;
	[sflag:s15] =	ssyncadd.s32 $0xFFFFD880  }
0x28: {  	[tilespmem:s20], [sflag:$0x2] =	stream.linear.gather [hbm4b:s9+s20], $0x4000, $0x38;
	[tilespmem:$0x1FC00] =	vst v63  }
0x29: {  	_ =	swait.ge [sflag:s15], $0x4000  }
0x2a: {  	[sflag:s15] =	ssyncset.done $0x0  }
0x2b: {  	[sflag:s15] =	ssyncadd.s32 $0xFFFFC000  }
0x2c: {  	[tilespmem:s16], [sflag:$0x2] =	stream.linear.gather [hbm4b:s10+s20], $0x4000, $0x38;
	[tilespmem:$0x1FC00] =	vst v63  }
0x2d: {  	_ =	swait.ge [sflag:s15], $0x4000  }
0x2e: {  	[sflag:s15] =	ssyncset.done $0x0  }
0x2f: {  	[sflag:s15] =	ssyncadd.s32 $0xFFFFC000  }
0x30: {  	s30 =	simm.s32 $0x0;
	[bflag:$0x0] =	sbarrier.arrive $0xFFFF  }
0x31: {  	[tilespmem:s18], [sflag:$0x1] =	stream.indirect.gather [hbm4b:s4+s17], $0x80, s30, s17, $0xb8;
	[tilespmem:$0x1FC00] =	vst v63  }
0x32: {  	_ =	swait.ge [sflag:s19], $0x4000  }
0x33: {  	[sflag:s19] =	ssyncset.done $0x0  }
0x34: {  	s31 =	simm.s32 $0x4000;
	[sflag:s19] =	ssyncadd.s32 $0xFFFFC000  }
0x35: {  	[spmem:s1] =	stream.indirect.scatter.add.f32 [tilespmem:s18], [sflag:$0x2], $0x80, s31, s17, $0xb8;
	[tilespmem:$0x1FC00] =	vst v63  }
0x36: {  	_ =	swait.ge [sflag:s15], $0x4000  }
0x37: {  	s21 =	simm.s32 $0x400;
	s20 =	simm.s32 $0x200;
	[sflag:s15] =	ssyncset.done $0x0  }
.LBB2_6:
0x38: {  	s22 =	sshra.s32 s20, $0x2  }
0x39: {  	[sflag:s15] =	ssyncadd.s32 $0xFFFFC000;
	s20 =	smov.u32 s21;
	s23 =	sadd.s32 $0x200, s21  }
0x3a: {  	[tilespmem:s18], [sflag:$0x1] =	stream.indirect.gather [hbm4b:s4+s17], $0x80, s22, s17, $0xb8;
	[tilespmem:$0x1FC00] =	vst v63  }
0x3b: {  	p1 =	seq.s32 s21, $0xFE00;
	_ =	swait.ge [sflag:s19], $0x4000  }
.Ltmp3:
0x3c: {  	[sflag:s19] =	ssyncset.done $0x0;
	(pc) =	sbr.rel @!p1 .LBB2_6-.Ltmp3, $4  }
0x3d: {  	s21 =	sadd.s32 $0x4000, s22;
	[sflag:s19] =	ssyncadd.s32 $0xFFFFC000  }
0x3e: {  	[spmem:s1] =	stream.indirect.scatter.add.f32 [tilespmem:s18], [sflag:$0x2], $0x80, s21, s17, $0xb8;
	[tilespmem:$0x1FC00] =	vst v63  }
0x3f: {  	_ =	swait.ge [sflag:s15], $0x4000  }
0x40: {  	s21 =	smov.u32 s23;
	[sflag:s15] =	ssyncset.done $0x0  }
.Ltmp4:
0x41: {  	_ = 	snop;
	(pc) =	sbr.rel .LBB2_7-.Ltmp4, $1  }
0x42: {  	_ =	sdelay $0x3  }
.LBB2_2:
0x43: {  	[spmem:s14], [sflag:s13] =	dma.local [hbm:s5], $0x2780  }
0x44: {  	_ =	swait.ge [sflag:s15], $0x2780  }
0x45: {  	[sflag:s15] =	ssyncset.done $0x0  }
0x46: {  	s20 =	simm.s32 $0x0;
	[sflag:s15] =	ssyncadd.s32 $0xFFFFD880  }
0x47: {  	[tilespmem:s20], [sflag:$0x2] =	stream.linear.gather [hbm4b:s6+s20], $0x1000, $0x38;
	[tilespmem:$0x1FC00] =	vst v63  }
0x48: {  	_ =	swait.ge [sflag:s15], $0x1000  }
0x49: {  	[sflag:s15] =	ssyncset.done $0x0  }
0x4a: {  	[sflag:s15] =	ssyncadd.s32 $0xFFFFF000  }
0x4b: {  	[tilespmem:s16], [sflag:$0x2] =	stream.linear.gather [hbm4b:s7+s20], $0x1000, $0x38;
	[tilespmem:$0x1FC00] =	vst v63  }
0x4c: {  	_ =	swait.ge [sflag:s15], $0x1000  }
0x4d: {  	[sflag:s15] =	ssyncset.done $0x0  }
0x4e: {  	[sflag:s15] =	ssyncadd.s32 $0xFFFFF000  }
0x4f: {  	s30 =	simm.s32 $0x0;
	[bflag:$0x0] =	sbarrier.arrive $0xFFFF  }
0x50: {  	[tilespmem:s18], [sflag:$0x1] =	stream.indirect.gather [hbm4b:s4+s17], $0x80, s30, s17, $0xb8;
	[tilespmem:$0x1FC00] =	vst v63  }
0x51: {  	_ =	swait.ge [sflag:s19], $0x4000  }
0x52: {  	[sflag:s19] =	ssyncset.done $0x0  }
0x53: {  	s31 =	simm.s32 $0x4000;
	[sflag:s19] =	ssyncadd.s32 $0xFFFFC000  }
0x54: {  	[spmem:s1] =	stream.indirect.scatter.add.f32 [tilespmem:s18], [sflag:$0x2], $0x80, s31, s17, $0xb8;
	[tilespmem:$0x1FC00] =	vst v63  }
0x55: {  	_ =	swait.ge [sflag:s15], $0x4000  }
0x56: {  	s21 =	simm.s32 $0x400;
	s20 =	simm.s32 $0x200;
	[sflag:s15] =	ssyncset.done $0x0  }
.LBB2_3:
0x57: {  	s22 =	sshra.s32 s20, $0x2  }
0x58: {  	[sflag:s15] =	ssyncadd.s32 $0xFFFFC000;
	s20 =	smov.u32 s21;
	s23 =	sadd.s32 $0x200, s21  }
0x59: {  	[tilespmem:s18], [sflag:$0x1] =	stream.indirect.gather [hbm4b:s4+s17], $0x80, s22, s17, $0xb8;
	[tilespmem:$0x1FC00] =	vst v63  }
0x5a: {  	p1 =	sne.s32 s21, $0x3E00;
	_ =	swait.ge [sflag:s19], $0x4000  }
.Ltmp5:
0x5b: {  	[sflag:s19] =	ssyncset.done $0x0;
	(pc) =	sbr.rel @p1 .LBB2_3-.Ltmp5, $4  }
0x5c: {  	s21 =	sadd.s32 $0x4000, s22;
	[sflag:s19] =	ssyncadd.s32 $0xFFFFC000  }
0x5d: {  	[spmem:s1] =	stream.indirect.scatter.add.f32 [tilespmem:s18], [sflag:$0x2], $0x80, s21, s17, $0xb8;
	[tilespmem:$0x1FC00] =	vst v63  }
0x5e: {  	_ =	swait.ge [sflag:s15], $0x4000  }
0x5f: {  	s21 =	smov.u32 s23;
	[sflag:s15] =	ssyncset.done $0x0  }
0x60: {  	s20 =	sshra.s32 s20, $0x2;
	[sflag:s15] =	ssyncadd.s32 $0xFFFFC000  }
0x61: {  	[tilespmem:s18], [sflag:$0x1] =	stream.indirect.gather [hbm4b:s4+s17], $0x80, s20, s17, $0xb8;
	[tilespmem:$0x1FC00] =	vst v63  }
0x62: {  	_ =	swait.ge [sflag:s19], $0x4000  }
0x63: {  	[sflag:s19] =	ssyncset.done $0x0  }
.Ltmp6:
0x64: {  	s20 =	sadd.s32 $0x4000, s20;
	[sflag:s19] =	ssyncadd.s32 $0xFFFFC000;
	(pc) =	sbr.rel .LBB2_8-.Ltmp6, $4  }
0x65: {  	[spmem:s1] =	stream.indirect.scatter.add.f32 [tilespmem:s18], [sflag:$0x2], $0x80, s20, s17, $0xb8;
	[tilespmem:$0x1FC00] =	vst v63  }
0x66: {  	_ =	swait.ge [sflag:s15], $0x4000  }
0x67: {  	[sflag:s15] =	ssyncset.done $0x0  }
0x68: {  	[sflag:s15] =	ssyncadd.s32 $0xFFFFC000  }
.LBB2_9:
0x69: {  	_ =	sfence.sel $0x180000  }
0x6a: {  	[bflag:$0x0] =	sbarrier.arrive $0xFFFF  }
0x6b: {  	p0 =	sne.s32 s3, $0x0;
	_ =	strace $0x90000050  }
0x6c: {  	s0 =	sadd.s32 @!p0 $0x100000, s0;
	[bflag:$0x2] =	sbarrier.arrive $0xFFFF  }
0x6d: {  	[sflag:s0] =	ssyncadd.tile.s32 @!p0 $0x1;
	_ =	shalt  }
.Lfunc_end2:
_tile_overlayer_lowered:
.L_overlay_start_2:
0x6e: {  	(tag) =	ssettag $0x2  }
0x6f: {  	s0 =	rddreg [dreg:$0x0];
	s2 =	stileid.u32  }
0x70: {  	s1 =	rddreg [dreg:$0x1];
	p0 =	sne.s32 s2, $0x0  }
0x71: {  	s3 =	rddreg [dreg:$0x2];
	[bflag:$0x3] =	sbarrier.arrive $0xFFFF;
	s2 =	simm.s32 @!p0 $0x1C02  }
0x72: {  	[timem:s3], [sflag:s2] =	dma.local @!p0 [hbm:s0], s1  }
0x73: {  	s0 =	simm.s32 @!p0 $0x2  }
0x74: {  	_ =	swait.ge @!p0 [sflag:s0], s1  }
0x75: {  	s1 =	ssub.s32 @!p0 $0x0, s1;
	[sflag:s0] =	ssyncset.done @!p0 $0x0  }
0x76: {  	[sflag:s0] =	ssyncadd.s32 @!p0 s1  }
0x77: {  	[bflag:$0x3] =	sbarrier.arrive $0xFFFF  }
0x78: {  	_ =	shalt  }

// kernel: kernel.27.cloned.1.call-start
scs
__scs_entry_jumppad:
0x0: {  	(pc) =	sbr.rel $0x88, $3  }
0x1: {  	(tag) =	ssettag $0x0;
	lr =	simm.s32 $0x1  }
0x2: {  	[smem:$0x3F92] =	sst lr;
	_ =	strace $0xD0000000  }
0x3: {  	_ = 	snop  }
0x4: {  	_ = 	snop  }
0x5: {  	_ = 	snop  }
0x6: {  	_ = 	snop  }
0x7: {  	_ = 	snop  }
__scs_overlays_trampoline_lowered:
0x8: {  	[smem:$0x3FA1] =	sst s0  }
0x9: {  	[smem:$0x3FA2] =	sst s1  }
0xa: {  	[smem:$0x3FA3] =	sst s2  }
0xb: {  	[smem:$0x3FA4] =	sst s3  }
0xc: {  	[smem:$0x3FA5] =	sst s4  }
0xd: {  	[smem:$0x3FA6] =	sst s5  }
0xe: {  	[smem:$0x3FA7] =	sst s6  }
0xf: {  	[smem:$0x3FA8] =	sst s7  }
0x10: {  	[smem:$0x3FA9] =	sst s8  }
0x11: {  	[smem:$0x3FAA] =	sst s9;
	s0 =	simm.s32 @!p0 $0x0  }
0x12: {  	s1 =	sld [smem:$0x3F90];
	s0 =	simm.s32 @p0 $0x1  }
0x13: {  	[smem:$0x3FAB] =	sst s0;
	s0 =	simm.s32 @!p1 $0x0  }
0x14: {  	s2 =	sld [smem:$0x3F8F];
	s0 =	simm.s32 @p1 $0x1  }
0x15: {  	[smem:$0x3FAC] =	sst s0;
	s0 =	simm.s32 @!p2 $0x0  }
0x16: {  	s3 =	sld [smem:$0x3FDB];
	s0 =	simm.s32 @p2 $0x1  }
0x17: {  	s4 =	simm.s32 $0x1BF5;
	[smem:$0x3FAE] =	sst s0  }
0x18: {  	s0 =	sld [smem:$0x3F91];
	_ =	swait.ge [sflag:s4], $0x0  }
0x19: {  	s7 =	sld [smem:$0x3F92]  }
0x1a: {  	s8 =	sadd.s32 $0xFFFFE003, lr  }
0x1b: {  	s9 =	sadd.s32 $0xFFFFFEF7, lr;
	s5 =	simm.s32 $0xFFFFFFFF;
	p2 =	slt.u32 s8, $0xFFFFF086  }
0x1c: {  	p1 =	slt.u32 s9, $0xF7A;
	s5 =	simm.s32 @!p2 $0x0  }
0x1d: {  	s5 =	simm.s32 @p1 $0x1;
	p0 =	seq.s32 s7, s2  }
0x1e: {  	s7 =	smul.u32 @!p0 $0xF7A, s2;
	p2 =	seq.s32 @!p0 s5, $0x0  }
0x1f: {  	s9 =	smul.u32 $0xF7A, s1;
	s8 =	simm.s32 @!p0 $0x1BF5;
	p2 =	por !p2, p0  }
0x20: {  	[sflag:s8] =	ssyncset.s32 @!p0 $0xFFFFF086;
	s6 =	sadd.s32 @!p0 s3, s7;
	s7 =	simm.s32 @!p0 $0x108  }
0x21: {  	s3 =	sadd.s32 s3, s9;
	s6 =	sadd.s32 @!p0 $0x88, s6;
	s7 =	simm.s32 @p2 $0x1082  }
0x22: {  	[simem:s7], [sflag:s8] =	dma.local @!p0 [hbm:s6], $0xF7A  }
0x23: {  	s9 =	sor.u32 $0xD0000000, s2;
	s6 =	simm.s32 $0x108;
	_ =	swait.ge @!p0 [sflag:s8], $0x0  }
0x24: {  	s3 =	sadd.s32 $0x88, s3;
	s6 =	simm.s32 @!p1 $0x1082;
	[sflag:s4] =	ssyncset.s32 $0xFFFFF086  }
0x25: {  	[simem:s6], [sflag:s4] =	dma.local [hbm:s3], $0xF7A  }
0x26: {  	[smem:$0x3F92] =	sst s1;
	(tag) =	ssettag s2;
	_ =	strace s9  }
0x27: {  	s1 =	sld [smem:$0x3FA2]  }
0x28: {  	s2 =	sld [smem:$0x3FA3]  }
0x29: {  	s4 =	sld [smem:$0x3FA5]  }
0x2a: {  	p0 =	seq.s32 s5, $0x0;
	s5 =	sld [smem:$0x3FA6]  }
0x2b: {  	s6 =	sld [smem:$0x3FA7]  }
0x2c: {  	s7 =	sld [smem:$0x3FA8]  }
0x2d: {  	s3 =	simm.s32 $0x108;
	s8 =	sld [smem:$0x3FA9]  }
0x2e: {  	s3 =	simm.s32 @!p0 $0x1082;
	s9 =	sld [smem:$0x3FAA]  }
0x2f: {  	lr =	sadd.s32 s0, s3;
	s0 =	sld [smem:$0x3FA1]  }
0x30: {  	s3 =	sld [smem:$0x3FA4]  }
0x31: {  	[smem:$0x3FAD] =	sst s10  }
0x32: {  	s10 =	sld [smem:$0x3FAB];
	_ =	sdelay $0x3  }
0x33: {  	p0 =	seq.s32 s10, $0x1;
	s10 =	sld [smem:$0x3FAD];
	_ =	sdelay $0x3  }
0x34: {  	[smem:$0x3FAD] =	sst s10  }
0x35: {  	s10 =	sld [smem:$0x3FAC];
	_ =	sdelay $0x3  }
0x36: {  	p1 =	seq.s32 s10, $0x1;
	s10 =	sld [smem:$0x3FAD];
	_ =	sdelay $0x3  }
0x37: {  	[smem:$0x3FAD] =	sst s10  }
0x38: {  	s10 =	sld [smem:$0x3FAE]  }
0x39: {  	_ = 	snop;
	(pc) =	sbr.ind lr, $3  }
0x3a: {  	_ = 	snop  }
0x3b: {  	_ = 	snop  }
0x3c: {  	p2 =	seq.s32 s10, $0x1;
	s10 =	sld [smem:$0x3FAD]  }
0x3d: {  	_ =	shalt  }
0x3e: {  	_ =	shalt  }
0x3f: {  	_ =	shalt  }
0x40: {  	_ =	shalt  }
0x41: {  	_ =	shalt  }
0x42: {  	_ =	shalt  }
0x43: {  	_ =	shalt  }
0x44: {  	_ =	shalt  }
0x45: {  	_ =	shalt  }
0x46: {  	_ =	shalt  }
0x47: {  	_ =	shalt  }
0x48: {  	_ =	shalt  }
0x49: {  	_ =	shalt  }
0x4a: {  	_ =	shalt  }
0x4b: {  	_ =	shalt  }
0x4c: {  	_ =	shalt  }
0x4d: {  	_ =	shalt  }
0x4e: {  	_ =	shalt  }
0x4f: {  	_ =	shalt  }
0x50: {  	_ =	shalt  }
0x51: {  	_ =	shalt  }
0x52: {  	_ =	shalt  }
0x53: {  	_ =	shalt  }
0x54: {  	_ =	shalt  }
0x55: {  	_ =	shalt  }
0x56: {  	_ =	shalt  }
0x57: {  	_ =	shalt  }
0x58: {  	_ =	shalt  }
0x59: {  	_ =	shalt  }
0x5a: {  	_ =	shalt  }
0x5b: {  	_ =	shalt  }
0x5c: {  	_ =	shalt  }
0x5d: {  	_ =	shalt  }
0x5e: {  	_ =	shalt  }
0x5f: {  	_ =	shalt  }
0x60: {  	_ =	shalt  }
0x61: {  	_ =	shalt  }
0x62: {  	_ =	shalt  }
0x63: {  	_ =	shalt  }
0x64: {  	_ =	shalt  }
0x65: {  	_ =	shalt  }
0x66: {  	_ =	shalt  }
0x67: {  	_ =	shalt  }
0x68: {  	_ =	shalt  }
0x69: {  	_ =	shalt  }
0x6a: {  	_ =	shalt  }
0x6b: {  	_ =	shalt  }
0x6c: {  	_ =	shalt  }
0x6d: {  	_ =	shalt  }
0x6e: {  	_ =	shalt  }
0x6f: {  	_ =	shalt  }
0x70: {  	_ =	shalt  }
0x71: {  	_ =	shalt  }
0x72: {  	_ =	shalt  }
0x73: {  	_ =	shalt  }
0x74: {  	_ =	shalt  }
0x75: {  	_ =	shalt  }
0x76: {  	_ =	shalt  }
0x77: {  	_ =	shalt  }
0x78: {  	_ =	shalt  }
0x79: {  	_ =	shalt  }
0x7a: {  	_ =	shalt  }
0x7b: {  	_ =	shalt  }
0x7c: {  	_ =	shalt  }
0x7d: {  	_ =	shalt  }
0x7e: {  	_ =	shalt  }
0x7f: {  	_ =	shalt  }
0x80: {  	_ =	shalt  }
0x81: {  	_ =	shalt  }
0x82: {  	_ =	shalt  }
0x83: {  	_ =	shalt  }
0x84: {  	_ =	shalt  }
0x85: {  	_ =	shalt  }
0x86: {  	_ =	shalt  }
0x87: {  	_ =	shalt  }
.Lfunc_end0:
.L_simem_size_0:
called_computation.4_lowered:
.L_overlay_start_0:
0x88: {  	s2 =	sld [smem:$0x3FD9]  }
0x89: {  	s3 =	sld [smem:$0x3FFE];
	_ =	sdelay $0x1  }
0x8a: {  	s1 =	srdreg.scid  }
0x8b: {  	s0 =	sand.u32 $0x1, s1  }
0x8c: {  	s16 =	sshll.u32 s0, $0xA;
	s2 =	sadd.s32 s3, s2  }
0x8d: {  	s2 =	sadd.s32 s2, s16  }
0x8e: {  	[smem:$0x3FB9] =	sst s2  }
0x8f: {  	_ = 	snop  }
0x90: {  	(tm) =	ssettm $0x1  }
0x91: {  	s17 =	sld [smem:$0x3FFB];
	_ =	sdelay $0x3  }
0x92: {  	_ =	strace s17  }
0x93: {  	s2 =	sld [smem:$0x3FFC];
	_ =	sdelay $0x3  }
0x94: {  	_ =	strace s2  }
0x95: {  	s2 =	sld [smem:$0x3FFD];
	_ =	sdelay $0x3  }
0x96: {  	_ =	strace s2  }
0x97: {  	_ =	strace $0x8FFFFFFF  }
0x98: {  	s18 =	sld [smem:$0x3FDB];
	_ =	sdelay $0x1  }
0x99: {  	s19 =	simm.s32 $_scs_section_size  }
0x9a: {  	s4 =	simm.s32 $_size__tile_overlayer_lowered;
	s5 =	simm.s32 $_tile_overlayer_lowered  }
0x9b: {  	s22 =	simm.s32 $0x1BFF;
	s21 =	sshll.u32 s5, $0x1;
	s2 =	sadd.s32 s19, s18  }
0x9c: {  	s6 =	simm.s32 $0x0;
	s20 =	sshll.u32 s4, $0x1;
	s4 =	sadd.s32 s21, s2  }
0x9d: {  	[timem:s6], [sflag:s22] =	dma.local [hbm:s4], s20  }
0x9e: {  	_ =	swait.ge [sflag:s22], s20  }
0x9f: {  	s3 =	ssub.s32 $0x0, s20;
	[sflag:s22] =	ssyncset.done $0x0  }
0xa0: {  	[sflag:s22] =	ssyncadd.s32 s3;
	_ =	sdelay $0x1  }
0xa1: {  	s23 =	simm.s32 $0x1B8B  }
0xa2: {  	_ =	swait.ge [sflag:s23], $0x1  }
0xa3: {  	[sflag:s23] =	ssyncset.done $0x0  }
0xa4: {  	s25 =	simm.s32 $0x1B8E;
	s24 =	sld [smem:$0x3FFE];
	[sflag:s23] =	ssyncadd.s32 $0xFFFFFFFF  }
0xa5: {  	s26 =	simm.s32 $execute0_lowered;
	[smem:$0x3FD2] =	sst s25  }
0xa6: {  	s4 =	sshll.u32 s26, $0x1;
	_ =	strace $0x80000052;
	[dreg:$0x1] =	wrdreg $0xFFFFFFFF  }
0xa7: {  	s28 =	simm.s32 $_size_execute0_lowered;
	s2 =	sadd.s32 s2, s4;
	[dreg:$0x0] =	wrdreg $0x0  }
0xa8: {  	s4 =	sshll.u32 s28, $0x1;
	[dreg:$0x2] =	wrdreg s2  }
0xa9: {  	[dreg:$0x3] =	wrdreg s4  }
0xaa: {  	[dreg:$0x4] =	wrdreg $0xC0  }
0xab: {  	_ =	task [dreg:s6], $0x5FFFF  }
0xac: {  	[dreg:$0x1] =	wrdreg $0xFFFFFFFF  }
0xad: {  	[dreg:$0x0] =	wrdreg $0x60  }
0xae: {  	[dreg:$0x2] =	wrdreg s24  }
0xaf: {  	[dreg:$0x3] =	wrdreg $0xC0000  }
0xb0: {  	[dreg:$0x4] =	wrdreg $0x9  }
0xb1: {  	_ =	task.clear_ibuf [dreg:s6], $0x5FFFF;
	_ =	strace $0x90000052  }
0xb2: {  	s29 =	simm.s32 $0x9;
	_ =	strace $0x80000054  }
0xb3: {  	_ =	swait.ge [sflag:s29], $0x1  }
0xb4: {  	[sflag:s29] =	ssyncadd.s32 $0xFFFFFFFF  }
0xb5: {  	_ =	strace $0x90000054  }
0xb6: {  	_ =	sfence  }
0xb7: {  	s30 =	sld [smem:$0x0];
	_ =	sdelay $0x2  }
0xb8: {  	s31 =	sshll.u32 s1, $0xD;
	s1 =	sshrl.u32 s1, $0x2  }
0xb9: {  	s3 =	sand.u32 $0x4000, s31;
	s1 =	sadd.s32 s1, s30  }
0xba: {  	s0 =	sor.u32 s3, s0;
	s1 =	sshll.u32 s1, $0x11  }
0xbb: {  	s0 =	sor.u32 s1, s0  }
0xbc: {  	s0 =	sadd.s32 $0x8F2B, s0  }
0xbd: {  	[sflag:s0] =	ssyncadd.remote.s32 $0x1  }
0xbe: {  	_ =	sfence.sel $0xFFFF  }
0xbf: {  	[dreg:$0x0] =	wrdreg $0xFFFFFFFF;
	(pc) =	sbr.abs _section_cstart, $3  }
0xc0: {  	[dreg:$0x1] =	wrdreg $0xFFFFFFFF  }
0xc1: {  	_ =	task.clear_ibuf [dreg:s6], $0x2FFFF;
	_ =	strace $0x9FFFFFFF  }
0xc2: {  	(tm) =	ssettm $0x7FFFFFFF  }
0xc3: {  	_ =	shalt  }
tec
execute0_lowered:
.L_overlay_start_1:
0x0: {  	(tag) =	ssettag $0x1  }
0x1: {  	s5 =	rddreg [dreg:$0x0]  }
0x2: {  	s1 =	rddreg [dreg:$0x1]  }
0x3: {  	s0 =	rddreg [dreg:$0x2]  }
0x4: {  	s2 =	simm.s32 $0x0;
	s3 =	srdreg.scid;
	s17 =	simm.s32 $0x80  }
0x5: {  	s18 =	simm.s32 $0x8000;
	[smem:$0x7FF] =	sst s2;
	s13 =	sand.u32 $0x1, s3  }
0x6: {  	s19 =	simm.s32 $0x1;
	s3 =	stileid.u32;
	s6 =	smul.u32 $0x13C000, s13  }
0x7: {  	s4 =	sadd.s32 $0x36600, s5;
	_ =	strace $0x80000053;
	s9 =	smul.u32 $0x13C00, s3  }
0x8: {  	s7 =	sshll.u32 s3, $0xB;
	s8 =	sshll.u32 s3, $0x9;
	s28 =	smul.u32 $0x2780, s3  }
0x9: {  	s29 =	ssub.s32 $0x2, s13;
	s11 =	smul.u32 $0x4F000, s3;
	s31 =	sshll.u32 s3, $0x6  }
0xa: {  	p0 =	seq.s32 s13, $0x0;
	s10 =	sadd.s32 s7, s5;
	s26 =	sadd.s32 s8, s5  }
0xb: {  	s14 =	sshrl.u32 s29, $0x1;
	s13 =	sor.u32 $0x1C02, s31;
	s6 =	sadd.s32 s9, s6  }
0xc: {  	s12 =	sadd.s32 s28, s5;
	s14 =	ssub.s32 s29, s14;
	s30 =	sshrl.u32 s11, $0x2  }
.Ltmp0:
0xd: {  	s7 =	sadd.s32 $0x85E00, s26;
	s8 =	sadd.s32 s4, s28;
	(pc) =	sbr.rel .LBB2_1-.Ltmp0, $4  }
0xe: {  	s9 =	sadd.s32 $0x91E00, s10;
	s10 =	sadd.s32 $0x89E00, s10;
	s6 =	sshrl.u32 s6, $0x3  }
0xf: {  	s16 =	sadd.s32 s30, s1;
	s15 =	sadd.s32 s6, s5;
	s5 =	sadd.s32 $0xEE00, s12  }
0x10: {  	s6 =	sadd.s32 $0x87E00, s26;
	s12 =	smax.u32 s14, $0x1;
	s14 =	sshrl.u32 s16, $0x3  }
0x11: {  	s16 =	simm.s32 $0x4000;
	s11 =	sadd.s32 $0x99E00, s15;
	s15 =	simm.s32 $0x2  }
.LBB2_7:
0x12: {  	s20 =	sshra.s32 s20, $0x2;
	[sflag:s15] =	ssyncadd.s32 $0xFFFFC000  }
0x13: {  	[tilespmem:s18], [sflag:$0x1] =	stream.indirect.gather [hbm4b:s4+s17], $0x80, s20, s17, $0xb8;
	[tilespmem:$0x1FC00] =	vst v63  }
0x14: {  	_ =	swait.ge [sflag:s19], $0x4000  }
0x15: {  	[sflag:s19] =	ssyncset.done $0x0  }
0x16: {  	s20 =	sadd.s32 $0x4000, s20;
	[sflag:s19] =	ssyncadd.s32 $0xFFFFC000  }
0x17: {  	[spmem:s1] =	stream.indirect.scatter.add.f32 [tilespmem:s18], [sflag:$0x2], $0x80, s20, s17, $0xb8;
	[tilespmem:$0x1FC00] =	vst v63  }
0x18: {  	_ =	swait.ge [sflag:s15], $0x4000  }
0x19: {  	[sflag:s15] =	ssyncset.done $0x0  }
0x1a: {  	[sflag:s15] =	ssyncadd.s32 $0xFFFFC000  }
.LBB2_8:
0x1b: {  	s2 =	sadd.s32 $0x1, s2  }
0x1c: {  	p1 =	sne.s32 s2, s12  }
.Ltmp1:
0x1d: {  	[bflag:$0x0] =	sbarrier.arrive $0xFFFF;
	(pc) =	sbr.rel @!p1 .LBB2_9-.Ltmp1, $4  }
0x1e: {  	[hbm:s11], [sflag:s13] =	dma.local [spmem:s14], $0x2780  }
0x1f: {  	_ =	swait.ge [sflag:s15], $0x2780  }
0x20: {  	[sflag:s15] =	ssyncset.done $0x0  }
0x21: {  	[sflag:s15] =	ssyncadd.s32 $0xFFFFD880  }
.LBB2_1:
.Ltmp2:
0x22: {  	(pc) =	sbr.rel @!p0 .LBB2_2-.Ltmp2, $1  }
0x23: {  	_ =	sdelay $0x3  }
0x24: {  	[spmem:s14], [sflag:s13] =	dma.local [hbm:s8], $0x2780  }
0x25: {  	_ =	swait.ge [sflag:s15], $0x2780  }
0x26: {  	[sflag:s15] =	ssyncset.done $0x0  }
0x27: {  	s20 =	simm.s32 $0x0;
	[sflag:s15] =	ssyncadd.s32 $0xFFFFD880  }
0x28: {  	[tilespmem:s20], [sflag:$0x2] =	stream.linear.gather [hbm4b:s9+s20], $0x4000, $0x38;
	[tilespmem:$0x1FC00] =	vst v63  }
0x29: {  	_ =	swait.ge [sflag:s15], $0x4000  }
0x2a: {  	[sflag:s15] =	ssyncset.done $0x0  }
0x2b: {  	[sflag:s15] =	ssyncadd.s32 $0xFFFFC000  }
0x2c: {  	[tilespmem:s16], [sflag:$0x2] =	stream.linear.gather [hbm4b:s10+s20], $0x4000, $0x38;
	[tilespmem:$0x1FC00] =	vst v63  }
0x2d: {  	_ =	swait.ge [sflag:s15], $0x4000  }
0x2e: {  	[sflag:s15] =	ssyncset.done $0x0  }
0x2f: {  	[sflag:s15] =	ssyncadd.s32 $0xFFFFC000  }
0x30: {  	s30 =	simm.s32 $0x0;
	[bflag:$0x0] =	sbarrier.arrive $0xFFFF  }
0x31: {  	[tilespmem:s18], [sflag:$0x1] =	stream.indirect.gather [hbm4b:s4+s17], $0x80, s30, s17, $0xb8;
	[tilespmem:$0x1FC00] =	vst v63  }
0x32: {  	_ =	swait.ge [sflag:s19], $0x4000  }
0x33: {  	[sflag:s19] =	ssyncset.done $0x0  }
0x34: {  	s31 =	simm.s32 $0x4000;
	[sflag:s19] =	ssyncadd.s32 $0xFFFFC000  }
0x35: {  	[spmem:s1] =	stream.indirect.scatter.add.f32 [tilespmem:s18], [sflag:$0x2], $0x80, s31, s17, $0xb8;
	[tilespmem:$0x1FC00] =	vst v63  }
0x36: {  	_ =	swait.ge [sflag:s15], $0x4000  }
0x37: {  	s21 =	simm.s32 $0x400;
	s20 =	simm.s32 $0x200;
	[sflag:s15] =	ssyncset.done $0x0  }
.LBB2_6:
0x38: {  	s22 =	sshra.s32 s20, $0x2  }
0x39: {  	[sflag:s15] =	ssyncadd.s32 $0xFFFFC000;
	s20 =	smov.u32 s21;
	s23 =	sadd.s32 $0x200, s21  }
0x3a: {  	[tilespmem:s18], [sflag:$0x1] =	stream.indirect.gather [hbm4b:s4+s17], $0x80, s22, s17, $0xb8;
	[tilespmem:$0x1FC00] =	vst v63  }
0x3b: {  	p1 =	seq.s32 s21, $0xFE00;
	_ =	swait.ge [sflag:s19], $0x4000  }
.Ltmp3:
0x3c: {  	[sflag:s19] =	ssyncset.done $0x0;
	(pc) =	sbr.rel @!p1 .LBB2_6-.Ltmp3, $4  }
0x3d: {  	s21 =	sadd.s32 $0x4000, s22;
	[sflag:s19] =	ssyncadd.s32 $0xFFFFC000  }
0x3e: {  	[spmem:s1] =	stream.indirect.scatter.add.f32 [tilespmem:s18], [sflag:$0x2], $0x80, s21, s17, $0xb8;
	[tilespmem:$0x1FC00] =	vst v63  }
0x3f: {  	_ =	swait.ge [sflag:s15], $0x4000  }
0x40: {  	s21 =	smov.u32 s23;
	[sflag:s15] =	ssyncset.done $0x0  }
.Ltmp4:
0x41: {  	_ = 	snop;
	(pc) =	sbr.rel .LBB2_7-.Ltmp4, $1  }
0x42: {  	_ =	sdelay $0x3  }
.LBB2_2:
0x43: {  	[spmem:s14], [sflag:s13] =	dma.local [hbm:s5], $0x2780  }
0x44: {  	_ =	swait.ge [sflag:s15], $0x2780  }
0x45: {  	[sflag:s15] =	ssyncset.done $0x0  }
0x46: {  	s20 =	simm.s32 $0x0;
	[sflag:s15] =	ssyncadd.s32 $0xFFFFD880  }
0x47: {  	[tilespmem:s20], [sflag:$0x2] =	stream.linear.gather [hbm4b:s6+s20], $0x1000, $0x38;
	[tilespmem:$0x1FC00] =	vst v63  }
0x48: {  	_ =	swait.ge [sflag:s15], $0x1000  }
0x49: {  	[sflag:s15] =	ssyncset.done $0x0  }
0x4a: {  	[sflag:s15] =	ssyncadd.s32 $0xFFFFF000  }
0x4b: {  	[tilespmem:s16], [sflag:$0x2] =	stream.linear.gather [hbm4b:s7+s20], $0x1000, $0x38;
	[tilespmem:$0x1FC00] =	vst v63  }
0x4c: {  	_ =	swait.ge [sflag:s15], $0x1000  }
0x4d: {  	[sflag:s15] =	ssyncset.done $0x0  }
0x4e: {  	[sflag:s15] =	ssyncadd.s32 $0xFFFFF000  }
0x4f: {  	s30 =	simm.s32 $0x0;
	[bflag:$0x0] =	sbarrier.arrive $0xFFFF  }
0x50: {  	[tilespmem:s18], [sflag:$0x1] =	stream.indirect.gather [hbm4b:s4+s17], $0x80, s30, s17, $0xb8;
	[tilespmem:$0x1FC00] =	vst v63  }
0x51: {  	_ =	swait.ge [sflag:s19], $0x4000  }
0x52: {  	[sflag:s19] =	ssyncset.done $0x0  }
0x53: {  	s31 =	simm.s32 $0x4000;
	[sflag:s19] =	ssyncadd.s32 $0xFFFFC000  }
0x54: {  	[spmem:s1] =	stream.indirect.scatter.add.f32 [tilespmem:s18], [sflag:$0x2], $0x80, s31, s17, $0xb8;
	[tilespmem:$0x1FC00] =	vst v63  }
0x55: {  	_ =	swait.ge [sflag:s15], $0x4000  }
0x56: {  	s21 =	simm.s32 $0x400;
	s20 =	simm.s32 $0x200;
	[sflag:s15] =	ssyncset.done $0x0  }
.LBB2_3:
0x57: {  	s22 =	sshra.s32 s20, $0x2  }
0x58: {  	[sflag:s15] =	ssyncadd.s32 $0xFFFFC000;
	s20 =	smov.u32 s21;
	s23 =	sadd.s32 $0x200, s21  }
0x59: {  	[tilespmem:s18], [sflag:$0x1] =	stream.indirect.gather [hbm4b:s4+s17], $0x80, s22, s17, $0xb8;
	[tilespmem:$0x1FC00] =	vst v63  }
0x5a: {  	p1 =	sne.s32 s21, $0x3E00;
	_ =	swait.ge [sflag:s19], $0x4000  }
.Ltmp5:
0x5b: {  	[sflag:s19] =	ssyncset.done $0x0;
	(pc) =	sbr.rel @p1 .LBB2_3-.Ltmp5, $4  }
0x5c: {  	s21 =	sadd.s32 $0x4000, s22;
	[sflag:s19] =	ssyncadd.s32 $0xFFFFC000  }
0x5d: {  	[spmem:s1] =	stream.indirect.scatter.add.f32 [tilespmem:s18], [sflag:$0x2], $0x80, s21, s17, $0xb8;
	[tilespmem:$0x1FC00] =	vst v63  }
0x5e: {  	_ =	swait.ge [sflag:s15], $0x4000  }
0x5f: {  	s21 =	smov.u32 s23;
	[sflag:s15] =	ssyncset.done $0x0  }
0x60: {  	s20 =	sshra.s32 s20, $0x2;
	[sflag:s15] =	ssyncadd.s32 $0xFFFFC000  }
0x61: {  	[tilespmem:s18], [sflag:$0x1] =	stream.indirect.gather [hbm4b:s4+s17], $0x80, s20, s17, $0xb8;
	[tilespmem:$0x1FC00] =	vst v63  }
0x62: {  	_ =	swait.ge [sflag:s19], $0x4000  }
0x63: {  	[sflag:s19] =	ssyncset.done $0x0  }
.Ltmp6:
0x64: {  	s20 =	sadd.s32 $0x4000, s20;
	[sflag:s19] =	ssyncadd.s32 $0xFFFFC000;
	(pc) =	sbr.rel .LBB2_8-.Ltmp6, $4  }
0x65: {  	[spmem:s1] =	stream.indirect.scatter.add.f32 [tilespmem:s18], [sflag:$0x2], $0x80, s20, s17, $0xb8;
	[tilespmem:$0x1FC00] =	vst v63  }
0x66: {  	_ =	swait.ge [sflag:s15], $0x4000  }
0x67: {  	[sflag:s15] =	ssyncset.done $0x0  }
0x68: {  	[sflag:s15] =	ssyncadd.s32 $0xFFFFC000  }
.LBB2_9:
0x69: {  	_ =	sfence.sel $0x180000  }
0x6a: {  	[bflag:$0x0] =	sbarrier.arrive $0xFFFF  }
0x6b: {  	p0 =	sne.s32 s3, $0x0;
	_ =	strace $0x90000053  }
0x6c: {  	s0 =	sadd.s32 @!p0 $0x100000, s0;
	[bflag:$0x2] =	sbarrier.arrive $0xFFFF  }
0x6d: {  	[sflag:s0] =	ssyncadd.tile.s32 @!p0 $0x1;
	_ =	shalt  }
.Lfunc_end2:
_tile_overlayer_lowered:
.L_overlay_start_2:
0x6e: {  	(tag) =	ssettag $0x2  }
0x6f: {  	s0 =	rddreg [dreg:$0x0];
	s2 =	stileid.u32  }
0x70: {  	s1 =	rddreg [dreg:$0x1];
	p0 =	sne.s32 s2, $0x0  }
0x71: {  	s3 =	rddreg [dreg:$0x2];
	[bflag:$0x3] =	sbarrier.arrive $0xFFFF;
	s2 =	simm.s32 @!p0 $0x1C02  }
0x72: {  	[timem:s3], [sflag:s2] =	dma.local @!p0 [hbm:s0], s1  }
0x73: {  	s0 =	simm.s32 @!p0 $0x2  }
0x74: {  	_ =	swait.ge @!p0 [sflag:s0], s1  }
0x75: {  	s1 =	ssub.s32 @!p0 $0x0, s1;
	[sflag:s0] =	ssyncset.done @!p0 $0x0  }
0x76: {  	[sflag:s0] =	ssyncadd.s32 @!p0 s1  }
0x77: {  	[bflag:$0x3] =	sbarrier.arrive $0xFFFF  }
0x78: {  	_ =	shalt  }

// kernel: kernel.30.cloned.1.call-start
scs
__scs_entry_jumppad:
0x0: {  	(pc) =	sbr.rel $0x88, $3  }
0x1: {  	(tag) =	ssettag $0x0;
	lr =	simm.s32 $0x1  }
0x2: {  	[smem:$0x3F92] =	sst lr;
	_ =	strace $0xD0000000  }
0x3: {  	_ = 	snop  }
0x4: {  	_ = 	snop  }
0x5: {  	_ = 	snop  }
0x6: {  	_ = 	snop  }
0x7: {  	_ = 	snop  }
__scs_overlays_trampoline_lowered:
0x8: {  	[smem:$0x3FA1] =	sst s0  }
0x9: {  	[smem:$0x3FA2] =	sst s1  }
0xa: {  	[smem:$0x3FA3] =	sst s2  }
0xb: {  	[smem:$0x3FA4] =	sst s3  }
0xc: {  	[smem:$0x3FA5] =	sst s4  }
0xd: {  	[smem:$0x3FA6] =	sst s5  }
0xe: {  	[smem:$0x3FA7] =	sst s6  }
0xf: {  	[smem:$0x3FA8] =	sst s7  }
0x10: {  	[smem:$0x3FA9] =	sst s8  }
0x11: {  	[smem:$0x3FAA] =	sst s9;
	s0 =	simm.s32 @!p0 $0x0  }
0x12: {  	s1 =	sld [smem:$0x3F90];
	s0 =	simm.s32 @p0 $0x1  }
0x13: {  	[smem:$0x3FAB] =	sst s0;
	s0 =	simm.s32 @!p1 $0x0  }
0x14: {  	s2 =	sld [smem:$0x3F8F];
	s0 =	simm.s32 @p1 $0x1  }
0x15: {  	[smem:$0x3FAC] =	sst s0;
	s0 =	simm.s32 @!p2 $0x0  }
0x16: {  	s3 =	sld [smem:$0x3FDB];
	s0 =	simm.s32 @p2 $0x1  }
0x17: {  	s4 =	simm.s32 $0x1BF5;
	[smem:$0x3FAE] =	sst s0  }
0x18: {  	s0 =	sld [smem:$0x3F91];
	_ =	swait.ge [sflag:s4], $0x0  }
0x19: {  	s7 =	sld [smem:$0x3F92]  }
0x1a: {  	s8 =	sadd.s32 $0xFFFFE003, lr  }
0x1b: {  	s9 =	sadd.s32 $0xFFFFFEF7, lr;
	s5 =	simm.s32 $0xFFFFFFFF;
	p2 =	slt.u32 s8, $0xFFFFF086  }
0x1c: {  	p1 =	slt.u32 s9, $0xF7A;
	s5 =	simm.s32 @!p2 $0x0  }
0x1d: {  	s5 =	simm.s32 @p1 $0x1;
	p0 =	seq.s32 s7, s2  }
0x1e: {  	s7 =	smul.u32 @!p0 $0xF7A, s2;
	p2 =	seq.s32 @!p0 s5, $0x0  }
0x1f: {  	s9 =	smul.u32 $0xF7A, s1;
	s8 =	simm.s32 @!p0 $0x1BF5;
	p2 =	por !p2, p0  }
0x20: {  	[sflag:s8] =	ssyncset.s32 @!p0 $0xFFFFF086;
	s6 =	sadd.s32 @!p0 s3, s7;
	s7 =	simm.s32 @!p0 $0x108  }
0x21: {  	s3 =	sadd.s32 s3, s9;
	s6 =	sadd.s32 @!p0 $0x88, s6;
	s7 =	simm.s32 @p2 $0x1082  }
0x22: {  	[simem:s7], [sflag:s8] =	dma.local @!p0 [hbm:s6], $0xF7A  }
0x23: {  	s9 =	sor.u32 $0xD0000000, s2;
	s6 =	simm.s32 $0x108;
	_ =	swait.ge @!p0 [sflag:s8], $0x0  }
0x24: {  	s3 =	sadd.s32 $0x88, s3;
	s6 =	simm.s32 @!p1 $0x1082;
	[sflag:s4] =	ssyncset.s32 $0xFFFFF086  }
0x25: {  	[simem:s6], [sflag:s4] =	dma.local [hbm:s3], $0xF7A  }
0x26: {  	[smem:$0x3F92] =	sst s1;
	(tag) =	ssettag s2;
	_ =	strace s9  }
0x27: {  	s1 =	sld [smem:$0x3FA2]  }
0x28: {  	s2 =	sld [smem:$0x3FA3]  }
0x29: {  	s4 =	sld [smem:$0x3FA5]  }
0x2a: {  	p0 =	seq.s32 s5, $0x0;
	s5 =	sld [smem:$0x3FA6]  }
0x2b: {  	s6 =	sld [smem:$0x3FA7]  }
0x2c: {  	s7 =	sld [smem:$0x3FA8]  }
0x2d: {  	s3 =	simm.s32 $0x108;
	s8 =	sld [smem:$0x3FA9]  }
0x2e: {  	s3 =	simm.s32 @!p0 $0x1082;
	s9 =	sld [smem:$0x3FAA]  }
0x2f: {  	lr =	sadd.s32 s0, s3;
	s0 =	sld [smem:$0x3FA1]  }
0x30: {  	s3 =	sld [smem:$0x3FA4]  }
0x31: {  	[smem:$0x3FAD] =	sst s10  }
0x32: {  	s10 =	sld [smem:$0x3FAB];
	_ =	sdelay $0x3  }
0x33: {  	p0 =	seq.s32 s10, $0x1;
	s10 =	sld [smem:$0x3FAD];
	_ =	sdelay $0x3  }
0x34: {  	[smem:$0x3FAD] =	sst s10  }
0x35: {  	s10 =	sld [smem:$0x3FAC];
	_ =	sdelay $0x3  }
0x36: {  	p1 =	seq.s32 s10, $0x1;
	s10 =	sld [smem:$0x3FAD];
	_ =	sdelay $0x3  }
0x37: {  	[smem:$0x3FAD] =	sst s10  }
0x38: {  	s10 =	sld [smem:$0x3FAE]  }
0x39: {  	_ = 	snop;
	(pc) =	sbr.ind lr, $3  }
0x3a: {  	_ = 	snop  }
0x3b: {  	_ = 	snop  }
0x3c: {  	p2 =	seq.s32 s10, $0x1;
	s10 =	sld [smem:$0x3FAD]  }
0x3d: {  	_ =	shalt  }
0x3e: {  	_ =	shalt  }
0x3f: {  	_ =	shalt  }
0x40: {  	_ =	shalt  }
0x41: {  	_ =	shalt  }
0x42: {  	_ =	shalt  }
0x43: {  	_ =	shalt  }
0x44: {  	_ =	shalt  }
0x45: {  	_ =	shalt  }
0x46: {  	_ =	shalt  }
0x47: {  	_ =	shalt  }
0x48: {  	_ =	shalt  }
0x49: {  	_ =	shalt  }
0x4a: {  	_ =	shalt  }
0x4b: {  	_ =	shalt  }
0x4c: {  	_ =	shalt  }
0x4d: {  	_ =	shalt  }
0x4e: {  	_ =	shalt  }
0x4f: {  	_ =	shalt  }
0x50: {  	_ =	shalt  }
0x51: {  	_ =	shalt  }
0x52: {  	_ =	shalt  }
0x53: {  	_ =	shalt  }
0x54: {  	_ =	shalt  }
0x55: {  	_ =	shalt  }
0x56: {  	_ =	shalt  }
0x57: {  	_ =	shalt  }
0x58: {  	_ =	shalt  }
0x59: {  	_ =	shalt  }
0x5a: {  	_ =	shalt  }
0x5b: {  	_ =	shalt  }
0x5c: {  	_ =	shalt  }
0x5d: {  	_ =	shalt  }
0x5e: {  	_ =	shalt  }
0x5f: {  	_ =	shalt  }
0x60: {  	_ =	shalt  }
0x61: {  	_ =	shalt  }
0x62: {  	_ =	shalt  }
0x63: {  	_ =	shalt  }
0x64: {  	_ =	shalt  }
0x65: {  	_ =	shalt  }
0x66: {  	_ =	shalt  }
0x67: {  	_ =	shalt  }
0x68: {  	_ =	shalt  }
0x69: {  	_ =	shalt  }
0x6a: {  	_ =	shalt  }
0x6b: {  	_ =	shalt  }
0x6c: {  	_ =	shalt  }
0x6d: {  	_ =	shalt  }
0x6e: {  	_ =	shalt  }
0x6f: {  	_ =	shalt  }
0x70: {  	_ =	shalt  }
0x71: {  	_ =	shalt  }
0x72: {  	_ =	shalt  }
0x73: {  	_ =	shalt  }
0x74: {  	_ =	shalt  }
0x75: {  	_ =	shalt  }
0x76: {  	_ =	shalt  }
0x77: {  	_ =	shalt  }
0x78: {  	_ =	shalt  }
0x79: {  	_ =	shalt  }
0x7a: {  	_ =	shalt  }
0x7b: {  	_ =	shalt  }
0x7c: {  	_ =	shalt  }
0x7d: {  	_ =	shalt  }
0x7e: {  	_ =	shalt  }
0x7f: {  	_ =	shalt  }
0x80: {  	_ =	shalt  }
0x81: {  	_ =	shalt  }
0x82: {  	_ =	shalt  }
0x83: {  	_ =	shalt  }
0x84: {  	_ =	shalt  }
0x85: {  	_ =	shalt  }
0x86: {  	_ =	shalt  }
0x87: {  	_ =	shalt  }
.Lfunc_end0:
.L_simem_size_0:
called_computation.5_lowered:
.L_overlay_start_0:
0x88: {  	s2 =	sld [smem:$0x3FD9]  }
0x89: {  	s3 =	sld [smem:$0x3FFE];
	_ =	sdelay $0x1  }
0x8a: {  	s1 =	srdreg.scid  }
0x8b: {  	s0 =	sand.u32 $0x1, s1  }
0x8c: {  	s16 =	sshll.u32 s0, $0xA;
	s2 =	sadd.s32 s3, s2  }
0x8d: {  	s2 =	sadd.s32 s2, s16  }
0x8e: {  	[smem:$0x3FB9] =	sst s2  }
0x8f: {  	_ = 	snop  }
0x90: {  	(tm) =	ssettm $0x1  }
0x91: {  	s17 =	sld [smem:$0x3FFB];
	_ =	sdelay $0x3  }
0x92: {  	_ =	strace s17  }
0x93: {  	s2 =	sld [smem:$0x3FFC];
	_ =	sdelay $0x3  }
0x94: {  	_ =	strace s2  }
0x95: {  	s2 =	sld [smem:$0x3FFD];
	_ =	sdelay $0x3  }
0x96: {  	_ =	strace s2  }
0x97: {  	_ =	strace $0x8FFFFFFF  }
0x98: {  	s18 =	sld [smem:$0x3FDB];
	_ =	sdelay $0x1  }
0x99: {  	s19 =	simm.s32 $_scs_section_size  }
0x9a: {  	s4 =	simm.s32 $_size__tile_overlayer_lowered;
	s5 =	simm.s32 $_tile_overlayer_lowered  }
0x9b: {  	s22 =	simm.s32 $0x1BFF;
	s21 =	sshll.u32 s5, $0x1;
	s2 =	sadd.s32 s19, s18  }
0x9c: {  	s6 =	simm.s32 $0x0;
	s20 =	sshll.u32 s4, $0x1;
	s4 =	sadd.s32 s21, s2  }
0x9d: {  	[timem:s6], [sflag:s22] =	dma.local [hbm:s4], s20  }
0x9e: {  	_ =	swait.ge [sflag:s22], s20  }
0x9f: {  	s3 =	ssub.s32 $0x0, s20;
	[sflag:s22] =	ssyncset.done $0x0  }
0xa0: {  	[sflag:s22] =	ssyncadd.s32 s3;
	_ =	sdelay $0x1  }
0xa1: {  	s23 =	simm.s32 $0x1B8B  }
0xa2: {  	_ =	swait.ge [sflag:s23], $0x1  }
0xa3: {  	[sflag:s23] =	ssyncset.done $0x0  }
0xa4: {  	s25 =	simm.s32 $0x1B8E;
	s24 =	sld [smem:$0x3FFE];
	[sflag:s23] =	ssyncadd.s32 $0xFFFFFFFF  }
0xa5: {  	s26 =	simm.s32 $execute0_lowered;
	[smem:$0x3FD2] =	sst s25  }
0xa6: {  	s4 =	sshll.u32 s26, $0x1;
	_ =	strace $0x80000055;
	[dreg:$0x1] =	wrdreg $0xFFFFFFFF  }
0xa7: {  	s28 =	simm.s32 $_size_execute0_lowered;
	s2 =	sadd.s32 s2, s4;
	[dreg:$0x0] =	wrdreg $0x0  }
0xa8: {  	s4 =	sshll.u32 s28, $0x1;
	[dreg:$0x2] =	wrdreg s2  }
0xa9: {  	[dreg:$0x3] =	wrdreg s4  }
0xaa: {  	[dreg:$0x4] =	wrdreg $0xC0  }
0xab: {  	_ =	task [dreg:s6], $0x5FFFF  }
0xac: {  	[dreg:$0x1] =	wrdreg $0xFFFFFFFF  }
0xad: {  	[dreg:$0x0] =	wrdreg $0x60  }
0xae: {  	[dreg:$0x2] =	wrdreg s24  }
0xaf: {  	[dreg:$0x3] =	wrdreg $0xC0000  }
0xb0: {  	[dreg:$0x4] =	wrdreg $0x9  }
0xb1: {  	_ =	task.clear_ibuf [dreg:s6], $0x5FFFF;
	_ =	strace $0x90000055  }
0xb2: {  	s29 =	simm.s32 $0x9;
	_ =	strace $0x80000057  }
0xb3: {  	_ =	swait.ge [sflag:s29], $0x1  }
0xb4: {  	[sflag:s29] =	ssyncadd.s32 $0xFFFFFFFF  }
0xb5: {  	_ =	strace $0x90000057  }
0xb6: {  	_ =	sfence  }
0xb7: {  	s30 =	sld [smem:$0x0];
	_ =	sdelay $0x2  }
0xb8: {  	s31 =	sshll.u32 s1, $0xD;
	s1 =	sshrl.u32 s1, $0x2  }
0xb9: {  	s3 =	sand.u32 $0x4000, s31;
	s1 =	sadd.s32 s1, s30  }
0xba: {  	s0 =	sor.u32 s3, s0;
	s1 =	sshll.u32 s1, $0x11  }
0xbb: {  	s0 =	sor.u32 s1, s0  }
0xbc: {  	s0 =	sadd.s32 $0x8F2B, s0  }
0xbd: {  	[sflag:s0] =	ssyncadd.remote.s32 $0x1  }
0xbe: {  	_ =	sfence.sel $0xFFFF  }
0xbf: {  	[dreg:$0x0] =	wrdreg $0xFFFFFFFF;
	(pc) =	sbr.abs _section_cstart, $3  }
0xc0: {  	[dreg:$0x1] =	wrdreg $0xFFFFFFFF  }
0xc1: {  	_ =	task.clear_ibuf [dreg:s6], $0x2FFFF;
	_ =	strace $0x9FFFFFFF  }
0xc2: {  	(tm) =	ssettm $0x7FFFFFFF  }
0xc3: {  	_ =	shalt  }
tec
execute0_lowered:
.L_overlay_start_1:
0x0: {  	(tag) =	ssettag $0x1  }
0x1: {  	s5 =	rddreg [dreg:$0x0]  }
0x2: {  	s1 =	rddreg [dreg:$0x1]  }
0x3: {  	s0 =	rddreg [dreg:$0x2]  }
0x4: {  	s2 =	simm.s32 $0x0;
	s3 =	srdreg.scid;
	s17 =	simm.s32 $0x80  }
0x5: {  	s18 =	simm.s32 $0x8000;
	[smem:$0x7FF] =	sst s2;
	s13 =	sand.u32 $0x1, s3  }
0x6: {  	s19 =	simm.s32 $0x1;
	s3 =	stileid.u32;
	s6 =	smul.u32 $0x13C000, s13  }
0x7: {  	s4 =	sadd.s32 $0x36600, s5;
	_ =	strace $0x80000056;
	s9 =	smul.u32 $0x13C00, s3  }
0x8: {  	s7 =	sshll.u32 s3, $0xB;
	s8 =	sshll.u32 s3, $0x9;
	s28 =	smul.u32 $0x2780, s3  }
0x9: {  	s29 =	ssub.s32 $0x2, s13;
	s11 =	smul.u32 $0x4F000, s3;
	s31 =	sshll.u32 s3, $0x6  }
0xa: {  	p0 =	seq.s32 s13, $0x0;
	s10 =	sadd.s32 s7, s5;
	s26 =	sadd.s32 s8, s5  }
0xb: {  	s14 =	sshrl.u32 s29, $0x1;
	s13 =	sor.u32 $0x1C02, s31;
	s6 =	sadd.s32 s9, s6  }
0xc: {  	s12 =	sadd.s32 s28, s5;
	s14 =	ssub.s32 s29, s14;
	s30 =	sshrl.u32 s11, $0x2  }
.Ltmp0:
0xd: {  	s7 =	sadd.s32 $0x85E00, s26;
	s8 =	sadd.s32 s4, s28;
	(pc) =	sbr.rel .LBB2_1-.Ltmp0, $4  }
0xe: {  	s9 =	sadd.s32 $0x91E00, s10;
	s10 =	sadd.s32 $0x89E00, s10;
	s6 =	sshrl.u32 s6, $0x3  }
0xf: {  	s16 =	sadd.s32 s30, s1;
	s15 =	sadd.s32 s6, s5;
	s5 =	sadd.s32 $0xEE00, s12  }
0x10: {  	s6 =	sadd.s32 $0x87E00, s26;
	s12 =	smax.u32 s14, $0x1;
	s14 =	sshrl.u32 s16, $0x3  }
0x11: {  	s16 =	simm.s32 $0x4000;
	s11 =	sadd.s32 $0x99E00, s15;
	s15 =	simm.s32 $0x2  }
.LBB2_7:
0x12: {  	s20 =	sshra.s32 s20, $0x2;
	[sflag:s15] =	ssyncadd.s32 $0xFFFFC000  }
0x13: {  	[tilespmem:s18], [sflag:$0x1] =	stream.indirect.gather [hbm4b:s4+s17], $0x80, s20, s17, $0xb8;
	[tilespmem:$0x1FC00] =	vst v63  }
0x14: {  	_ =	swait.ge [sflag:s19], $0x4000  }
0x15: {  	[sflag:s19] =	ssyncset.done $0x0  }
0x16: {  	s20 =	sadd.s32 $0x4000, s20;
	[sflag:s19] =	ssyncadd.s32 $0xFFFFC000  }
0x17: {  	[spmem:s1] =	stream.indirect.scatter.add.f32 [tilespmem:s18], [sflag:$0x2], $0x80, s20, s17, $0xb8;
	[tilespmem:$0x1FC00] =	vst v63  }
0x18: {  	_ =	swait.ge [sflag:s15], $0x4000  }
0x19: {  	[sflag:s15] =	ssyncset.done $0x0  }
0x1a: {  	[sflag:s15] =	ssyncadd.s32 $0xFFFFC000  }
.LBB2_8:
0x1b: {  	s2 =	sadd.s32 $0x1, s2  }
0x1c: {  	p1 =	sne.s32 s2, s12  }
.Ltmp1:
0x1d: {  	[bflag:$0x0] =	sbarrier.arrive $0xFFFF;
	(pc) =	sbr.rel @!p1 .LBB2_9-.Ltmp1, $4  }
0x1e: {  	[hbm:s11], [sflag:s13] =	dma.local [spmem:s14], $0x2780  }
0x1f: {  	_ =	swait.ge [sflag:s15], $0x2780  }
0x20: {  	[sflag:s15] =	ssyncset.done $0x0  }
0x21: {  	[sflag:s15] =	ssyncadd.s32 $0xFFFFD880  }
.LBB2_1:
.Ltmp2:
0x22: {  	(pc) =	sbr.rel @!p0 .LBB2_2-.Ltmp2, $1  }
0x23: {  	_ =	sdelay $0x3  }
0x24: {  	[spmem:s14], [sflag:s13] =	dma.local [hbm:s8], $0x2780  }
0x25: {  	_ =	swait.ge [sflag:s15], $0x2780  }
0x26: {  	[sflag:s15] =	ssyncset.done $0x0  }
0x27: {  	s20 =	simm.s32 $0x0;
	[sflag:s15] =	ssyncadd.s32 $0xFFFFD880  }
0x28: {  	[tilespmem:s20], [sflag:$0x2] =	stream.linear.gather [hbm4b:s9+s20], $0x4000, $0x38;
	[tilespmem:$0x1FC00] =	vst v63  }
0x29: {  	_ =	swait.ge [sflag:s15], $0x4000  }
0x2a: {  	[sflag:s15] =	ssyncset.done $0x0  }
0x2b: {  	[sflag:s15] =	ssyncadd.s32 $0xFFFFC000  }
0x2c: {  	[tilespmem:s16], [sflag:$0x2] =	stream.linear.gather [hbm4b:s10+s20], $0x4000, $0x38;
	[tilespmem:$0x1FC00] =	vst v63  }
0x2d: {  	_ =	swait.ge [sflag:s15], $0x4000  }
0x2e: {  	[sflag:s15] =	ssyncset.done $0x0  }
0x2f: {  	[sflag:s15] =	ssyncadd.s32 $0xFFFFC000  }
0x30: {  	s30 =	simm.s32 $0x0;
	[bflag:$0x0] =	sbarrier.arrive $0xFFFF  }
0x31: {  	[tilespmem:s18], [sflag:$0x1] =	stream.indirect.gather [hbm4b:s4+s17], $0x80, s30, s17, $0xb8;
	[tilespmem:$0x1FC00] =	vst v63  }
0x32: {  	_ =	swait.ge [sflag:s19], $0x4000  }
0x33: {  	[sflag:s19] =	ssyncset.done $0x0  }
0x34: {  	s31 =	simm.s32 $0x4000;
	[sflag:s19] =	ssyncadd.s32 $0xFFFFC000  }
0x35: {  	[spmem:s1] =	stream.indirect.scatter.add.f32 [tilespmem:s18], [sflag:$0x2], $0x80, s31, s17, $0xb8;
	[tilespmem:$0x1FC00] =	vst v63  }
0x36: {  	_ =	swait.ge [sflag:s15], $0x4000  }
0x37: {  	s21 =	simm.s32 $0x400;
	s20 =	simm.s32 $0x200;
	[sflag:s15] =	ssyncset.done $0x0  }
.LBB2_6:
0x38: {  	s22 =	sshra.s32 s20, $0x2  }
0x39: {  	[sflag:s15] =	ssyncadd.s32 $0xFFFFC000;
	s20 =	smov.u32 s21;
	s23 =	sadd.s32 $0x200, s21  }
0x3a: {  	[tilespmem:s18], [sflag:$0x1] =	stream.indirect.gather [hbm4b:s4+s17], $0x80, s22, s17, $0xb8;
	[tilespmem:$0x1FC00] =	vst v63  }
0x3b: {  	p1 =	seq.s32 s21, $0xFE00;
	_ =	swait.ge [sflag:s19], $0x4000  }
.Ltmp3:
0x3c: {  	[sflag:s19] =	ssyncset.done $0x0;
	(pc) =	sbr.rel @!p1 .LBB2_6-.Ltmp3, $4  }
0x3d: {  	s21 =	sadd.s32 $0x4000, s22;
	[sflag:s19] =	ssyncadd.s32 $0xFFFFC000  }
0x3e: {  	[spmem:s1] =	stream.indirect.scatter.add.f32 [tilespmem:s18], [sflag:$0x2], $0x80, s21, s17, $0xb8;
	[tilespmem:$0x1FC00] =	vst v63  }
0x3f: {  	_ =	swait.ge [sflag:s15], $0x4000  }
0x40: {  	s21 =	smov.u32 s23;
	[sflag:s15] =	ssyncset.done $0x0  }
.Ltmp4:
0x41: {  	_ = 	snop;
	(pc) =	sbr.rel .LBB2_7-.Ltmp4, $1  }
0x42: {  	_ =	sdelay $0x3  }
.LBB2_2:
0x43: {  	[spmem:s14], [sflag:s13] =	dma.local [hbm:s5], $0x2780  }
0x44: {  	_ =	swait.ge [sflag:s15], $0x2780  }
0x45: {  	[sflag:s15] =	ssyncset.done $0x0  }
0x46: {  	s20 =	simm.s32 $0x0;
	[sflag:s15] =	ssyncadd.s32 $0xFFFFD880  }
0x47: {  	[tilespmem:s20], [sflag:$0x2] =	stream.linear.gather [hbm4b:s6+s20], $0x1000, $0x38;
	[tilespmem:$0x1FC00] =	vst v63  }
0x48: {  	_ =	swait.ge [sflag:s15], $0x1000  }
0x49: {  	[sflag:s15] =	ssyncset.done $0x0  }
0x4a: {  	[sflag:s15] =	ssyncadd.s32 $0xFFFFF000  }
0x4b: {  	[tilespmem:s16], [sflag:$0x2] =	stream.linear.gather [hbm4b:s7+s20], $0x1000, $0x38;
	[tilespmem:$0x1FC00] =	vst v63  }
0x4c: {  	_ =	swait.ge [sflag:s15], $0x1000  }
0x4d: {  	[sflag:s15] =	ssyncset.done $0x0  }
0x4e: {  	[sflag:s15] =	ssyncadd.s32 $0xFFFFF000  }
0x4f: {  	s30 =	simm.s32 $0x0;
	[bflag:$0x0] =	sbarrier.arrive $0xFFFF  }
0x50: {  	[tilespmem:s18], [sflag:$0x1] =	stream.indirect.gather [hbm4b:s4+s17], $0x80, s30, s17, $0xb8;
	[tilespmem:$0x1FC00] =	vst v63  }
0x51: {  	_ =	swait.ge [sflag:s19], $0x4000  }
0x52: {  	[sflag:s19] =	ssyncset.done $0x0  }
0x53: {  	s31 =	simm.s32 $0x4000;
	[sflag:s19] =	ssyncadd.s32 $0xFFFFC000  }
0x54: {  	[spmem:s1] =	stream.indirect.scatter.add.f32 [tilespmem:s18], [sflag:$0x2], $0x80, s31, s17, $0xb8;
	[tilespmem:$0x1FC00] =	vst v63  }
0x55: {  	_ =	swait.ge [sflag:s15], $0x4000  }
0x56: {  	s21 =	simm.s32 $0x400;
	s20 =	simm.s32 $0x200;
	[sflag:s15] =	ssyncset.done $0x0  }
.LBB2_3:
0x57: {  	s22 =	sshra.s32 s20, $0x2  }
0x58: {  	[sflag:s15] =	ssyncadd.s32 $0xFFFFC000;
	s20 =	smov.u32 s21;
	s23 =	sadd.s32 $0x200, s21  }
0x59: {  	[tilespmem:s18], [sflag:$0x1] =	stream.indirect.gather [hbm4b:s4+s17], $0x80, s22, s17, $0xb8;
	[tilespmem:$0x1FC00] =	vst v63  }
0x5a: {  	p1 =	sne.s32 s21, $0x3E00;
	_ =	swait.ge [sflag:s19], $0x4000  }
.Ltmp5:
0x5b: {  	[sflag:s19] =	ssyncset.done $0x0;
	(pc) =	sbr.rel @p1 .LBB2_3-.Ltmp5, $4  }
0x5c: {  	s21 =	sadd.s32 $0x4000, s22;
	[sflag:s19] =	ssyncadd.s32 $0xFFFFC000  }
0x5d: {  	[spmem:s1] =	stream.indirect.scatter.add.f32 [tilespmem:s18], [sflag:$0x2], $0x80, s21, s17, $0xb8;
	[tilespmem:$0x1FC00] =	vst v63  }
0x5e: {  	_ =	swait.ge [sflag:s15], $0x4000  }
0x5f: {  	s21 =	smov.u32 s23;
	[sflag:s15] =	ssyncset.done $0x0  }
0x60: {  	s20 =	sshra.s32 s20, $0x2;
	[sflag:s15] =	ssyncadd.s32 $0xFFFFC000  }
0x61: {  	[tilespmem:s18], [sflag:$0x1] =	stream.indirect.gather [hbm4b:s4+s17], $0x80, s20, s17, $0xb8;
	[tilespmem:$0x1FC00] =	vst v63  }
0x62: {  	_ =	swait.ge [sflag:s19], $0x4000  }
0x63: {  	[sflag:s19] =	ssyncset.done $0x0  }
.Ltmp6:
0x64: {  	s20 =	sadd.s32 $0x4000, s20;
	[sflag:s19] =	ssyncadd.s32 $0xFFFFC000;
	(pc) =	sbr.rel .LBB2_8-.Ltmp6, $4  }
0x65: {  	[spmem:s1] =	stream.indirect.scatter.add.f32 [tilespmem:s18], [sflag:$0x2], $0x80, s20, s17, $0xb8;
	[tilespmem:$0x1FC00] =	vst v63  }
0x66: {  	_ =	swait.ge [sflag:s15], $0x4000  }
0x67: {  	[sflag:s15] =	ssyncset.done $0x0  }
0x68: {  	[sflag:s15] =	ssyncadd.s32 $0xFFFFC000  }
.LBB2_9:
0x69: {  	_ =	sfence.sel $0x180000  }
0x6a: {  	[bflag:$0x0] =	sbarrier.arrive $0xFFFF  }
0x6b: {  	p0 =	sne.s32 s3, $0x0;
	_ =	strace $0x90000056  }
0x6c: {  	s0 =	sadd.s32 @!p0 $0x100000, s0;
	[bflag:$0x2] =	sbarrier.arrive $0xFFFF  }
0x6d: {  	[sflag:s0] =	ssyncadd.tile.s32 @!p0 $0x1;
	_ =	shalt  }
.Lfunc_end2:
_tile_overlayer_lowered:
.L_overlay_start_2:
0x6e: {  	(tag) =	ssettag $0x2  }
0x6f: {  	s0 =	rddreg [dreg:$0x0];
	s2 =	stileid.u32  }
0x70: {  	s1 =	rddreg [dreg:$0x1];
	p0 =	sne.s32 s2, $0x0  }
0x71: {  	s3 =	rddreg [dreg:$0x2];
	[bflag:$0x3] =	sbarrier.arrive $0xFFFF;
	s2 =	simm.s32 @!p0 $0x1C02  }
0x72: {  	[timem:s3], [sflag:s2] =	dma.local @!p0 [hbm:s0], s1  }
0x73: {  	s0 =	simm.s32 @!p0 $0x2  }
0x74: {  	_ =	swait.ge @!p0 [sflag:s0], s1  }
0x75: {  	s1 =	ssub.s32 @!p0 $0x0, s1;
	[sflag:s0] =	ssyncset.done @!p0 $0x0  }
0x76: {  	[sflag:s0] =	ssyncadd.s32 @!p0 s1  }
0x77: {  	[bflag:$0x3] =	sbarrier.arrive $0xFFFF  }
0x78: {  	_ =	shalt  }

</sc_bundles>
